<compile_context>
chip_gen: v7x
topology: tpu7x:2x2x1
jax: 0.10.2.dev20260603
libtpu: 0.0.44.dev20260713+nightly
codegen_flags: <defaults>
</compile_context>

<pallas_src>
import functools

import jax
import jax.numpy as jnp
from jax import lax
from jax.experimental import pallas as pl
from jax.experimental.pallas import tpu as pltpu
from jax.experimental.pallas import tpu_sc as plsc

S = 2048
SENT = 4 * S * S
_A = 6378137.0
_E2 = 6.69437999014e-3

_LANES = 1024
_RBLK = 8

NT = 32
NB = 512
BSZ = SENT // NB
VSHIFT = 15
NPAD = 1007616
PPT = NPAD // NT
CH = 3936
NCH = PPT // CH
CH3 = 4096
CNTW = 8320
LROWS = 2482
MG = 1273888
GROWS = MG // 16
PIX_SENT = 32768


def _transform_body(scal_ref, pts_ref, key_ref, int_ref, *, n_valid, rows_per_blk):
    lat = pts_ref[0]
    lon = pts_ref[1]
    alt = pts_ref[2]

    x0 = scal_ref[0]
    y0 = scal_ref[1]
    z0 = scal_ref[2]
    neg_so = scal_ref[3]
    co = scal_ref[4]
    neg_sl_co = scal_ref[5]
    sl_so = scal_ref[6]
    cl = scal_ref[7]
    cl_co = scal_ref[8]
    cl_so = scal_ref[9]
    sl = scal_ref[10]
    r00 = scal_ref[11]
    r01 = scal_ref[12]
    r02 = scal_ref[13]
    r10 = scal_ref[14]
    r11 = scal_ref[15]
    r12 = scal_ref[16]
    r20 = scal_ref[17]
    r21 = scal_ref[18]
    r22 = scal_ref[19]

    latr = jnp.deg2rad(lat)
    lonr = jnp.deg2rad(lon)
    s = jnp.sin(latr)
    c = jnp.cos(latr)
    Nv = _A * lax.rsqrt(1.0 - _E2 * s * s)
    X = (Nv + alt) * c * jnp.cos(lonr)
    Y = (Nv + alt) * c * jnp.sin(lonr)
    Z = (Nv * (1.0 - _E2) + alt) * s

    dx = X - x0
    dy = Y - y0
    dz = Z - z0
    e = neg_so * dx + co * dy
    n = neg_sl_co * dx - sl_so * dy + cl * dz
    u = cl_co * dx + cl_so * dy + sl * dz

    x = r00 * e + r01 * n + r02 * u
    y = r10 * e + r11 * n + r12 * u
    z = r20 * e + r21 * n + r22 * u

    ax = jnp.abs(x)
    ay = jnp.abs(y)
    az = jnp.abs(z)
    m_front = (z > 0) & (z > ax) & (z > ay)
    m_back = (z < 0) & (-z > ax) & (-z > ay)
    m_right = (x > 0) & (x > az) & (x > ay)
    m_left = (x < 0) & (-x > az) & (-x > ay)

    f = S / 2.0

    def cam2key(px_x, px_y, px_z):
        z_safe = jnp.where(jnp.abs(px_z) > 1e-9, px_z, 1.0)
        pu = f * px_x / z_safe + f
        pv = f * px_y / z_safe + f
        iu = jnp.clip(jnp.floor(pu), 0, S - 1).astype(jnp.int32)
        iv = jnp.clip(jnp.floor(pv), 0, S - 1).astype(jnp.int32)
        return iu * S + iv

    kf = cam2key(x, y, z)
    kb = cam2key(x, -y, z)
    kr = cam2key(-z, y, x)
    kl = cam2key(z, y, -x)

    key = jnp.where(
        m_front, kf,
        jnp.where(m_back, S * S + kb,
                  jnp.where(m_left, 2 * S * S + kl,
                            jnp.where(m_right, 3 * S * S + kr, SENT))))

    pid = pl.program_id(0)
    row = lax.broadcasted_iota(jnp.int32, (rows_per_blk, _LANES), 0)
    col = lax.broadcasted_iota(jnp.int32, (rows_per_blk, _LANES), 1)
    gidx = (pid * rows_per_blk + row) * _LANES + col
    key_ref[...] = jnp.where(gidx < n_valid, key, SENT)
    int_ref[...] = pts_ref[3]


def _compute_keys(points, cam_params):
    n = points.shape[0]
    rows = NPAD // _LANES
    grid = rows // _RBLK

    pts_t = jnp.transpose(points)
    pts_t = jnp.pad(pts_t, ((0, 0), (0, NPAD - n)))
    pts_t = pts_t.reshape(4, rows, _LANES)

    lat0, lon0, alt0 = cam_params[0], cam_params[1], cam_params[2]
    latr0 = jnp.deg2rad(lat0)
    lonr0 = jnp.deg2rad(lon0)
    sl = jnp.sin(latr0)
    cl = jnp.cos(latr0)
    so = jnp.sin(lonr0)
    co = jnp.cos(lonr0)
    Nv0 = _A / jnp.sqrt(1.0 - _E2 * sl * sl)
    x0 = (Nv0 + alt0) * cl * jnp.cos(lonr0)
    y0 = (Nv0 + alt0) * cl * jnp.sin(lonr0)
    z0 = (Nv0 * (1.0 - _E2) + alt0) * sl

    qs = -cam_params[3]
    qx = cam_params[4]
    qy = cam_params[5]
    qz = cam_params[6]
    nrm = jnp.sqrt(qs * qs + qx * qx + qy * qy + qz * qz) + 1e-12
    qs, qx, qy, qz = qs / nrm, qx / nrm, qy / nrm, qz / nrm
    r00 = 1 - 2 * (qy * qy + qz * qz)
    r01 = 2 * (qx * qy - qz * qs)
    r02 = 2 * (qx * qz + qy * qs)
    r10 = 2 * (qx * qy + qz * qs)
    r11 = 1 - 2 * (qx * qx + qz * qz)
    r12 = 2 * (qy * qz - qx * qs)
    r20 = 2 * (qx * qz - qy * qs)
    r21 = 2 * (qy * qz + qx * qs)
    r22 = 1 - 2 * (qx * qx + qy * qy)

    scal = jnp.stack([
        x0, y0, z0, -so, co, -sl * co, sl * so, cl, cl * co, cl * so, sl,
        r00, r01, r02, r10, r11, r12, r20, r21, r22,
    ]).astype(jnp.float32)

    keys, inten = pl.pallas_call(
        functools.partial(_transform_body, n_valid=n, rows_per_blk=_RBLK),
        grid=(grid,),
        in_specs=[
            pl.BlockSpec(memory_space=pltpu.SMEM),
            pl.BlockSpec((4, _RBLK, _LANES), lambda i: (0, i, 0)),
        ],
        out_specs=[pl.BlockSpec((_RBLK, _LANES), lambda i: (i, 0)),
                   pl.BlockSpec((_RBLK, _LANES), lambda i: (i, 0))],
        out_shape=[jax.ShapeDtypeStruct((rows, _LANES), jnp.int32),
                   jax.ShapeDtypeStruct((rows, _LANES), jnp.float32)],
    )(scal, pts_t)
    return keys.reshape(-1), inten.reshape(-1)


def _wid():
    return lax.axis_index("s") * 2 + lax.axis_index("c")


_IOTA = lambda: lax.broadcasted_iota(jnp.int32, (16,), 0)


def _sc_count_body(keys_hbm, tb_hbm, cnt3_hbm, cnt3_v, tbrow_v, keybuf):
    w = _wid()
    iota = _IOTA()

    def zero_body(i, _):
        cnt3_v[pl.ds(i * 16, 16)] = jnp.zeros((16,), jnp.int32)
        return 0
    lax.fori_loop(0, CNTW // 16, zero_body, 0)

    def chunk_body(c, _):
        pltpu.sync_copy(keys_hbm.at[pl.ds(w * PPT + c * CH, CH)], keybuf)

        def vec_body(i, _):
            k = keybuf[pl.ds(i * 16, 16)]
            b = lax.shift_right_logical(k, VSHIFT)
            cidx = iota * 513 + b
            cv = plsc.load_gather(cnt3_v, [cidx])
            plsc.store_scatter(cnt3_v, [cidx], cv + 1)
            return 0
        lax.fori_loop(0, CH // 16, vec_body, 0)
        return 0
    lax.fori_loop(0, NCH, chunk_body, 0)

    def tb_body(bc, _):
        acc = jnp.zeros((16,), jnp.int32)
        for l in range(16):
            acc = acc + cnt3_v[pl.ds(l * 513 + bc * 16, 16)]
        tbrow_v[pl.ds(bc * 16, 16)] = acc
        return 0
    lax.fori_loop(0, NB // 16, tb_body, 0)

    pltpu.sync_copy(tbrow_v, tb_hbm.at[pl.ds(w * NB, NB)])
    pltpu.sync_copy(cnt3_v, cnt3_hbm.at[pl.ds(w * CNTW, CNTW)])


def _sc_place_body(keys_hbm, inten_hbm, tb_hbm,
                   bpix_hbm, bint_hbm,
                   tb_v, cnt1_v, pix_v, intl_v, rowb_v, rowidx_v, shift_v,
                   keybuf, intbuf, s16_v, sem):
    w = _wid()
    iota = _IOTA()
    pltpu.sync_copy(tb_hbm, tb_v)

    def zero_rowb(i, _):
        rowb_v[pl.ds(i * 16, 16)] = jnp.zeros((16,), jnp.int32)
        return 0
    lax.fori_loop(0, 2560 // 16, zero_rowb, 0)

    lane0 = _IOTA() == 0

    def base_body(b, carry):
        g_run, lb_run = carry
        tot = jnp.max(plsc.load_gather(tb_v, [jnp.full((16,), w * NB + b,
                                                       jnp.int32)]))
        plsc.store_scatter(cnt1_v, [jnp.full((16,), b, jnp.int32)],
                           jnp.full((16,), lb_run, jnp.int32), mask=lane0)
        c1 = plsc.load_gather(tb_v, [iota * NB + b])
        c2 = plsc.load_gather(tb_v, [(iota + 16) * NB + b])
        p1 = (c1 + 15) & -16
        p2 = (c2 + 15) & -16
        zero = jnp.zeros((16,), jnp.int32)
        cross = (jnp.sum(jnp.where(iota < w, p1, zero)) +
                 jnp.sum(jnp.where(iota < w - 16, p2, zero)))
        rstart = lax.shift_right_logical(lb_run, 4)
        plsc.store_scatter(rowb_v, [jnp.full((16,), rstart, jnp.int32)],
                           jnp.full((16,), b, jnp.int32), mask=lane0)
        shift = lax.shift_right_logical((g_run + cross) - lb_run, 4)
        plsc.store_scatter(shift_v, [jnp.full((16,), b, jnp.int32)],
                           jnp.full((16,), shift, jnp.int32), mask=lane0)
        g_next = g_run + (jnp.sum(p1) + jnp.sum(p2))
        lb_next = lb_run + ((tot + 15) & -16)
        return (g_next, lb_next)
    _, lb_total = lax.fori_loop(0, NB, base_body,
                                (jnp.int32(0), jnp.int32(0)))

    def fill_body(r, _):
        plsc.store_scatter(pix_v, [jnp.full((16,), r, jnp.int32), iota],
                           jnp.full((16,), PIX_SENT, jnp.int32))
        return 0
    lax.fori_loop(0, LROWS, fill_body, 0)

    def chunk_body(c, _):
        off = w * PPT + c * CH
        pltpu.sync_copy(keys_hbm.at[pl.ds(off, CH)], keybuf)
        pltpu.sync_copy(inten_hbm.at[pl.ds(off, CH)], intbuf)

        def vec_body(i, _):
            k = keybuf[pl.ds(i * 16, 16)]
            b = lax.shift_right_logical(k, VSHIFT)
            valid = b < NB
            ck = b * 16 + iota
            sk, perm = plsc.sort_key_val(ck, iota)
            bs = lax.shift_right_logical(sk, 4)
            prev = bs.at[jnp.maximum(iota - 1, 0)].get(
                mode="promise_in_bounds")
            nxt = bs.at[jnp.minimum(iota + 1, 15)].get(
                mode="promise_in_bounds")
            zero = jnp.zeros((16,), jnp.int32)
            neq0 = (iota == 0) | (bs != prev)
            startpos = plsc.cummax(jnp.where(neq0, iota, zero))
            crank = iota - startpos
            cv = plsc.load_gather(cnt1_v, [bs])
            slot_sorted = cv + crank
            islast = (iota == 15) | (bs != nxt)
            plsc.store_scatter(cnt1_v, [bs], slot_sorted + 1, mask=islast)
            pix_s = (k & (BSZ - 1)).at[perm].get(mode="promise_in_bounds")
            int_s = intbuf[pl.ds(i * 16, 16)].at[perm].get(
                mode="promise_in_bounds")
            valid_s = sk < NB * 16
            r = jnp.where(valid_s, lax.shift_right_logical(slot_sorted, 4), 0)
            col = jnp.where(valid_s, slot_sorted & 15, 0)
            plsc.store_scatter(pix_v, [r, col], pix_s, mask=valid_s)
            plsc.store_scatter(intl_v, [r, col], int_s, mask=valid_s)
            return 0
        lax.fori_loop(0, CH // 16, vec_body, 0)
        return 0
    lax.fori_loop(0, NCH, chunk_body, 0)

    used_rows = lax.shift_right_logical(lb_total, 4)

    def row_body(i, carry):
        rb = rowb_v[pl.ds(i * 16, 16)]
        cm = jnp.maximum(plsc.cummax(rb), jnp.full((16,), carry, jnp.int32))
        sh = plsc.load_gather(shift_v, [cm])
        lrow = i * 16 + iota
        gr = jnp.where(lrow < used_rows, lrow + sh, GROWS - 1)
        rowidx_v[pl.ds(i * 16, 16)] = gr
        return jnp.max(cm)
    lax.fori_loop(0, (LROWS + 15) // 16, row_body, jnp.int32(0))

    c1 = pltpu.async_copy(pix_v, bpix_hbm.at[rowidx_v], sem)
    c2 = pltpu.async_copy(intl_v, bint_hbm.at[rowidx_v], sem)
    c1.wait()
    c2.wait()


def _sc_emit_body(bpix_hbm, bint_hbm, tb_hbm, out_hbm,
                  tb_v, idxreg, valreg, pixbuf, intbuf,
                  start_smem, cnt_smem):
    w = _wid()
    iota = _IOTA()
    pltpu.sync_copy(tb_hbm, tb_v)

    def pref_body(b, g_run):
        c1 = plsc.load_gather(tb_v, [iota * NB + b])
        c2 = plsc.load_gather(tb_v, [(iota + 16) * NB + b])
        p1 = (c1 + 15) & -16
        p2 = (c2 + 15) & -16
        padded = jnp.sum(p1) + jnp.sum(p2)
        j = lax.shift_right_logical(b, 5)

        @pl.when((b & 31) == w)
        def _():
            start_smem[j] = g_run
            cnt_smem[j] = padded
        return g_run + padded
    lax.fori_loop(0, NB, pref_body, jnp.int32(0))

    def zero_idx(i, _):
        z = jnp.zeros((16,), jnp.int32)
        idxreg[pl.ds(i * 64, 16)] = z
        idxreg[pl.ds(i * 64 + 16, 16)] = z
        idxreg[pl.ds(i * 64 + 32, 16)] = z
        idxreg[pl.ds(i * 64 + 48, 16)] = z
        return 0
    lax.fori_loop(0, BSZ // 64, zero_idx, 0)

    def bucket_body(j, _):
        b = j * 32 + w
        start = pl.multiple_of(start_smem[j], 16)
        cnt = cnt_smem[j]
        tag = lax.shift_left(j + 1, 21)

        def zero_val(i, _):
            z = jnp.zeros((16,), jnp.float32)
            valreg[pl.ds(i * 64, 16)] = z
            valreg[pl.ds(i * 64 + 16, 16)] = z
            valreg[pl.ds(i * 64 + 32, 16)] = z
            valreg[pl.ds(i * 64 + 48, 16)] = z
            return 0
        lax.fori_loop(0, BSZ // 64, zero_val, 0)

        nch = lax.shift_right_logical(cnt + (CH3 - 1), 12)

        def chunk_a(c, _):
            pltpu.sync_copy(
                bpix_hbm.at[pl.ds(pl.multiple_of(start + c * CH3, 16), CH3)],
                pixbuf)

            def vec_body(i, _):
                pix = pixbuf[pl.ds(i * 16, 16)]
                pos = c * CH3 + i * 16 + iota
                pt = pos + tag
                valid = (pos < cnt) & (pix < PIX_SENT)
                pixc = pix & (BSZ - 1)

                def converge(carry):
                    wv = plsc.load_gather(idxreg, [pixc])
                    m = (pt > wv) & valid
                    plsc.store_scatter(idxreg, [pixc], pt, mask=m)
                    return jnp.any(m)
                lax.while_loop(lambda t: t, converge, jnp.bool_(True))
                return 0
            lax.fori_loop(0, CH3 // 16, vec_body, 0)
            return 0
        lax.fori_loop(0, nch, chunk_a, 0)

        def chunk_b(c, _):
            pltpu.sync_copy(
                bpix_hbm.at[pl.ds(pl.multiple_of(start + c * CH3, 16), CH3)],
                pixbuf)
            pltpu.sync_copy(
                bint_hbm.at[pl.ds(pl.multiple_of(start + c * CH3, 16), CH3)],
                intbuf)

            def vec_body(i, _):
                pix = pixbuf[pl.ds(i * 16, 16)]
                pos = c * CH3 + i * 16 + iota
                pt = pos + tag
                valid = (pos < cnt) & (pix < PIX_SENT)
                pixc = pix & (BSZ - 1)
                wv = plsc.load_gather(idxreg, [pixc])
                m = (wv == pt) & valid
                plsc.store_scatter(valreg, [pixc], intbuf[pl.ds(i * 16, 16)],
                                   mask=m)
                return 0
            lax.fori_loop(0, CH3 // 16, vec_body, 0)
            return 0
        lax.fori_loop(0, nch, chunk_b, 0)

        pltpu.sync_copy(valreg, out_hbm.at[pl.ds(b * BSZ, BSZ)])
        return 0
    lax.fori_loop(0, 16, bucket_body, 0)


def _sc_scatter(keys, inten_pad):
    mesh = plsc.VectorSubcoreMesh(core_axis_name="c", subcore_axis_name="s")
    params = pltpu.CompilerParams(needs_layout_passes=False,
                                  use_tc_tiling_on_sc=False)

    k1 = pl.kernel(
        _sc_count_body,
        out_type=[jax.ShapeDtypeStruct((NT * NB,), jnp.int32),
                  jax.ShapeDtypeStruct((NT * CNTW,), jnp.int32)],
        mesh=mesh,
        scratch_types=[pltpu.VMEM((CNTW,), jnp.int32),
                       pltpu.VMEM((NB,), jnp.int32),
                       pltpu.VMEM((CH,), jnp.int32)],
        compiler_params=params,
    )
    tb, cnt3 = k1(keys)

    k2 = pl.kernel(
        _sc_place_body,
        out_type=[jax.ShapeDtypeStruct((GROWS, 16), jnp.int32),
                  jax.ShapeDtypeStruct((GROWS, 16), jnp.float32)],
        mesh=mesh,
        scratch_types=[pltpu.VMEM((NT * NB,), jnp.int32),
                       pltpu.VMEM((640,), jnp.int32),
                       pltpu.VMEM((LROWS, 16), jnp.int32),
                       pltpu.VMEM((LROWS, 16), jnp.float32),
                       pltpu.VMEM((2560,), jnp.int32),
                       pltpu.VMEM((2482,), jnp.int32),
                       pltpu.VMEM((512,), jnp.int32),
                       pltpu.VMEM((CH,), jnp.int32),
                       pltpu.VMEM((CH,), jnp.float32),
                       pltpu.VMEM((128,), jnp.int32),
                       pltpu.SemaphoreType.DMA],
        compiler_params=params,
    )
    bpix, bint = k2(keys, inten_pad, tb)
    bpix = bpix.reshape(-1)
    bint = bint.reshape(-1)

    k3 = pl.kernel(
        _sc_emit_body,
        out_type=jax.ShapeDtypeStruct((SENT,), jnp.float32),
        mesh=mesh,
        scratch_types=[pltpu.VMEM((NT * NB,), jnp.int32),
                       pltpu.VMEM((BSZ,), jnp.int32),
                       pltpu.VMEM((BSZ,), jnp.float32),
                       pltpu.VMEM((CH3,), jnp.int32),
                       pltpu.VMEM((CH3,), jnp.float32),
                       pltpu.SMEM((16,), jnp.int32),
                       pltpu.SMEM((16,), jnp.int32)],
        compiler_params=params,
    )
    return k3(bpix, bint, tb)


def kernel(points, cam_params):
    keys, inten_pad = _compute_keys(points, cam_params)
    buf = _sc_scatter(keys, inten_pad)
    front = buf[0:S * S].reshape(S, S)
    back = buf[S * S:2 * S * S].reshape(S, S)
    left = buf[2 * S * S:3 * S * S].reshape(S, S)
    right = buf[3 * S * S:4 * S * S].reshape(S, S)
    return front, back, left, right

# --- scband reference (transcript-rebuilt; emitter-appended) ---
"""Pipeline reference for scband-model-1769526526158 (READ-ONLY COPY).

The authoritative reference and input builder live on the scoring server;
editing this copy changes nothing except your own understanding.
"""

import jax, jax.numpy as jnp
import numpy as np

S = 2048

def _lla2ecef(lat, lon, alt):
    a = 6378137.0
    e2 = 6.69437999014e-3
    latr = jnp.deg2rad(lat)
    lonr = jnp.deg2rad(lon)
    s = jnp.sin(latr)
    c = jnp.cos(latr)
    Nv = a / jnp.sqrt(1.0 - e2 * s * s)
    x = (Nv + alt) * c * jnp.cos(lonr)
    y = (Nv + alt) * c * jnp.sin(lonr)
    z = (Nv * (1.0 - e2) + alt) * s
    return x, y, z

def _ecef2enu(x, y, z, lat0, lon0, alt0):
    x0, y0, z0 = _lla2ecef(lat0, lon0, alt0)
    dx, dy, dz = x - x0, y - y0, z - z0
    latr = jnp.deg2rad(lat0)
    lonr = jnp.deg2rad(lon0)
    sl, cl = jnp.sin(latr), jnp.cos(latr)
    so, co = jnp.sin(lonr), jnp.cos(lonr)
    e = -so * dx + co * dy
    n = -sl * co * dx - sl * so * dy + cl * dz
    u = cl * co * dx + cl * so * dy + sl * dz
    return e, n, u

def _enu2cam(e, n, u, qs, qx, qy, qz):
    # rotate (e,n,u) by quaternion (qs,qx,qy,qz)
    nrm = jnp.sqrt(qs * qs + qx * qx + qy * qy + qz * qz) + 1e-12
    qs, qx, qy, qz = qs / nrm, qx / nrm, qy / nrm, qz / nrm
    x = (1 - 2 * (qy * qy + qz * qz)) * e + 2 * (qx * qy - qz * qs) * n + 2 * (qx * qz + qy * qs) * u
    y = 2 * (qx * qy + qz * qs) * e + (1 - 2 * (qx * qx + qz * qz)) * n + 2 * (qy * qz - qx * qs) * u
    z = 2 * (qx * qz - qy * qs) * e + 2 * (qy * qz + qx * qs) * n + (1 - 2 * (qx * qx + qy * qy)) * u
    return x, y, z

def _cam2image(x, y, z, size):
    f = size / 2.0
    z_safe = jnp.where(jnp.abs(z) > 1e-9, z, 1.0)
    px = f * x / z_safe + f
    py = f * y / z_safe + f
    return px, py

def _face_image(mask, px, py, inten):
    iu = jnp.clip(jnp.floor(px), 0, S - 1).astype(jnp.int32)
    iv = jnp.clip(jnp.floor(py), 0, S - 1).astype(jnp.int32)
    iu = jnp.where(mask, iu, S)
    iv = jnp.where(mask, iv, S)
    img = jnp.zeros((S + 1, S + 1), dtype=inten.dtype).at[iu, iv].set(inten)
    return img[:S, :S]

def _forward(points, cam_params):
    lat, lon, alt, inten = points[:, 0], points[:, 1], points[:, 2], points[:, 3]
    lat0, lon0, alt0 = cam_params[0], cam_params[1], cam_params[2]
    qs, qx, qy, qz = cam_params[3], cam_params[4], cam_params[5], cam_params[6]
    X, Y, Z = _lla2ecef(lat, lon, alt)
    e, n, u = _ecef2enu(X, Y, Z, lat0, lon0, alt0)
    # original forward passes -qs (conjugate rotation)
    x, y, z = _enu2cam(e, n, u, -qs, qx, qy, qz)
    ax, ay, az = jnp.abs(x), jnp.abs(y), jnp.abs(z)
    m_front = (z > 0) & (z > ax) & (z > ay)
    m_back = (z < 0) & (-z > ax) & (-z > ay)
    m_right = (x > 0) & (x > az) & (x > ay)
    m_left = (x < 0) & (-x > az) & (-x > ay)
    pf_u, pf_v = _cam2image(x, y, z, S)
    pb_u, pb_v = _cam2image(x, -y, z, S)
    pr_u, pr_v = _cam2image(-z, y, x, S)
    pl_u, pl_v = _cam2image(z, y, -x, S)
    front = _face_image(m_front, pf_u, pf_v, inten)
    back = _face_image(m_back, pb_u, pb_v, inten)
    right = _face_image(m_right, pr_u, pr_v, inten)
    left = _face_image(m_left, pl_u, pl_v, inten)
    return front, back, left, right

def setup_inputs(seed: int = 0):
    key = jax.random.key(seed)
    k1, k2, k3, k4 = jax.random.split(key, 4)
    N = 1000000
    lat = 37.0 + jax.random.normal(k1, (N,), dtype=jnp.float32) * 0.01
    lon = -122.0 + jax.random.normal(k2, (N,), dtype=jnp.float32) * 0.01
    alt = 10.0 + jax.random.uniform(k3, (N,), dtype=jnp.float32) * 200.0
    inten = jax.random.uniform(k4, (N,), dtype=jnp.float32)
    points = jnp.stack([lat, lon, alt, inten], axis=1)
    q = jnp.array([1.0, 0.02, -0.03, 0.01], dtype=jnp.float32)
    q = q / jnp.linalg.norm(q)
    cam_params = jnp.concatenate([jnp.array([37.0, -122.0, 12.0], dtype=jnp.float32), q])
    return {"points": points, "cam_params": cam_params}

def reference(points, cam_params):
    return _forward(points, cam_params)

if __name__ == "__main__":
    import jax
    _d = setup_inputs()
    print(jax.jit(kernel)(*tuple(_d.values())))

</pallas_src>

<mosaic_0001>
#map = affine_map<(d0, d1) -> (0)>
module attributes {stable_mosaic.version = 14 : i64} {
  func.func @_sc_count_body(%arg0: i32, %arg1: i32, %arg2: memref<1007616xi32, #tpu.memory_space<hbm>>, %arg3: memref<16384xi32, #tpu.memory_space<hbm>>, %arg4: memref<266240xi32, #tpu.memory_space<hbm>>, %arg5: memref<8320xi32, #tpu.memory_space<vmem>>, %arg6: memref<512xi32, #tpu.memory_space<vmem>>, %arg7: memref<3936xi32, #tpu.memory_space<vmem>>) attributes {dimension_semantics = [#tpu.dimension_semantics<core_parallel>, #tpu.dimension_semantics<subcore_parallel>], iteration_bounds = array<i64: 2, 16>, scalar_prefetch = 0 : i64, scratch_operands = 3 : i64, tpu.core_type = #tpu.core_type<sc_vector_subcore>, window_params = [{transform_indices = #map}, {transform_indices = #map}, {transform_indices = #map}]} {
    %mul3A = arith.constant 2 : i32
    %mul3A_0 = arith.muli %arg1, %mul3A : i32
    %add3A = arith.addi %mul3A_0, %arg0 : i32
    %iota3A = tpu.iota {dimensions = array<i32: 0>} : vector<16xi32>
    %scan3A = arith.constant 0 : i32
    %scan3A_1 = arith.constant 0 : i32
    %scan3A_2 = arith.constant 520 : i32
    %scan3A_3 = arith.addi %scan3A_1, %scan3A_2 : i32
    %scan3A_4 = arith.constant 1 : i32
    %scan3A_5 = scf.for %scan3A_25 = %scan3A_1 to %scan3A_3 step %scan3A_4 iter_args(%scan3A_26 = %scan3A) -> (i32)  : i32 {
      %broadcast_in_dim3A = arith.constant 0 : i32
      %broadcast_in_dim3A_27 = vector.broadcast %broadcast_in_dim3A : i32 to vector<16xi32>
      %mul3A_28 = arith.constant 16 : i32
      %mul3A_29 = arith.muli %scan3A_25, %mul3A_28 : i32
      %swap3A = arith.index_cast %mul3A_29 : i32 to index
      %swap3A_30 = tpu.vector_load %arg5[%swap3A] {strides = array<i32>} : memref<8320xi32, #tpu.memory_space<vmem>>, vector<16xi32>,
      tpu.vector_store %arg5[%swap3A], %broadcast_in_dim3A_27 {strides = array<i32>} : memref<8320xi32, #tpu.memory_space<vmem>>, vector<16xi32>,
      %scan3A_31 = arith.constant 0 : i32
      scf.yield %scan3A_31 : i32
    }
    %scan3A_6 = arith.constant 520 : i32
    %scan3A_7 = arith.constant 0 : i32
    %scan3A_8 = arith.constant 0 : i32
    %scan3A_9 = arith.constant 8 : i32
    %scan3A_10 = arith.addi %scan3A_8, %scan3A_9 : i32
    %scan3A_11 = arith.constant 1 : i32
    %scan3A_12 = scf.for %scan3A_25 = %scan3A_8 to %scan3A_10 step %scan3A_11 iter_args(%scan3A_26 = %scan3A_7) -> (i32)  : i32 {
      %mul3A_27 = arith.constant 31488 : i32
      %mul3A_28 = arith.muli %add3A, %mul3A_27 : i32
      %mul3A_29 = arith.constant 3936 : i32
      %mul3A_30 = arith.muli %scan3A_25, %mul3A_29 : i32
      %add3A_31 = arith.addi %mul3A_28, %mul3A_30 : i32
      "tpu.region"() ({
        %run_scoped3A = tpu.sem_alloc : memref<!tpu.dma_semaphore, #tpu.memory_space<semaphore_mem>>
        %dma_start3A = tpu.memref_slice %arg2[%add3A_31] : memref<1007616xi32, #tpu.memory_space<hbm>> -> memref<3936xi32, #tpu.memory_space<hbm>>
        %dma_start3A_40 = tpu.memref_slice %arg2[%add3A_31] : memref<1007616xi32, #tpu.memory_space<hbm>> -> memref<3936xi32, #tpu.memory_space<hbm>>
        tpu.enqueue_dma source(%dma_start3A_40 : memref<3936xi32, #tpu.memory_space<hbm>>) target(%arg7 : memref<3936xi32, #tpu.memory_space<vmem>>) target_semaphore(%run_scoped3A : memref<!tpu.dma_semaphore, #tpu.memory_space<semaphore_mem>>)
        %dma_wait3A = tpu.memref_slice %arg2[%add3A_31] : memref<1007616xi32, #tpu.memory_space<hbm>> -> memref<3936xi32, #tpu.memory_space<hbm>>
        %dma_wait3A_41 = tpu.memref_slice %arg2[%add3A_31] : memref<1007616xi32, #tpu.memory_space<hbm>> -> memref<3936xi32, #tpu.memory_space<hbm>>
        tpu.wait_dma2 semaphore(%run_scoped3A : memref<!tpu.dma_semaphore, #tpu.memory_space<semaphore_mem>>) src(%dma_wait3A_41 : memref<3936xi32, #tpu.memory_space<hbm>>) dst(%arg7 : memref<3936xi32, #tpu.memory_space<vmem>>)
        tpu.yield
      }) : () -> ()
      %scan3A_32 = arith.constant 0 : i32
      %scan3A_33 = arith.constant 0 : i32
      %scan3A_34 = arith.constant 246 : i32
      %scan3A_35 = arith.addi %scan3A_33, %scan3A_34 : i32
      %scan3A_36 = arith.constant 1 : i32
      %scan3A_37 = scf.for %scan3A_40 = %scan3A_33 to %scan3A_35 step %scan3A_36 iter_args(%scan3A_41 = %scan3A_32) -> (i32)  : i32 {
        %mul3A_42 = arith.constant 16 : i32
        %mul3A_43 = arith.muli %scan3A_40, %mul3A_42 : i32
        %get3A = arith.index_cast %mul3A_43 : i32 to index
        %get3A_44 = tpu.vector_load %arg7[%get3A] {strides = array<i32>} : memref<3936xi32, #tpu.memory_space<vmem>>, vector<16xi32>,
        %shift_right_logical3A = arith.constant 15 : i32
        %shift_right_logical3A_45 = vector.broadcast %shift_right_logical3A : i32 to vector<16xi32>
        %shift_right_logical3A_46 = arith.shrui %get3A_44, %shift_right_logical3A_45 : vector<16xi32>
        %mul3A_47 = arith.constant 513 : i32
        %mul3A_48 = vector.broadcast %mul3A_47 : i32 to vector<16xi32>
        %mul3A_49 = arith.muli %iota3A, %mul3A_48 : vector<16xi32>
        %add3A_50 = arith.addi %mul3A_49, %shift_right_logical3A_46 : vector<16xi32>
        %gather3A = tpu.vector_load_idx %arg5[%add3A_50] : memref<8320xi32, #tpu.memory_space<vmem>>[vector<16xi32>], vector<16xi32>,
        %add3A_51 = arith.constant 1 : i32
        %add3A_52 = vector.broadcast %add3A_51 : i32 to vector<16xi32>
        %add3A_53 = arith.addi %gather3A, %add3A_52 : vector<16xi32>
        tpu.vector_store_idx %arg5[%add3A_50], %add3A_53 : memref<8320xi32, #tpu.memory_space<vmem>>[vector<16xi32>], vector<16xi32>,
        %scan3A_54 = arith.constant 0 : i32
        scf.yield %scan3A_54 : i32
      }
      %scan3A_38 = arith.constant 246 : i32
      %scan3A_39 = arith.constant 0 : i32
      scf.yield %scan3A_39 : i32
    }
    %scan3A_13 = arith.constant 8 : i32
    %scan3A_14 = arith.constant 0 : i32
    %scan3A_15 = arith.constant 0 : i32
    %scan3A_16 = arith.constant 32 : i32
    %scan3A_17 = arith.addi %scan3A_15, %scan3A_16 : i32
    %scan3A_18 = arith.constant 1 : i32
    %scan3A_19 = scf.for %scan3A_25 = %scan3A_15 to %scan3A_17 step %scan3A_18 iter_args(%scan3A_26 = %scan3A_14) -> (i32)  : i32 {
      %broadcast_in_dim3A = arith.constant 0 : i32
      %broadcast_in_dim3A_27 = vector.broadcast %broadcast_in_dim3A : i32 to vector<16xi32>
      %mul3A_28 = arith.constant 16 : i32
      %mul3A_29 = arith.muli %scan3A_25, %mul3A_28 : i32
      %add3A_30 = arith.constant 0 : i32
      %add3A_31 = arith.addi %add3A_30, %mul3A_29 : i32
      %get3A = arith.index_cast %add3A_31 : i32 to index
      %get3A_32 = tpu.vector_load %arg5[%get3A] {strides = array<i32>} : memref<8320xi32, #tpu.memory_space<vmem>>, vector<16xi32>,
      %add3A_33 = arith.addi %broadcast_in_dim3A_27, %get3A_32 : vector<16xi32>
      %mul3A_34 = arith.constant 16 : i32
      %mul3A_35 = arith.muli %scan3A_25, %mul3A_34 : i32
      %add3A_36 = arith.constant 513 : i32
      %add3A_37 = arith.addi %add3A_36, %mul3A_35 : i32
      %get3A_38 = arith.index_cast %add3A_37 : i32 to index
      %get3A_39 = tpu.vector_load %arg5[%get3A_38] {strides = array<i32>} : memref<8320xi32, #tpu.memory_space<vmem>>, vector<16xi32>,
      %add3A_40 = arith.addi %add3A_33, %get3A_39 : vector<16xi32>
      %mul3A_41 = arith.constant 16 : i32
      %mul3A_42 = arith.muli %scan3A_25, %mul3A_41 : i32
      %add3A_43 = arith.constant 1026 : i32
      %add3A_44 = arith.addi %add3A_43, %mul3A_42 : i32
      %get3A_45 = arith.index_cast %add3A_44 : i32 to index
      %get3A_46 = tpu.vector_load %arg5[%get3A_45] {strides = array<i32>} : memref<8320xi32, #tpu.memory_space<vmem>>, vector<16xi32>,
      %add3A_47 = arith.addi %add3A_40, %get3A_46 : vector<16xi32>
      %mul3A_48 = arith.constant 16 : i32
      %mul3A_49 = arith.muli %scan3A_25, %mul3A_48 : i32
      %add3A_50 = arith.constant 1539 : i32
      %add3A_51 = arith.addi %add3A_50, %mul3A_49 : i32
      %get3A_52 = arith.index_cast %add3A_51 : i32 to index
      %get3A_53 = tpu.vector_load %arg5[%get3A_52] {strides = array<i32>} : memref<8320xi32, #tpu.memory_space<vmem>>, vector<16xi32>,
      %add3A_54 = arith.addi %add3A_47, %get3A_53 : vector<16xi32>
      %mul3A_55 = arith.constant 16 : i32
      %mul3A_56 = arith.muli %scan3A_25, %mul3A_55 : i32
      %add3A_57 = arith.constant 2052 : i32
      %add3A_58 = arith.addi %add3A_57, %mul3A_56 : i32
      %get3A_59 = arith.index_cast %add3A_58 : i32 to index
      %get3A_60 = tpu.vector_load %arg5[%get3A_59] {strides = array<i32>} : memref<8320xi32, #tpu.memory_space<vmem>>, vector<16xi32>,
      %add3A_61 = arith.addi %add3A_54, %get3A_60 : vector<16xi32>
      %mul3A_62 = arith.constant 16 : i32
      %mul3A_63 = arith.muli %scan3A_25, %mul3A_62 : i32
      %add3A_64 = arith.constant 2565 : i32
      %add3A_65 = arith.addi %add3A_64, %mul3A_63 : i32
      %get3A_66 = arith.index_cast %add3A_65 : i32 to index
      %get3A_67 = tpu.vector_load %arg5[%get3A_66] {strides = array<i32>} : memref<8320xi32, #tpu.memory_space<vmem>>, vector<16xi32>,
      %add3A_68 = arith.addi %add3A_61, %get3A_67 : vector<16xi32>
      %mul3A_69 = arith.constant 16 : i32
      %mul3A_70 = arith.muli %scan3A_25, %mul3A_69 : i32
      %add3A_71 = arith.constant 3078 : i32
      %add3A_72 = arith.addi %add3A_71, %mul3A_70 : i32
      %get3A_73 = arith.index_cast %add3A_72 : i32 to index
      %get3A_74 = tpu.vector_load %arg5[%get3A_73] {strides = array<i32>} : memref<8320xi32, #tpu.memory_space<vmem>>, vector<16xi32>,
      %add3A_75 = arith.addi %add3A_68, %get3A_74 : vector<16xi32>
      %mul3A_76 = arith.constant 16 : i32
      %mul3A_77 = arith.muli %scan3A_25, %mul3A_76 : i32
      %add3A_78 = arith.constant 3591 : i32
      %add3A_79 = arith.addi %add3A_78, %mul3A_77 : i32
      %get3A_80 = arith.index_cast %add3A_79 : i32 to index
      %get3A_81 = tpu.vector_load %arg5[%get3A_80] {strides = array<i32>} : memref<8320xi32, #tpu.memory_space<vmem>>, vector<16xi32>,
      %add3A_82 = arith.addi %add3A_75, %get3A_81 : vector<16xi32>
      %mul3A_83 = arith.constant 16 : i32
      %mul3A_84 = arith.muli %scan3A_25, %mul3A_83 : i32
      %add3A_85 = arith.constant 4104 : i32
      %add3A_86 = arith.addi %add3A_85, %mul3A_84 : i32
      %get3A_87 = arith.index_cast %add3A_86 : i32 to index
      %get3A_88 = tpu.vector_load %arg5[%get3A_87] {strides = array<i32>} : memref<8320xi32, #tpu.memory_space<vmem>>, vector<16xi32>,
      %add3A_89 = arith.addi %add3A_82, %get3A_88 : vector<16xi32>
      %mul3A_90 = arith.constant 16 : i32
      %mul3A_91 = arith.muli %scan3A_25, %mul3A_90 : i32
      %add3A_92 = arith.constant 4617 : i32
      %add3A_93 = arith.addi %add3A_92, %mul3A_91 : i32
      %get3A_94 = arith.index_cast %add3A_93 : i32 to index
      %get3A_95 = tpu.vector_load %arg5[%get3A_94] {strides = array<i32>} : memref<8320xi32, #tpu.memory_space<vmem>>, vector<16xi32>,
      %add3A_96 = arith.addi %add3A_89, %get3A_95 : vector<16xi32>
      %mul3A_97 = arith.constant 16 : i32
      %mul3A_98 = arith.muli %scan3A_25, %mul3A_97 : i32
      %add3A_99 = arith.constant 5130 : i32
      %add3A_100 = arith.addi %add3A_99, %mul3A_98 : i32
      %get3A_101 = arith.index_cast %add3A_100 : i32 to index
      %get3A_102 = tpu.vector_load %arg5[%get3A_101] {strides = array<i32>} : memref<8320xi32, #tpu.memory_space<vmem>>, vector<16xi32>,
      %add3A_103 = arith.addi %add3A_96, %get3A_102 : vector<16xi32>
      %mul3A_104 = arith.constant 16 : i32
      %mul3A_105 = arith.muli %scan3A_25, %mul3A_104 : i32
      %add3A_106 = arith.constant 5643 : i32
      %add3A_107 = arith.addi %add3A_106, %mul3A_105 : i32
      %get3A_108 = arith.index_cast %add3A_107 : i32 to index
      %get3A_109 = tpu.vector_load %arg5[%get3A_108] {strides = array<i32>} : memref<8320xi32, #tpu.memory_space<vmem>>, vector<16xi32>,
      %add3A_110 = arith.addi %add3A_103, %get3A_109 : vector<16xi32>
      %mul3A_111 = arith.constant 16 : i32
      %mul3A_112 = arith.muli %scan3A_25, %mul3A_111 : i32
      %add3A_113 = arith.constant 6156 : i32
      %add3A_114 = arith.addi %add3A_113, %mul3A_112 : i32
      %get3A_115 = arith.index_cast %add3A_114 : i32 to index
      %get3A_116 = tpu.vector_load %arg5[%get3A_115] {strides = array<i32>} : memref<8320xi32, #tpu.memory_space<vmem>>, vector<16xi32>,
      %add3A_117 = arith.addi %add3A_110, %get3A_116 : vector<16xi32>
      %mul3A_118 = arith.constant 16 : i32
      %mul3A_119 = arith.muli %scan3A_25, %mul3A_118 : i32
      %add3A_120 = arith.constant 6669 : i32
      %add3A_121 = arith.addi %add3A_120, %mul3A_119 : i32
      %get3A_122 = arith.index_cast %add3A_121 : i32 to index
      %get3A_123 = tpu.vector_load %arg5[%get3A_122] {strides = array<i32>} : memref<8320xi32, #tpu.memory_space<vmem>>, vector<16xi32>,
      %add3A_124 = arith.addi %add3A_117, %get3A_123 : vector<16xi32>
      %mul3A_125 = arith.constant 16 : i32
      %mul3A_126 = arith.muli %scan3A_25, %mul3A_125 : i32
      %add3A_127 = arith.constant 7182 : i32
      %add3A_128 = arith.addi %add3A_127, %mul3A_126 : i32
      %get3A_129 = arith.index_cast %add3A_128 : i32 to index
      %get3A_130 = tpu.vector_load %arg5[%get3A_129] {strides = array<i32>} : memref<8320xi32, #tpu.memory_space<vmem>>, vector<16xi32>,
      %add3A_131 = arith.addi %add3A_124, %get3A_130 : vector<16xi32>
      %mul3A_132 = arith.constant 16 : i32
      %mul3A_133 = arith.muli %scan3A_25, %mul3A_132 : i32
      %add3A_134 = arith.constant 7695 : i32
      %add3A_135 = arith.addi %add3A_134, %mul3A_133 : i32
      %get3A_136 = arith.index_cast %add3A_135 : i32 to index
      %get3A_137 = tpu.vector_load %arg5[%get3A_136] {strides = array<i32>} : memref<8320xi32, #tpu.memory_space<vmem>>, vector<16xi32>,
      %add3A_138 = arith.addi %add3A_131, %get3A_137 : vector<16xi32>
      %mul3A_139 = arith.constant 16 : i32
      %mul3A_140 = arith.muli %scan3A_25, %mul3A_139 : i32
      %swap3A = arith.index_cast %mul3A_140 : i32 to index
      %swap3A_141 = tpu.vector_load %arg6[%swap3A] {strides = array<i32>} : memref<512xi32, #tpu.memory_space<vmem>>, vector<16xi32>,
      tpu.vector_store %arg6[%swap3A], %add3A_138 {strides = array<i32>} : memref<512xi32, #tpu.memory_space<vmem>>, vector<16xi32>,
      %scan3A_142 = arith.constant 0 : i32
      scf.yield %scan3A_142 : i32
    }
    %scan3A_20 = arith.constant 32 : i32
    %mul3A_21 = arith.constant 512 : i32
    %mul3A_22 = arith.muli %add3A, %mul3A_21 : i32
    "tpu.region"() ({
      %run_scoped3A = tpu.sem_alloc : memref<!tpu.dma_semaphore, #tpu.memory_space<semaphore_mem>>
      %dma_start3A = tpu.memref_slice %arg3[%mul3A_22] : memref<16384xi32, #tpu.memory_space<hbm>> -> memref<512xi32, #tpu.memory_space<hbm>>
      %dma_start3A_25 = tpu.memref_slice %arg3[%mul3A_22] : memref<16384xi32, #tpu.memory_space<hbm>> -> memref<512xi32, #tpu.memory_space<hbm>>
      tpu.enqueue_dma source(%arg6 : memref<512xi32, #tpu.memory_space<vmem>>) target(%dma_start3A_25 : memref<512xi32, #tpu.memory_space<hbm>>) target_semaphore(%run_scoped3A : memref<!tpu.dma_semaphore, #tpu.memory_space<semaphore_mem>>)
      %dma_wait3A = tpu.memref_slice %arg3[%mul3A_22] : memref<16384xi32, #tpu.memory_space<hbm>> -> memref<512xi32, #tpu.memory_space<hbm>>
      %dma_wait3A_26 = tpu.memref_slice %arg3[%mul3A_22] : memref<16384xi32, #tpu.memory_space<hbm>> -> memref<512xi32, #tpu.memory_space<hbm>>
      tpu.wait_dma2 semaphore(%run_scoped3A : memref<!tpu.dma_semaphore, #tpu.memory_space<semaphore_mem>>) src(%arg6 : memref<512xi32, #tpu.memory_space<vmem>>) dst(%dma_wait3A_26 : memref<512xi32, #tpu.memory_space<hbm>>)
      tpu.yield
    }) : () -> ()
    %mul3A_23 = arith.constant 8320 : i32
    %mul3A_24 = arith.muli %add3A, %mul3A_23 : i32
    "tpu.region"() ({
      %run_scoped3A = tpu.sem_alloc : memref<!tpu.dma_semaphore, #tpu.memory_space<semaphore_mem>>
      %dma_start3A = tpu.memref_slice %arg4[%mul3A_24] : memref<266240xi32, #tpu.memory_space<hbm>> -> memref<8320xi32, #tpu.memory_space<hbm>>
      %dma_start3A_25 = tpu.memref_slice %arg4[%mul3A_24] : memref<266240xi32, #tpu.memory_space<hbm>> -> memref<8320xi32, #tpu.memory_space<hbm>>
      tpu.enqueue_dma source(%arg5 : memref<8320xi32, #tpu.memory_space<vmem>>) target(%dma_start3A_25 : memref<8320xi32, #tpu.memory_space<hbm>>) target_semaphore(%run_scoped3A : memref<!tpu.dma_semaphore, #tpu.memory_space<semaphore_mem>>)
      %dma_wait3A = tpu.memref_slice %arg4[%mul3A_24] : memref<266240xi32, #tpu.memory_space<hbm>> -> memref<8320xi32, #tpu.memory_space<hbm>>
      %dma_wait3A_26 = tpu.memref_slice %arg4[%mul3A_24] : memref<266240xi32, #tpu.memory_space<hbm>> -> memref<8320xi32, #tpu.memory_space<hbm>>
      tpu.wait_dma2 semaphore(%run_scoped3A : memref<!tpu.dma_semaphore, #tpu.memory_space<semaphore_mem>>) src(%arg5 : memref<8320xi32, #tpu.memory_space<vmem>>) dst(%dma_wait3A_26 : memref<8320xi32, #tpu.memory_space<hbm>>)
      tpu.yield
    }) : () -> ()
    return
  }
}

#map = affine_map<(d0, d1) -> (0)>
#map1 = affine_map<(d0, d1) -> (0, 0)>
module attributes {stable_mosaic.version = 14 : i64} {
  func.func @_sc_place_body(%arg0: i32, %arg1: i32, %arg2: memref<1007616xi32, #tpu.memory_space<hbm>>, %arg3: memref<1007616xf32, #tpu.memory_space<hbm>>, %arg4: memref<16384xi32, #tpu.memory_space<hbm>>, %arg5: memref<79618x16xi32, #tpu.memory_space<hbm>>, %arg6: memref<79618x16xf32, #tpu.memory_space<hbm>>, %arg7: memref<16384xi32, #tpu.memory_space<vmem>>, %arg8: memref<640xi32, #tpu.memory_space<vmem>>, %arg9: memref<2482x16xi32, #tpu.memory_space<vmem>>, %arg10: memref<2482x16xf32, #tpu.memory_space<vmem>>, %arg11: memref<2560xi32, #tpu.memory_space<vmem>>, %arg12: memref<2482xi32, #tpu.memory_space<vmem>>, %arg13: memref<512xi32, #tpu.memory_space<vmem>>, %arg14: memref<3936xi32, #tpu.memory_space<vmem>>, %arg15: memref<3936xf32, #tpu.memory_space<vmem>>, %arg16: memref<128xi32, #tpu.memory_space<vmem>>, %arg17: memref<!tpu.dma_semaphore, #tpu.memory_space<semaphore_mem>>) attributes {dimension_semantics = [#tpu.dimension_semantics<core_parallel>, #tpu.dimension_semantics<subcore_parallel>], iteration_bounds = array<i64: 2, 16>, scalar_prefetch = 0 : i64, scratch_operands = 11 : i64, tpu.core_type = #tpu.core_type<sc_vector_subcore>, window_params = [{transform_indices = #map}, {transform_indices = #map}, {transform_indices = #map}, {transform_indices = #map1}, {transform_indices = #map1}]} {
    %mul3A = arith.constant 2 : i32
    %mul3A_0 = arith.muli %arg1, %mul3A : i32
    %add3A = arith.addi %mul3A_0, %arg0 : i32
    %iota3A = tpu.iota {dimensions = array<i32: 0>} : vector<16xi32>
    "tpu.region"() ({
      %run_scoped3A = tpu.sem_alloc : memref<!tpu.dma_semaphore, #tpu.memory_space<semaphore_mem>>
      tpu.enqueue_dma source(%arg4 : memref<16384xi32, #tpu.memory_space<hbm>>) target(%arg7 : memref<16384xi32, #tpu.memory_space<vmem>>) target_semaphore(%run_scoped3A : memref<!tpu.dma_semaphore, #tpu.memory_space<semaphore_mem>>)
      tpu.wait_dma2 semaphore(%run_scoped3A : memref<!tpu.dma_semaphore, #tpu.memory_space<semaphore_mem>>) src(%arg4 : memref<16384xi32, #tpu.memory_space<hbm>>) dst(%arg7 : memref<16384xi32, #tpu.memory_space<vmem>>)
      tpu.yield
    }) : () -> ()
    %scan3A = arith.constant 0 : i32
    %scan3A_1 = arith.constant 0 : i32
    %scan3A_2 = arith.constant 160 : i32
    %scan3A_3 = arith.addi %scan3A_1, %scan3A_2 : i32
    %scan3A_4 = arith.constant 1 : i32
    %scan3A_5 = scf.for %scan3A_50 = %scan3A_1 to %scan3A_3 step %scan3A_4 iter_args(%scan3A_51 = %scan3A) -> (i32)  : i32 {
      %broadcast_in_dim3A = arith.constant 0 : i32
      %broadcast_in_dim3A_52 = vector.broadcast %broadcast_in_dim3A : i32 to vector<16xi32>
      %mul3A_53 = arith.constant 16 : i32
      %mul3A_54 = arith.muli %scan3A_50, %mul3A_53 : i32
      %swap3A = arith.index_cast %mul3A_54 : i32 to index
      %swap3A_55 = tpu.vector_load %arg11[%swap3A] {strides = array<i32>} : memref<2560xi32, #tpu.memory_space<vmem>>, vector<16xi32>,
      tpu.vector_store %arg11[%swap3A], %broadcast_in_dim3A_52 {strides = array<i32>} : memref<2560xi32, #tpu.memory_space<vmem>>, vector<16xi32>,
      %scan3A_56 = arith.constant 0 : i32
      scf.yield %scan3A_56 : i32
    }
    %scan3A_6 = arith.constant 160 : i32
    %iota3A_7 = tpu.iota {dimensions = array<i32: 0>} : vector<16xi32>
    %eq3A = arith.constant 0 : i32
    %eq3A_8 = vector.broadcast %eq3A : i32 to vector<16xi32>
    %eq3A_9 = arith.cmpi eq, %iota3A_7, %eq3A_8 : vector<16xi32>
    %scan3A_10 = arith.constant 0 : i32
    %scan3A_11 = arith.constant 0 : i32
    %scan3A_12 = arith.constant 0 : i32
    %scan3A_13 = arith.constant 512 : i32
    %scan3A_14 = arith.addi %scan3A_12, %scan3A_13 : i32
    %scan3A_15 = arith.constant 1 : i32
    %scan3A_16:2 = scf.for %scan3A_50 = %scan3A_12 to %scan3A_14 step %scan3A_15 iter_args(%scan3A_51 = %scan3A_10, %scan3A_52 = %scan3A_11) -> (i32, i32)  : i32 {
      %mul3A_53 = arith.constant 512 : i32
      %mul3A_54 = arith.muli %add3A, %mul3A_53 : i32
      %add3A_55 = arith.addi %mul3A_54, %scan3A_50 : i32
      %broadcast_in_dim3A = vector.broadcast %add3A_55 : i32 to vector<16xi32>
      %gather3A = tpu.vector_load_idx %arg7[%broadcast_in_dim3A] : memref<16384xi32, #tpu.memory_space<vmem>>[vector<16xi32>], vector<16xi32>,
      %reduce_max3A = arith.constant true
      %reduce_max3A_56 = vector.broadcast %reduce_max3A : i1 to vector<16xi1>
      %reduce_max3A_57 = arith.constant -2147483648 : i32
      %reduce_max3A_58 = vector.broadcast %reduce_max3A_57 : i32 to vector<16xi32>
      %reduce_max3A_59 = arith.xori %gather3A, %reduce_max3A_58 : vector<16xi32>
      %reduce_max3A_60 = tpu.scan <max>, %reduce_max3A_59 masked %reduce_max3A_56 : vector<16xi32>, vector<16xi1> -> vector<16xi32>
      %reduce_max3A_61 = arith.xori %reduce_max3A_60, %reduce_max3A_58 : vector<16xi32>
      %reduce_max3A_62 = vector.extract %reduce_max3A_61[15] : i32 from vector<16xi32>
      %broadcast_in_dim3A_63 = vector.broadcast %scan3A_50 : i32 to vector<16xi32>
      %broadcast_in_dim3A_64 = vector.broadcast %scan3A_52 : i32 to vector<16xi32>
      tpu.vector_store_idx %arg8[%broadcast_in_dim3A_63], %broadcast_in_dim3A_64 masked %eq3A_9 : memref<640xi32, #tpu.memory_space<vmem>>[vector<16xi32>], vector<16xi32>, vector<16xi1>
      %mul3A_65 = arith.constant 512 : i32
      %mul3A_66 = vector.broadcast %mul3A_65 : i32 to vector<16xi32>
      %mul3A_67 = arith.muli %iota3A, %mul3A_66 : vector<16xi32>
      %add3A_68 = vector.broadcast %scan3A_50 : i32 to vector<16xi32>
      %add3A_69 = arith.addi %mul3A_67, %add3A_68 : vector<16xi32>
      %gather3A_70 = tpu.vector_load_idx %arg7[%add3A_69] : memref<16384xi32, #tpu.memory_space<vmem>>[vector<16xi32>], vector<16xi32>,
      %add3A_71 = arith.constant 16 : i32
      %add3A_72 = vector.broadcast %add3A_71 : i32 to vector<16xi32>
      %add3A_73 = arith.addi %iota3A, %add3A_72 : vector<16xi32>
      %mul3A_74 = arith.constant 512 : i32
      %mul3A_75 = vector.broadcast %mul3A_74 : i32 to vector<16xi32>
      %mul3A_76 = arith.muli %add3A_73, %mul3A_75 : vector<16xi32>
      %add3A_77 = vector.broadcast %scan3A_50 : i32 to vector<16xi32>
      %add3A_78 = arith.addi %mul3A_76, %add3A_77 : vector<16xi32>
      %gather3A_79 = tpu.vector_load_idx %arg7[%add3A_78] : memref<16384xi32, #tpu.memory_space<vmem>>[vector<16xi32>], vector<16xi32>,
      %add3A_80 = arith.constant 15 : i32
      %add3A_81 = vector.broadcast %add3A_80 : i32 to vector<16xi32>
      %add3A_82 = arith.addi %gather3A_70, %add3A_81 : vector<16xi32>
      %and3A = arith.constant -16 : i32
      %and3A_83 = vector.broadcast %and3A : i32 to vector<16xi32>
      %and3A_84 = arith.andi %add3A_82, %and3A_83 : vector<16xi32>
      %add3A_85 = arith.constant 15 : i32
      %add3A_86 = vector.broadcast %add3A_85 : i32 to vector<16xi32>
      %add3A_87 = arith.addi %gather3A_79, %add3A_86 : vector<16xi32>
      %and3A_88 = arith.constant -16 : i32
      %and3A_89 = vector.broadcast %and3A_88 : i32 to vector<16xi32>
      %and3A_90 = arith.andi %add3A_87, %and3A_89 : vector<16xi32>
      %broadcast_in_dim3A_91 = arith.constant 0 : i32
      %broadcast_in_dim3A_92 = vector.broadcast %broadcast_in_dim3A_91 : i32 to vector<16xi32>
      %lt3A = vector.broadcast %add3A : i32 to vector<16xi32>
      %lt3A_93 = arith.cmpi slt, %iota3A, %lt3A : vector<16xi32>
      %select_n3A = arith.select %lt3A_93, %and3A_84, %broadcast_in_dim3A_92 : vector<16xi1>, vector<16xi32>
      %reduce_sum3A = arith.constant true
      %reduce_sum3A_94 = vector.broadcast %reduce_sum3A : i1 to vector<16xi1>
      %reduce_sum3A_95 = tpu.scan <sum>, %select_n3A masked %reduce_sum3A_94 : vector<16xi32>, vector<16xi1> -> vector<16xi32>
      %reduce_sum3A_96 = vector.extract %reduce_sum3A_95[15] : i32 from vector<16xi32>
      %sub3A = arith.constant 16 : i32
      %sub3A_97 = arith.subi %add3A, %sub3A : i32
      %lt3A_98 = vector.broadcast %sub3A_97 : i32 to vector<16xi32>
      %lt3A_99 = arith.cmpi slt, %iota3A, %lt3A_98 : vector<16xi32>
      %select_n3A_100 = arith.select %lt3A_99, %and3A_90, %broadcast_in_dim3A_92 : vector<16xi1>, vector<16xi32>
      %reduce_sum3A_101 = arith.constant true
      %reduce_sum3A_102 = vector.broadcast %reduce_sum3A_101 : i1 to vector<16xi1>
      %reduce_sum3A_103 = tpu.scan <sum>, %select_n3A_100 masked %reduce_sum3A_102 : vector<16xi32>, vector<16xi1> -> vector<16xi32>
      %reduce_sum3A_104 = vector.extract %reduce_sum3A_103[15] : i32 from vector<16xi32>
      %add3A_105 = arith.addi %reduce_sum3A_96, %reduce_sum3A_104 : i32
      %shift_right_logical3A_106 = arith.constant 4 : i32
      %shift_right_logical3A_107 = arith.shrui %scan3A_52, %shift_right_logical3A_106 : i32
      %broadcast_in_dim3A_108 = vector.broadcast %shift_right_logical3A_107 : i32 to vector<16xi32>
      %broadcast_in_dim3A_109 = vector.broadcast %scan3A_50 : i32 to vector<16xi32>
      tpu.vector_store_idx %arg11[%broadcast_in_dim3A_108], %broadcast_in_dim3A_109 masked %eq3A_9 : memref<2560xi32, #tpu.memory_space<vmem>>[vector<16xi32>], vector<16xi32>, vector<16xi1>
      %add3A_110 = arith.addi %scan3A_51, %add3A_105 : i32
      %sub3A_111 = arith.subi %add3A_110, %scan3A_52 : i32
      %shift_right_logical3A_112 = arith.constant 4 : i32
      %shift_right_logical3A_113 = arith.shrui %sub3A_111, %shift_right_logical3A_112 : i32
      %broadcast_in_dim3A_114 = vector.broadcast %scan3A_50 : i32 to vector<16xi32>
      %broadcast_in_dim3A_115 = vector.broadcast %shift_right_logical3A_113 : i32 to vector<16xi32>
      tpu.vector_store_idx %arg13[%broadcast_in_dim3A_114], %broadcast_in_dim3A_115 masked %eq3A_9 : memref<512xi32, #tpu.memory_space<vmem>>[vector<16xi32>], vector<16xi32>, vector<16xi1>
      %reduce_sum3A_116 = arith.constant true
      %reduce_sum3A_117 = vector.broadcast %reduce_sum3A_116 : i1 to vector<16xi1>
      %reduce_sum3A_118 = tpu.scan <sum>, %and3A_84 masked %reduce_sum3A_117 : vector<16xi32>, vector<16xi1> -> vector<16xi32>
      %reduce_sum3A_119 = vector.extract %reduce_sum3A_118[15] : i32 from vector<16xi32>
      %reduce_sum3A_120 = arith.constant true
      %reduce_sum3A_121 = vector.broadcast %reduce_sum3A_120 : i1 to vector<16xi1>
      %reduce_sum3A_122 = tpu.scan <sum>, %and3A_90 masked %reduce_sum3A_121 : vector<16xi32>, vector<16xi1> -> vector<16xi32>
      %reduce_sum3A_123 = vector.extract %reduce_sum3A_122[15] : i32 from vector<16xi32>
      %add3A_124 = arith.addi %reduce_sum3A_119, %reduce_sum3A_123 : i32
      %add3A_125 = arith.addi %scan3A_51, %add3A_124 : i32
      %add3A_126 = arith.constant 15 : i32
      %add3A_127 = arith.addi %reduce_max3A_62, %add3A_126 : i32
      %and3A_128 = arith.constant -16 : i32
      %and3A_129 = arith.andi %add3A_127, %and3A_128 : i32
      %add3A_130 = arith.addi %scan3A_52, %and3A_129 : i32
      scf.yield %add3A_125, %add3A_130 : i32, i32
    }
    %scan3A_17 = arith.constant 512 : i32
    %scan3A_18 = arith.constant 0 : i32
    %scan3A_19 = arith.constant 0 : i32
    %scan3A_20 = arith.constant 2482 : i32
    %scan3A_21 = arith.addi %scan3A_19, %scan3A_20 : i32
    %scan3A_22 = arith.constant 1 : i32
    %scan3A_23 = scf.for %scan3A_50 = %scan3A_19 to %scan3A_21 step %scan3A_22 iter_args(%scan3A_51 = %scan3A_18) -> (i32)  : i32 {
      %broadcast_in_dim3A = vector.broadcast %scan3A_50 : i32 to vector<16xi32>
      %broadcast_in_dim3A_52 = arith.constant 32768 : i32
      %broadcast_in_dim3A_53 = vector.broadcast %broadcast_in_dim3A_52 : i32 to vector<16xi32>
      tpu.vector_store_idx %arg9[%broadcast_in_dim3A, %iota3A], %broadcast_in_dim3A_53 : memref<2482x16xi32, #tpu.memory_space<vmem>>[vector<16xi32>, vector<16xi32>], vector<16xi32>,
      %scan3A_54 = arith.constant 0 : i32
      scf.yield %scan3A_54 : i32
    }
    %scan3A_24 = arith.constant 2482 : i32
    %scan3A_25 = arith.constant 0 : i32
    %scan3A_26 = arith.constant 0 : i32
    %scan3A_27 = arith.constant 8 : i32
    %scan3A_28 = arith.addi %scan3A_26, %scan3A_27 : i32
    %scan3A_29 = arith.constant 1 : i32
    %scan3A_30 = scf.for %scan3A_50 = %scan3A_26 to %scan3A_28 step %scan3A_29 iter_args(%scan3A_51 = %scan3A_25) -> (i32)  : i32 {
      %mul3A_52 = arith.constant 31488 : i32
      %mul3A_53 = arith.muli %add3A, %mul3A_52 : i32
      %mul3A_54 = arith.constant 3936 : i32
      %mul3A_55 = arith.muli %scan3A_50, %mul3A_54 : i32
      %add3A_56 = arith.addi %mul3A_53, %mul3A_55 : i32
      "tpu.region"() ({
        %run_scoped3A = tpu.sem_alloc : memref<!tpu.dma_semaphore, #tpu.memory_space<semaphore_mem>>
        %dma_start3A_65 = tpu.memref_slice %arg2[%add3A_56] : memref<1007616xi32, #tpu.memory_space<hbm>> -> memref<3936xi32, #tpu.memory_space<hbm>>
        %dma_start3A_66 = tpu.memref_slice %arg2[%add3A_56] : memref<1007616xi32, #tpu.memory_space<hbm>> -> memref<3936xi32, #tpu.memory_space<hbm>>
        tpu.enqueue_dma source(%dma_start3A_66 : memref<3936xi32, #tpu.memory_space<hbm>>) target(%arg14 : memref<3936xi32, #tpu.memory_space<vmem>>) target_semaphore(%run_scoped3A : memref<!tpu.dma_semaphore, #tpu.memory_space<semaphore_mem>>)
        %dma_wait3A_67 = tpu.memref_slice %arg2[%add3A_56] : memref<1007616xi32, #tpu.memory_space<hbm>> -> memref<3936xi32, #tpu.memory_space<hbm>>
        %dma_wait3A_68 = tpu.memref_slice %arg2[%add3A_56] : memref<1007616xi32, #tpu.memory_space<hbm>> -> memref<3936xi32, #tpu.memory_space<hbm>>
        tpu.wait_dma2 semaphore(%run_scoped3A : memref<!tpu.dma_semaphore, #tpu.memory_space<semaphore_mem>>) src(%dma_wait3A_68 : memref<3936xi32, #tpu.memory_space<hbm>>) dst(%arg14 : memref<3936xi32, #tpu.memory_space<vmem>>)
        tpu.yield
      }) : () -> ()
      "tpu.region"() ({
        %run_scoped3A = tpu.sem_alloc : memref<!tpu.dma_semaphore, #tpu.memory_space<semaphore_mem>>
        %dma_start3A_65 = tpu.memref_slice %arg3[%add3A_56] : memref<1007616xf32, #tpu.memory_space<hbm>> -> memref<3936xf32, #tpu.memory_space<hbm>>
        %dma_start3A_66 = tpu.memref_slice %arg3[%add3A_56] : memref<1007616xf32, #tpu.memory_space<hbm>> -> memref<3936xf32, #tpu.memory_space<hbm>>
        tpu.enqueue_dma source(%dma_start3A_66 : memref<3936xf32, #tpu.memory_space<hbm>>) target(%arg15 : memref<3936xf32, #tpu.memory_space<vmem>>) target_semaphore(%run_scoped3A : memref<!tpu.dma_semaphore, #tpu.memory_space<semaphore_mem>>)
        %dma_wait3A_67 = tpu.memref_slice %arg3[%add3A_56] : memref<1007616xf32, #tpu.memory_space<hbm>> -> memref<3936xf32, #tpu.memory_space<hbm>>
        %dma_wait3A_68 = tpu.memref_slice %arg3[%add3A_56] : memref<1007616xf32, #tpu.memory_space<hbm>> -> memref<3936xf32, #tpu.memory_space<hbm>>
        tpu.wait_dma2 semaphore(%run_scoped3A : memref<!tpu.dma_semaphore, #tpu.memory_space<semaphore_mem>>) src(%dma_wait3A_68 : memref<3936xf32, #tpu.memory_space<hbm>>) dst(%arg15 : memref<3936xf32, #tpu.memory_space<vmem>>)
        tpu.yield
      }) : () -> ()
      %scan3A_57 = arith.constant 0 : i32
      %scan3A_58 = arith.constant 0 : i32
      %scan3A_59 = arith.constant 246 : i32
      %scan3A_60 = arith.addi %scan3A_58, %scan3A_59 : i32
      %scan3A_61 = arith.constant 1 : i32
      %scan3A_62 = scf.for %scan3A_65 = %scan3A_58 to %scan3A_60 step %scan3A_61 iter_args(%scan3A_66 = %scan3A_57) -> (i32)  : i32 {
        %mul3A_67 = arith.constant 16 : i32
        %mul3A_68 = arith.muli %scan3A_65, %mul3A_67 : i32
        %get3A = arith.index_cast %mul3A_68 : i32 to index
        %get3A_69 = tpu.vector_load %arg14[%get3A] {strides = array<i32>} : memref<3936xi32, #tpu.memory_space<vmem>>, vector<16xi32>,
        %shift_right_logical3A_70 = arith.constant 15 : i32
        %shift_right_logical3A_71 = vector.broadcast %shift_right_logical3A_70 : i32 to vector<16xi32>
        %shift_right_logical3A_72 = arith.shrui %get3A_69, %shift_right_logical3A_71 : vector<16xi32>
        %lt3A = arith.constant 512 : i32
        %lt3A_73 = vector.broadcast %lt3A : i32 to vector<16xi32>
        %lt3A_74 = arith.cmpi slt, %shift_right_logical3A_72, %lt3A_73 : vector<16xi32>
        %mul3A_75 = arith.constant 16 : i32
        %mul3A_76 = vector.broadcast %mul3A_75 : i32 to vector<16xi32>
        %mul3A_77 = arith.muli %shift_right_logical3A_72, %mul3A_76 : vector<16xi32>
        %add3A_78 = arith.addi %mul3A_77, %iota3A : vector<16xi32>
        %masked_sort3A = arith.constant dense<true> : vector<16xi1>
        %masked_sort3A_79 = arith.constant -2147483648 : i32
        %masked_sort3A_80 = vector.broadcast %masked_sort3A_79 : i32 to vector<16xi32>
        %masked_sort3A_81 = arith.xori %add3A_78, %masked_sort3A_80 : vector<16xi32>
        %masked_sort3A_82, %masked_sort3A_83, %masked_sort3A_84 = tpu.sort %masked_sort3A_81, %iota3A masked %masked_sort3A : (vector<16xi32>, vector<16xi32>, vector<16xi1>) -> (vector<16xi1>, vector<16xi32>, vector<16xi32>)
        %masked_sort3A_85 = arith.xori %masked_sort3A_83, %masked_sort3A_80 : vector<16xi32>
        %shift_right_logical3A_86 = arith.constant 4 : i32
        %shift_right_logical3A_87 = vector.broadcast %shift_right_logical3A_86 : i32 to vector<16xi32>
        %shift_right_logical3A_88 = arith.shrui %masked_sort3A_85, %shift_right_logical3A_87 : vector<16xi32>
        %sub3A = arith.constant 1 : i32
        %sub3A_89 = vector.broadcast %sub3A : i32 to vector<16xi32>
        %sub3A_90 = arith.subi %iota3A, %sub3A_89 : vector<16xi32>
        %max3A = arith.constant 0 : i32
        %max3A_91 = vector.broadcast %max3A : i32 to vector<16xi32>
        %max3A_92 = arith.maxsi %sub3A_90, %max3A_91 : vector<16xi32>
        %lt3A_93 = arith.constant 0 : i32
        %lt3A_94 = vector.broadcast %lt3A_93 : i32 to vector<16xi32>
        %lt3A_95 = arith.cmpi slt, %max3A_92, %lt3A_94 : vector<16xi32>
        %add3A_96 = arith.constant 16 : i32
        %add3A_97 = vector.broadcast %add3A_96 : i32 to vector<16xi32>
        %add3A_98 = arith.addi %max3A_92, %add3A_97 : vector<16xi32>
        %select_n3A = arith.select %lt3A_95, %add3A_98, %max3A_92 : vector<16xi1>, vector<16xi32>
        %broadcast_in_dim3A = vector.shape_cast %select_n3A : vector<16xi32> to vector<16x1xi32>
        %gather3A = vector.shape_cast %broadcast_in_dim3A : vector<16x1xi32> to vector<16xi32>
        %gather3A_99 = tpu.dynamic_gather %shift_right_logical3A_88[%gather3A] in [0] : vector<16xi32>, vector<16xi32> -> vector<16xi32>
        %add3A_100 = arith.constant 1 : i32
        %add3A_101 = vector.broadcast %add3A_100 : i32 to vector<16xi32>
        %add3A_102 = arith.addi %iota3A, %add3A_101 : vector<16xi32>
        %min3A = arith.constant 15 : i32
        %min3A_103 = vector.broadcast %min3A : i32 to vector<16xi32>
        %min3A_104 = arith.minsi %add3A_102, %min3A_103 : vector<16xi32>
        %lt3A_105 = arith.constant 0 : i32
        %lt3A_106 = vector.broadcast %lt3A_105 : i32 to vector<16xi32>
        %lt3A_107 = arith.cmpi slt, %min3A_104, %lt3A_106 : vector<16xi32>
        %add3A_108 = arith.constant 16 : i32
        %add3A_109 = vector.broadcast %add3A_108 : i32 to vector<16xi32>
        %add3A_110 = arith.addi %min3A_104, %add3A_109 : vector<16xi32>
        %select_n3A_111 = arith.select %lt3A_107, %add3A_110, %min3A_104 : vector<16xi1>, vector<16xi32>
        %broadcast_in_dim3A_112 = vector.shape_cast %select_n3A_111 : vector<16xi32> to vector<16x1xi32>
        %gather3A_113 = vector.shape_cast %broadcast_in_dim3A_112 : vector<16x1xi32> to vector<16xi32>
        %gather3A_114 = tpu.dynamic_gather %shift_right_logical3A_88[%gather3A_113] in [0] : vector<16xi32>, vector<16xi32> -> vector<16xi32>
        %broadcast_in_dim3A_115 = arith.constant 0 : i32
        %broadcast_in_dim3A_116 = vector.broadcast %broadcast_in_dim3A_115 : i32 to vector<16xi32>
        %eq3A_117 = arith.constant 0 : i32
        %eq3A_118 = vector.broadcast %eq3A_117 : i32 to vector<16xi32>
        %eq3A_119 = arith.cmpi eq, %iota3A, %eq3A_118 : vector<16xi32>
        %ne3A = arith.cmpi ne, %shift_right_logical3A_88, %gather3A_99 : vector<16xi32>
        %or3A = arith.ori %eq3A_119, %ne3A : vector<16xi1>
        %select_n3A_120 = arith.select %or3A, %iota3A, %broadcast_in_dim3A_116 : vector<16xi1>, vector<16xi32>
        %broadcast_in_dim3A_121 = arith.constant true
        %broadcast_in_dim3A_122 = vector.broadcast %broadcast_in_dim3A_121 : i1 to vector<16xi1>
        %masked_cummax3A = arith.constant -2147483648 : i32
        %masked_cummax3A_123 = vector.broadcast %masked_cummax3A : i32 to vector<16xi32>
        %masked_cummax3A_124 = arith.xori %select_n3A_120, %masked_cummax3A_123 : vector<16xi32>
        %masked_cummax3A_125 = tpu.scan <max>, %masked_cummax3A_124 masked %broadcast_in_dim3A_122 : vector<16xi32>, vector<16xi1> -> vector<16xi32>
        %masked_cummax3A_126 = arith.xori %masked_cummax3A_125, %masked_cummax3A_123 : vector<16xi32>
        %sub3A_127 = arith.subi %iota3A, %masked_cummax3A_126 : vector<16xi32>
        %gather3A_128 = tpu.vector_load_idx %arg8[%shift_right_logical3A_88] : memref<640xi32, #tpu.memory_space<vmem>>[vector<16xi32>], vector<16xi32>,
        %add3A_129 = arith.addi %gather3A_128, %sub3A_127 : vector<16xi32>
        %eq3A_130 = arith.constant 15 : i32
        %eq3A_131 = vector.broadcast %eq3A_130 : i32 to vector<16xi32>
        %eq3A_132 = arith.cmpi eq, %iota3A, %eq3A_131 : vector<16xi32>
        %ne3A_133 = arith.cmpi ne, %shift_right_logical3A_88, %gather3A_114 : vector<16xi32>
        %or3A_134 = arith.ori %eq3A_132, %ne3A_133 : vector<16xi1>
        %add3A_135 = arith.constant 1 : i32
        %add3A_136 = vector.broadcast %add3A_135 : i32 to vector<16xi32>
        %add3A_137 = arith.addi %add3A_129, %add3A_136 : vector<16xi32>
        tpu.vector_store_idx %arg8[%shift_right_logical3A_88], %add3A_137 masked %or3A_134 : memref<640xi32, #tpu.memory_space<vmem>>[vector<16xi32>], vector<16xi32>, vector<16xi1>
        %and3A = arith.constant 32767 : i32
        %and3A_138 = vector.broadcast %and3A : i32 to vector<16xi32>
        %and3A_139 = arith.andi %get3A_69, %and3A_138 : vector<16xi32>
        %lt3A_140 = arith.constant 0 : i32
        %lt3A_141 = vector.broadcast %lt3A_140 : i32 to vector<16xi32>
        %lt3A_142 = arith.cmpi slt, %masked_sort3A_84, %lt3A_141 : vector<16xi32>
        %add3A_143 = arith.constant 16 : i32
        %add3A_144 = vector.broadcast %add3A_143 : i32 to vector<16xi32>
        %add3A_145 = arith.addi %masked_sort3A_84, %add3A_144 : vector<16xi32>
        %select_n3A_146 = arith.select %lt3A_142, %add3A_145, %masked_sort3A_84 : vector<16xi1>, vector<16xi32>
        %broadcast_in_dim3A_147 = vector.shape_cast %select_n3A_146 : vector<16xi32> to vector<16x1xi32>
        %gather3A_148 = vector.shape_cast %broadcast_in_dim3A_147 : vector<16x1xi32> to vector<16xi32>
        %gather3A_149 = tpu.dynamic_gather %and3A_139[%gather3A_148] in [0] : vector<16xi32>, vector<16xi32> -> vector<16xi32>
        %mul3A_150 = arith.constant 16 : i32
        %mul3A_151 = arith.muli %scan3A_65, %mul3A_150 : i32
        %get3A_152 = arith.index_cast %mul3A_151 : i32 to index
        %get3A_153 = tpu.vector_load %arg15[%get3A_152] {strides = array<i32>} : memref<3936xf32, #tpu.memory_space<vmem>>, vector<16xf32>,
        %lt3A_154 = arith.constant 0 : i32
        %lt3A_155 = vector.broadcast %lt3A_154 : i32 to vector<16xi32>
        %lt3A_156 = arith.cmpi slt, %masked_sort3A_84, %lt3A_155 : vector<16xi32>
        %add3A_157 = arith.constant 16 : i32
        %add3A_158 = vector.broadcast %add3A_157 : i32 to vector<16xi32>
        %add3A_159 = arith.addi %masked_sort3A_84, %add3A_158 : vector<16xi32>
        %select_n3A_160 = arith.select %lt3A_156, %add3A_159, %masked_sort3A_84 : vector<16xi1>, vector<16xi32>
        %broadcast_in_dim3A_161 = vector.shape_cast %select_n3A_160 : vector<16xi32> to vector<16x1xi32>
        %gather3A_162 = vector.shape_cast %broadcast_in_dim3A_161 : vector<16x1xi32> to vector<16xi32>
        %gather3A_163 = tpu.dynamic_gather %get3A_153[%gather3A_162] in [0] : vector<16xf32>, vector<16xi32> -> vector<16xf32>
        %lt3A_164 = arith.constant 8192 : i32
        %lt3A_165 = vector.broadcast %lt3A_164 : i32 to vector<16xi32>
        %lt3A_166 = arith.cmpi slt, %masked_sort3A_85, %lt3A_165 : vector<16xi32>
        %shift_right_logical3A_167 = arith.constant 4 : i32
        %shift_right_logical3A_168 = vector.broadcast %shift_right_logical3A_167 : i32 to vector<16xi32>
        %shift_right_logical3A_169 = arith.shrui %add3A_129, %shift_right_logical3A_168 : vector<16xi32>
        %jit3A = arith.constant 0 : i32
        %broadcast_in_dim3A_170 = vector.broadcast %jit3A : i32 to vector<16xi32>
        %select_n3A_171 = arith.select %lt3A_166, %shift_right_logical3A_169, %broadcast_in_dim3A_170 : vector<16xi1>, vector<16xi32>
        %and3A_172 = arith.constant 15 : i32
        %and3A_173 = vector.broadcast %and3A_172 : i32 to vector<16xi32>
        %and3A_174 = arith.andi %add3A_129, %and3A_173 : vector<16xi32>
        %jit3A_175 = arith.constant 0 : i32
        %broadcast_in_dim3A_176 = vector.broadcast %jit3A_175 : i32 to vector<16xi32>
        %select_n3A_177 = arith.select %lt3A_166, %and3A_174, %broadcast_in_dim3A_176 : vector<16xi1>, vector<16xi32>
        tpu.vector_store_idx %arg9[%select_n3A_171, %select_n3A_177], %gather3A_149 masked %lt3A_166 : memref<2482x16xi32, #tpu.memory_space<vmem>>[vector<16xi32>, vector<16xi32>], vector<16xi32>, vector<16xi1>
        tpu.vector_store_idx %arg10[%select_n3A_171, %select_n3A_177], %gather3A_163 masked %lt3A_166 : memref<2482x16xf32, #tpu.memory_space<vmem>>[vector<16xi32>, vector<16xi32>], vector<16xf32>, vector<16xi1>
        %scan3A_178 = arith.constant 0 : i32
        scf.yield %scan3A_178 : i32
      }
      %scan3A_63 = arith.constant 246 : i32
      %scan3A_64 = arith.constant 0 : i32
      scf.yield %scan3A_64 : i32
    }
    %scan3A_31 = arith.constant 8 : i32
    %shift_right_logical3A = arith.constant 4 : i32
    %shift_right_logical3A_32 = arith.shrui %scan3A_16#1, %shift_right_logical3A : i32
    %scan3A_33 = arith.constant 0 : i32
    %scan3A_34 = arith.constant 0 : i32
    %scan3A_35 = arith.constant 156 : i32
    %scan3A_36 = arith.addi %scan3A_34, %scan3A_35 : i32
    %scan3A_37 = arith.constant 1 : i32
    %scan3A_38 = scf.for %scan3A_50 = %scan3A_34 to %scan3A_36 step %scan3A_37 iter_args(%scan3A_51 = %scan3A_33) -> (i32)  : i32 {
      %mul3A_52 = arith.constant 16 : i32
      %mul3A_53 = arith.muli %scan3A_50, %mul3A_52 : i32
      %get3A = arith.index_cast %mul3A_53 : i32 to index
      %get3A_54 = tpu.vector_load %arg11[%get3A] {strides = array<i32>} : memref<2560xi32, #tpu.memory_space<vmem>>, vector<16xi32>,
      %broadcast_in_dim3A = arith.constant true
      %broadcast_in_dim3A_55 = vector.broadcast %broadcast_in_dim3A : i1 to vector<16xi1>
      %masked_cummax3A = arith.constant -2147483648 : i32
      %masked_cummax3A_56 = vector.broadcast %masked_cummax3A : i32 to vector<16xi32>
      %masked_cummax3A_57 = arith.xori %get3A_54, %masked_cummax3A_56 : vector<16xi32>
      %masked_cummax3A_58 = tpu.scan <max>, %masked_cummax3A_57 masked %broadcast_in_dim3A_55 : vector<16xi32>, vector<16xi1> -> vector<16xi32>
      %masked_cummax3A_59 = arith.xori %masked_cummax3A_58, %masked_cummax3A_56 : vector<16xi32>
      %broadcast_in_dim3A_60 = vector.broadcast %scan3A_51 : i32 to vector<16xi32>
      %max3A = arith.maxsi %masked_cummax3A_59, %broadcast_in_dim3A_60 : vector<16xi32>
      %gather3A = tpu.vector_load_idx %arg13[%max3A] : memref<512xi32, #tpu.memory_space<vmem>>[vector<16xi32>], vector<16xi32>,
      %mul3A_61 = arith.constant 16 : i32
      %mul3A_62 = arith.muli %scan3A_50, %mul3A_61 : i32
      %add3A_63 = vector.broadcast %mul3A_62 : i32 to vector<16xi32>
      %add3A_64 = arith.addi %add3A_63, %iota3A : vector<16xi32>
      %lt3A = vector.broadcast %shift_right_logical3A_32 : i32 to vector<16xi32>
      %lt3A_65 = arith.cmpi slt, %add3A_64, %lt3A : vector<16xi32>
      %add3A_66 = arith.addi %add3A_64, %gather3A : vector<16xi32>
      %jit3A = arith.constant 79617 : i32
      %broadcast_in_dim3A_67 = vector.broadcast %jit3A : i32 to vector<16xi32>
      %select_n3A = arith.select %lt3A_65, %add3A_66, %broadcast_in_dim3A_67 : vector<16xi1>, vector<16xi32>
      %mul3A_68 = arith.constant 16 : i32
      %mul3A_69 = arith.muli %scan3A_50, %mul3A_68 : i32
      %swap3A = arith.index_cast %mul3A_69 : i32 to index
      %swap3A_70 = tpu.vector_load %arg12[%swap3A] {strides = array<i32>} : memref<2482xi32, #tpu.memory_space<vmem>>, vector<16xi32>,
      tpu.vector_store %arg12[%swap3A], %select_n3A {strides = array<i32>} : memref<2482xi32, #tpu.memory_space<vmem>>, vector<16xi32>,
      %reduce_max3A = arith.constant true
      %reduce_max3A_71 = vector.broadcast %reduce_max3A : i1 to vector<16xi1>
      %reduce_max3A_72 = arith.constant -2147483648 : i32
      %reduce_max3A_73 = vector.broadcast %reduce_max3A_72 : i32 to vector<16xi32>
      %reduce_max3A_74 = arith.xori %max3A, %reduce_max3A_73 : vector<16xi32>
      %reduce_max3A_75 = tpu.scan <max>, %reduce_max3A_74 masked %reduce_max3A_71 : vector<16xi32>, vector<16xi1> -> vector<16xi32>
      %reduce_max3A_76 = arith.xori %reduce_max3A_75, %reduce_max3A_73 : vector<16xi32>
      %reduce_max3A_77 = vector.extract %reduce_max3A_76[15] : i32 from vector<16xi32>
      scf.yield %reduce_max3A_77 : i32
    }
    %scan3A_39 = arith.constant 156 : i32
    %dma_start3A = arith.constant 0 : i32
    %dma_start3A_40 = arith.constant 0 : i32
    %dma_start3A_41 = tpu.memref_slice %arg5[%dma_start3A, %dma_start3A_40] : memref<79618x16xi32, #tpu.memory_space<hbm>> -> memref<79618x16xi32, #tpu.memory_space<hbm>>
    tpu.enqueue_indirect_dma source(%arg9 : memref<2482x16xi32, #tpu.memory_space<vmem>>) target(%dma_start3A_41 : memref<79618x16xi32, #tpu.memory_space<hbm>>) offsets(%arg12 : memref<2482xi32, #tpu.memory_space<vmem>>) semaphore(%arg17 : memref<!tpu.dma_semaphore, #tpu.memory_space<semaphore_mem>>)
    %dma_start3A_42 = arith.constant 0 : i32
    %dma_start3A_43 = arith.constant 0 : i32
    %dma_start3A_44 = tpu.memref_slice %arg6[%dma_start3A_42, %dma_start3A_43] : memref<79618x16xf32, #tpu.memory_space<hbm>> -> memref<79618x16xf32, #tpu.memory_space<hbm>>
    tpu.enqueue_indirect_dma source(%arg10 : memref<2482x16xf32, #tpu.memory_space<vmem>>) target(%dma_start3A_44 : memref<79618x16xf32, #tpu.memory_space<hbm>>) offsets(%arg12 : memref<2482xi32, #tpu.memory_space<vmem>>) semaphore(%arg17 : memref<!tpu.dma_semaphore, #tpu.memory_space<semaphore_mem>>)
    %dma_wait3A = arith.constant 0 : i32
    %dma_wait3A_45 = arith.constant 0 : i32
    %dma_wait3A_46 = tpu.memref_slice %arg5[%dma_wait3A, %dma_wait3A_45] : memref<79618x16xi32, #tpu.memory_space<hbm>> -> memref<79618x16xi32, #tpu.memory_space<hbm>>
    tpu.wait_indirect_dma semaphore(%arg17 : memref<!tpu.dma_semaphore, #tpu.memory_space<semaphore_mem>>) src(%arg9 : memref<2482x16xi32, #tpu.memory_space<vmem>>) dst(%dma_wait3A_46 : memref<79618x16xi32, #tpu.memory_space<hbm>>)
    %dma_wait3A_47 = arith.constant 0 : i32
    %dma_wait3A_48 = arith.constant 0 : i32
    %dma_wait3A_49 = tpu.memref_slice %arg6[%dma_wait3A_47, %dma_wait3A_48] : memref<79618x16xf32, #tpu.memory_space<hbm>> -> memref<79618x16xf32, #tpu.memory_space<hbm>>
    tpu.wait_indirect_dma semaphore(%arg17 : memref<!tpu.dma_semaphore, #tpu.memory_space<semaphore_mem>>) src(%arg10 : memref<2482x16xf32, #tpu.memory_space<vmem>>) dst(%dma_wait3A_49 : memref<79618x16xf32, #tpu.memory_space<hbm>>)
    return
  }
}

#map = affine_map<(d0, d1) -> (0)>
module attributes {stable_mosaic.version = 14 : i64} {
  func.func @_sc_emit_body(%arg0: i32, %arg1: i32, %arg2: memref<1273888xi32, #tpu.memory_space<hbm>>, %arg3: memref<1273888xf32, #tpu.memory_space<hbm>>, %arg4: memref<16384xi32, #tpu.memory_space<hbm>>, %arg5: memref<16777216xf32, #tpu.memory_space<hbm>>, %arg6: memref<16384xi32, #tpu.memory_space<vmem>>, %arg7: memref<32768xi32, #tpu.memory_space<vmem>>, %arg8: memref<32768xf32, #tpu.memory_space<vmem>>, %arg9: memref<4096xi32, #tpu.memory_space<vmem>>, %arg10: memref<4096xf32, #tpu.memory_space<vmem>>, %arg11: memref<16xi32, #tpu.memory_space<smem>>, %arg12: memref<16xi32, #tpu.memory_space<smem>>) attributes {dimension_semantics = [#tpu.dimension_semantics<core_parallel>, #tpu.dimension_semantics<subcore_parallel>], iteration_bounds = array<i64: 2, 16>, scalar_prefetch = 0 : i64, scratch_operands = 7 : i64, tpu.core_type = #tpu.core_type<sc_vector_subcore>, window_params = [{transform_indices = #map}, {transform_indices = #map}, {transform_indices = #map}, {transform_indices = #map}]} {
    %mul3A = arith.constant 2 : i32
    %mul3A_0 = arith.muli %arg1, %mul3A : i32
    %add3A = arith.addi %mul3A_0, %arg0 : i32
    %iota3A = tpu.iota {dimensions = array<i32: 0>} : vector<16xi32>
    "tpu.region"() ({
      %run_scoped3A = tpu.sem_alloc : memref<!tpu.dma_semaphore, #tpu.memory_space<semaphore_mem>>
      tpu.enqueue_dma source(%arg4 : memref<16384xi32, #tpu.memory_space<hbm>>) target(%arg6 : memref<16384xi32, #tpu.memory_space<vmem>>) target_semaphore(%run_scoped3A : memref<!tpu.dma_semaphore, #tpu.memory_space<semaphore_mem>>)
      tpu.wait_dma2 semaphore(%run_scoped3A : memref<!tpu.dma_semaphore, #tpu.memory_space<semaphore_mem>>) src(%arg4 : memref<16384xi32, #tpu.memory_space<hbm>>) dst(%arg6 : memref<16384xi32, #tpu.memory_space<vmem>>)
      tpu.yield
    }) : () -> ()
    %scan3A = arith.constant 0 : i32
    %scan3A_1 = arith.constant 0 : i32
    %scan3A_2 = arith.constant 512 : i32
    %scan3A_3 = arith.addi %scan3A_1, %scan3A_2 : i32
    %scan3A_4 = arith.constant 1 : i32
    %scan3A_5 = scf.for %scan3A_21 = %scan3A_1 to %scan3A_3 step %scan3A_4 iter_args(%scan3A_22 = %scan3A) -> (i32)  : i32 {
      %mul3A_23 = arith.constant 512 : i32
      %mul3A_24 = vector.broadcast %mul3A_23 : i32 to vector<16xi32>
      %mul3A_25 = arith.muli %iota3A, %mul3A_24 : vector<16xi32>
      %add3A_26 = vector.broadcast %scan3A_21 : i32 to vector<16xi32>
      %add3A_27 = arith.addi %mul3A_25, %add3A_26 : vector<16xi32>
      %gather3A = tpu.vector_load_idx %arg6[%add3A_27] : memref<16384xi32, #tpu.memory_space<vmem>>[vector<16xi32>], vector<16xi32>,
      %add3A_28 = arith.constant 16 : i32
      %add3A_29 = vector.broadcast %add3A_28 : i32 to vector<16xi32>
      %add3A_30 = arith.addi %iota3A, %add3A_29 : vector<16xi32>
      %mul3A_31 = arith.constant 512 : i32
      %mul3A_32 = vector.broadcast %mul3A_31 : i32 to vector<16xi32>
      %mul3A_33 = arith.muli %add3A_30, %mul3A_32 : vector<16xi32>
      %add3A_34 = vector.broadcast %scan3A_21 : i32 to vector<16xi32>
      %add3A_35 = arith.addi %mul3A_33, %add3A_34 : vector<16xi32>
      %gather3A_36 = tpu.vector_load_idx %arg6[%add3A_35] : memref<16384xi32, #tpu.memory_space<vmem>>[vector<16xi32>], vector<16xi32>,
      %add3A_37 = arith.constant 15 : i32
      %add3A_38 = vector.broadcast %add3A_37 : i32 to vector<16xi32>
      %add3A_39 = arith.addi %gather3A, %add3A_38 : vector<16xi32>
      %and3A = arith.constant -16 : i32
      %and3A_40 = vector.broadcast %and3A : i32 to vector<16xi32>
      %and3A_41 = arith.andi %add3A_39, %and3A_40 : vector<16xi32>
      %add3A_42 = arith.constant 15 : i32
      %add3A_43 = vector.broadcast %add3A_42 : i32 to vector<16xi32>
      %add3A_44 = arith.addi %gather3A_36, %add3A_43 : vector<16xi32>
      %and3A_45 = arith.constant -16 : i32
      %and3A_46 = vector.broadcast %and3A_45 : i32 to vector<16xi32>
      %and3A_47 = arith.andi %add3A_44, %and3A_46 : vector<16xi32>
      %reduce_sum3A = arith.constant true
      %reduce_sum3A_48 = vector.broadcast %reduce_sum3A : i1 to vector<16xi1>
      %reduce_sum3A_49 = tpu.scan <sum>, %and3A_41 masked %reduce_sum3A_48 : vector<16xi32>, vector<16xi1> -> vector<16xi32>
      %reduce_sum3A_50 = vector.extract %reduce_sum3A_49[15] : i32 from vector<16xi32>
      %reduce_sum3A_51 = arith.constant true
      %reduce_sum3A_52 = vector.broadcast %reduce_sum3A_51 : i1 to vector<16xi1>
      %reduce_sum3A_53 = tpu.scan <sum>, %and3A_47 masked %reduce_sum3A_52 : vector<16xi32>, vector<16xi1> -> vector<16xi32>
      %reduce_sum3A_54 = vector.extract %reduce_sum3A_53[15] : i32 from vector<16xi32>
      %add3A_55 = arith.addi %reduce_sum3A_50, %reduce_sum3A_54 : i32
      %shift_right_logical3A = arith.constant 5 : i32
      %shift_right_logical3A_56 = arith.shrui %scan3A_21, %shift_right_logical3A : i32
      %and3A_57 = arith.constant 31 : i32
      %and3A_58 = arith.andi %scan3A_21, %and3A_57 : i32
      %eq3A = arith.cmpi eq, %and3A_58, %add3A : i32
      %convert_element_type3A = arith.extui %eq3A : i1 to i32
      %cond3A = arith.constant 0 : i32
      %cond3A_59 = arith.cmpi ne, %convert_element_type3A, %cond3A : i32
      scf.if %cond3A_59 {
        %swap3A = arith.index_cast %shift_right_logical3A_56 : i32 to index
        %swap3A_61 = memref.load %arg11[%swap3A] : memref<16xi32, #tpu.memory_space<smem>>
        memref.store %scan3A_22, %arg11[%swap3A] : memref<16xi32, #tpu.memory_space<smem>>
        %swap3A_62 = arith.index_cast %shift_right_logical3A_56 : i32 to index
        %swap3A_63 = memref.load %arg12[%swap3A_62] : memref<16xi32, #tpu.memory_space<smem>>
        memref.store %add3A_55, %arg12[%swap3A_62] : memref<16xi32, #tpu.memory_space<smem>>
      } else {
      }
      %add3A_60 = arith.addi %scan3A_22, %add3A_55 : i32
      scf.yield %add3A_60 : i32
    }
    %scan3A_6 = arith.constant 512 : i32
    %scan3A_7 = arith.constant 0 : i32
    %scan3A_8 = arith.constant 0 : i32
    %scan3A_9 = arith.constant 512 : i32
    %scan3A_10 = arith.addi %scan3A_8, %scan3A_9 : i32
    %scan3A_11 = arith.constant 1 : i32
    %scan3A_12 = scf.for %scan3A_21 = %scan3A_8 to %scan3A_10 step %scan3A_11 iter_args(%scan3A_22 = %scan3A_7) -> (i32)  : i32 {
      %broadcast_in_dim3A = arith.constant 0 : i32
      %broadcast_in_dim3A_23 = vector.broadcast %broadcast_in_dim3A : i32 to vector<16xi32>
      %mul3A_24 = arith.constant 64 : i32
      %mul3A_25 = arith.muli %scan3A_21, %mul3A_24 : i32
      %swap3A = arith.index_cast %mul3A_25 : i32 to index
      %swap3A_26 = tpu.vector_load %arg7[%swap3A] {strides = array<i32>} : memref<32768xi32, #tpu.memory_space<vmem>>, vector<16xi32>,
      tpu.vector_store %arg7[%swap3A], %broadcast_in_dim3A_23 {strides = array<i32>} : memref<32768xi32, #tpu.memory_space<vmem>>, vector<16xi32>,
      %mul3A_27 = arith.constant 64 : i32
      %mul3A_28 = arith.muli %scan3A_21, %mul3A_27 : i32
      %add3A_29 = arith.constant 16 : i32
      %add3A_30 = arith.addi %mul3A_28, %add3A_29 : i32
      %swap3A_31 = arith.index_cast %add3A_30 : i32 to index
      %swap3A_32 = tpu.vector_load %arg7[%swap3A_31] {strides = array<i32>} : memref<32768xi32, #tpu.memory_space<vmem>>, vector<16xi32>,
      tpu.vector_store %arg7[%swap3A_31], %broadcast_in_dim3A_23 {strides = array<i32>} : memref<32768xi32, #tpu.memory_space<vmem>>, vector<16xi32>,
      %mul3A_33 = arith.constant 64 : i32
      %mul3A_34 = arith.muli %scan3A_21, %mul3A_33 : i32
      %add3A_35 = arith.constant 32 : i32
      %add3A_36 = arith.addi %mul3A_34, %add3A_35 : i32
      %swap3A_37 = arith.index_cast %add3A_36 : i32 to index
      %swap3A_38 = tpu.vector_load %arg7[%swap3A_37] {strides = array<i32>} : memref<32768xi32, #tpu.memory_space<vmem>>, vector<16xi32>,
      tpu.vector_store %arg7[%swap3A_37], %broadcast_in_dim3A_23 {strides = array<i32>} : memref<32768xi32, #tpu.memory_space<vmem>>, vector<16xi32>,
      %mul3A_39 = arith.constant 64 : i32
      %mul3A_40 = arith.muli %scan3A_21, %mul3A_39 : i32
      %add3A_41 = arith.constant 48 : i32
      %add3A_42 = arith.addi %mul3A_40, %add3A_41 : i32
      %swap3A_43 = arith.index_cast %add3A_42 : i32 to index
      %swap3A_44 = tpu.vector_load %arg7[%swap3A_43] {strides = array<i32>} : memref<32768xi32, #tpu.memory_space<vmem>>, vector<16xi32>,
      tpu.vector_store %arg7[%swap3A_43], %broadcast_in_dim3A_23 {strides = array<i32>} : memref<32768xi32, #tpu.memory_space<vmem>>, vector<16xi32>,
      %scan3A_45 = arith.constant 0 : i32
      scf.yield %scan3A_45 : i32
    }
    %scan3A_13 = arith.constant 512 : i32
    %scan3A_14 = arith.constant 0 : i32
    %scan3A_15 = arith.constant 0 : i32
    %scan3A_16 = arith.constant 16 : i32
    %scan3A_17 = arith.addi %scan3A_15, %scan3A_16 : i32
    %scan3A_18 = arith.constant 1 : i32
    %scan3A_19 = scf.for %scan3A_21 = %scan3A_15 to %scan3A_17 step %scan3A_18 iter_args(%scan3A_22 = %scan3A_14) -> (i32)  : i32 {
      %mul3A_23 = arith.constant 32 : i32
      %mul3A_24 = arith.muli %scan3A_21, %mul3A_23 : i32
      %add3A_25 = arith.addi %mul3A_24, %add3A : i32
      %get3A = arith.index_cast %scan3A_21 : i32 to index
      %get3A_26 = memref.load %arg11[%get3A] : memref<16xi32, #tpu.memory_space<smem>>
      %multiple_of3A = tpu.assume_multiple %get3A_26, 16 : i32
      %get3A_27 = arith.index_cast %scan3A_21 : i32 to index
      %get3A_28 = memref.load %arg12[%get3A_27] : memref<16xi32, #tpu.memory_space<smem>>
      %add3A_29 = arith.constant 1 : i32
      %add3A_30 = arith.addi %scan3A_21, %add3A_29 : i32
      %shift_left3A = arith.constant 21 : i32
      %shift_left3A_31 = arith.shli %add3A_30, %shift_left3A : i32
      %scan3A_32 = arith.constant 0 : i32
      %scan3A_33 = arith.constant 0 : i32
      %scan3A_34 = arith.constant 512 : i32
      %scan3A_35 = arith.addi %scan3A_33, %scan3A_34 : i32
      %scan3A_36 = arith.constant 1 : i32
      %scan3A_37 = scf.for %scan3A_68 = %scan3A_33 to %scan3A_35 step %scan3A_36 iter_args(%scan3A_69 = %scan3A_32) -> (i32)  : i32 {
        %broadcast_in_dim3A = arith.constant 0.000000e+00 : f32
        %broadcast_in_dim3A_70 = vector.broadcast %broadcast_in_dim3A : f32 to vector<16xf32>
        %mul3A_71 = arith.constant 64 : i32
        %mul3A_72 = arith.muli %scan3A_68, %mul3A_71 : i32
        %swap3A = arith.index_cast %mul3A_72 : i32 to index
        %swap3A_73 = tpu.vector_load %arg8[%swap3A] {strides = array<i32>} : memref<32768xf32, #tpu.memory_space<vmem>>, vector<16xf32>,
        tpu.vector_store %arg8[%swap3A], %broadcast_in_dim3A_70 {strides = array<i32>} : memref<32768xf32, #tpu.memory_space<vmem>>, vector<16xf32>,
        %mul3A_74 = arith.constant 64 : i32
        %mul3A_75 = arith.muli %scan3A_68, %mul3A_74 : i32
        %add3A_76 = arith.constant 16 : i32
        %add3A_77 = arith.addi %mul3A_75, %add3A_76 : i32
        %swap3A_78 = arith.index_cast %add3A_77 : i32 to index
        %swap3A_79 = tpu.vector_load %arg8[%swap3A_78] {strides = array<i32>} : memref<32768xf32, #tpu.memory_space<vmem>>, vector<16xf32>,
        tpu.vector_store %arg8[%swap3A_78], %broadcast_in_dim3A_70 {strides = array<i32>} : memref<32768xf32, #tpu.memory_space<vmem>>, vector<16xf32>,
        %mul3A_80 = arith.constant 64 : i32
        %mul3A_81 = arith.muli %scan3A_68, %mul3A_80 : i32
        %add3A_82 = arith.constant 32 : i32
        %add3A_83 = arith.addi %mul3A_81, %add3A_82 : i32
        %swap3A_84 = arith.index_cast %add3A_83 : i32 to index
        %swap3A_85 = tpu.vector_load %arg8[%swap3A_84] {strides = array<i32>} : memref<32768xf32, #tpu.memory_space<vmem>>, vector<16xf32>,
        tpu.vector_store %arg8[%swap3A_84], %broadcast_in_dim3A_70 {strides = array<i32>} : memref<32768xf32, #tpu.memory_space<vmem>>, vector<16xf32>,
        %mul3A_86 = arith.constant 64 : i32
        %mul3A_87 = arith.muli %scan3A_68, %mul3A_86 : i32
        %add3A_88 = arith.constant 48 : i32
        %add3A_89 = arith.addi %mul3A_87, %add3A_88 : i32
        %swap3A_90 = arith.index_cast %add3A_89 : i32 to index
        %swap3A_91 = tpu.vector_load %arg8[%swap3A_90] {strides = array<i32>} : memref<32768xf32, #tpu.memory_space<vmem>>, vector<16xf32>,
        tpu.vector_store %arg8[%swap3A_90], %broadcast_in_dim3A_70 {strides = array<i32>} : memref<32768xf32, #tpu.memory_space<vmem>>, vector<16xf32>,
        %scan3A_92 = arith.constant 0 : i32
        scf.yield %scan3A_92 : i32
      }
      %scan3A_38 = arith.constant 512 : i32
      %add3A_39 = arith.constant 4095 : i32
      %add3A_40 = arith.addi %get3A_28, %add3A_39 : i32
      %shift_right_logical3A = arith.constant 12 : i32
      %shift_right_logical3A_41 = arith.shrui %add3A_40, %shift_right_logical3A : i32
      %while3A = arith.constant 0 : i32
      %while3A_42 = arith.constant 0 : i32
      %while3A_43 = arith.subi %shift_right_logical3A_41, %while3A : i32
      %while3A_44 = arith.addi %while3A, %while3A_43 : i32
      %while3A_45 = arith.constant 1 : i32
      %while3A_46 = arith.divsi %while3A_43, %while3A_45 : i32
      %while3A_47 = arith.muli %while3A_46, %while3A_45 : i32
      %while3A_48 = arith.addi %while3A, %while3A_47 : i32
      %while3A_49 = arith.constant 1 : i32
      %while3A_50 = scf.for %while3A_68 = %while3A to %while3A_48 step %while3A_49 iter_args(%while3A_69 = %while3A_42) -> (i32)  : i32 {
        %mul3A_70 = arith.constant 4096 : i32
        %mul3A_71 = arith.muli %while3A_68, %mul3A_70 : i32
        %add3A_72 = arith.addi %multiple_of3A, %mul3A_71 : i32
        %multiple_of3A_73 = tpu.assume_multiple %add3A_72, 16 : i32
        "tpu.region"() ({
          %run_scoped3A = tpu.sem_alloc : memref<!tpu.dma_semaphore, #tpu.memory_space<semaphore_mem>>
          %dma_start3A = tpu.memref_slice %arg2[%multiple_of3A_73] : memref<1273888xi32, #tpu.memory_space<hbm>> -> memref<4096xi32, #tpu.memory_space<hbm>>
          %dma_start3A_82 = tpu.memref_slice %arg2[%multiple_of3A_73] : memref<1273888xi32, #tpu.memory_space<hbm>> -> memref<4096xi32, #tpu.memory_space<hbm>>
          tpu.enqueue_dma source(%dma_start3A_82 : memref<4096xi32, #tpu.memory_space<hbm>>) target(%arg9 : memref<4096xi32, #tpu.memory_space<vmem>>) target_semaphore(%run_scoped3A : memref<!tpu.dma_semaphore, #tpu.memory_space<semaphore_mem>>)
          %dma_wait3A = tpu.memref_slice %arg2[%multiple_of3A_73] : memref<1273888xi32, #tpu.memory_space<hbm>> -> memref<4096xi32, #tpu.memory_space<hbm>>
          %dma_wait3A_83 = tpu.memref_slice %arg2[%multiple_of3A_73] : memref<1273888xi32, #tpu.memory_space<hbm>> -> memref<4096xi32, #tpu.memory_space<hbm>>
          tpu.wait_dma2 semaphore(%run_scoped3A : memref<!tpu.dma_semaphore, #tpu.memory_space<semaphore_mem>>) src(%dma_wait3A_83 : memref<4096xi32, #tpu.memory_space<hbm>>) dst(%arg9 : memref<4096xi32, #tpu.memory_space<vmem>>)
          tpu.yield
        }) : () -> ()
        %scan3A_74 = arith.constant 0 : i32
        %scan3A_75 = arith.constant 0 : i32
        %scan3A_76 = arith.constant 256 : i32
        %scan3A_77 = arith.addi %scan3A_75, %scan3A_76 : i32
        %scan3A_78 = arith.constant 1 : i32
        %scan3A_79 = scf.for %scan3A_82 = %scan3A_75 to %scan3A_77 step %scan3A_78 iter_args(%scan3A_83 = %scan3A_74) -> (i32)  : i32 {
          %mul3A_84 = arith.constant 16 : i32
          %mul3A_85 = arith.muli %scan3A_82, %mul3A_84 : i32
          %get3A_86 = arith.index_cast %mul3A_85 : i32 to index
          %get3A_87 = tpu.vector_load %arg9[%get3A_86] {strides = array<i32>} : memref<4096xi32, #tpu.memory_space<vmem>>, vector<16xi32>,
          %mul3A_88 = arith.constant 4096 : i32
          %mul3A_89 = arith.muli %while3A_68, %mul3A_88 : i32
          %mul3A_90 = arith.constant 16 : i32
          %mul3A_91 = arith.muli %scan3A_82, %mul3A_90 : i32
          %add3A_92 = arith.addi %mul3A_89, %mul3A_91 : i32
          %add3A_93 = vector.broadcast %add3A_92 : i32 to vector<16xi32>
          %add3A_94 = arith.addi %add3A_93, %iota3A : vector<16xi32>
          %add3A_95 = vector.broadcast %shift_left3A_31 : i32 to vector<16xi32>
          %add3A_96 = arith.addi %add3A_94, %add3A_95 : vector<16xi32>
          %lt3A = vector.broadcast %get3A_28 : i32 to vector<16xi32>
          %lt3A_97 = arith.cmpi slt, %add3A_94, %lt3A : vector<16xi32>
          %lt3A_98 = arith.constant 32768 : i32
          %lt3A_99 = vector.broadcast %lt3A_98 : i32 to vector<16xi32>
          %lt3A_100 = arith.cmpi slt, %get3A_87, %lt3A_99 : vector<16xi32>
          %and3A = arith.andi %lt3A_97, %lt3A_100 : vector<16xi1>
          %and3A_101 = arith.constant 32767 : i32
          %and3A_102 = vector.broadcast %and3A_101 : i32 to vector<16xi32>
          %and3A_103 = arith.andi %get3A_87, %and3A_102 : vector<16xi32>
          %while3A_104 = arith.constant true
          %while3A_105 = scf.while (%while3A_107 = %while3A_104) : (i1) -> i1 {
            scf.condition(%while3A_107) %while3A_107 : i1
          } do {
          ^bb0(%while3A_107: i1):
            %gather3A = tpu.vector_load_idx %arg7[%and3A_103] : memref<32768xi32, #tpu.memory_space<vmem>>[vector<16xi32>], vector<16xi32>,
            %gt3A = arith.cmpi sgt, %add3A_96, %gather3A : vector<16xi32>
            %and3A_108 = arith.andi %gt3A, %and3A : vector<16xi1>
            tpu.vector_store_idx %arg7[%and3A_103], %add3A_96 masked %and3A_108 : memref<32768xi32, #tpu.memory_space<vmem>>[vector<16xi32>], vector<16xi32>, vector<16xi1>
            %reduce_or3A = arith.constant 1.000000e+00 : f32
            %reduce_or3A_109 = arith.constant 0.000000e+00 : f32
            %reduce_or3A_110 = vector.broadcast %reduce_or3A : f32 to vector<16xf32>
            %reduce_or3A_111 = vector.broadcast %reduce_or3A_109 : f32 to vector<16xf32>
            %reduce_or3A_112 = arith.select %and3A_108, %reduce_or3A_110, %reduce_or3A_111 : vector<16xi1>, vector<16xf32>
            %reduce_or3A_113 = arith.constant true
            %reduce_or3A_114 = vector.broadcast %reduce_or3A_113 : i1 to vector<16xi1>
            %reduce_or3A_115 = tpu.scan <max>, %reduce_or3A_112 masked %reduce_or3A_114 : vector<16xf32>, vector<16xi1> -> vector<16xf32>
            %reduce_or3A_116 = vector.extract %reduce_or3A_115[15] : f32 from vector<16xf32>
            %reduce_or3A_117 = arith.constant 0.000000e+00 : f32
            %reduce_or3A_118 = arith.cmpf ogt, %reduce_or3A_116, %reduce_or3A_117 : f32
            scf.yield %reduce_or3A_118 : i1
          }
          %scan3A_106 = arith.constant 0 : i32
          scf.yield %scan3A_106 : i32
        }
        %scan3A_80 = arith.constant 256 : i32
        %while3A_81 = arith.constant 0 : i32
        scf.yield %while3A_81 : i32
      }
      %while3A_51 = arith.constant 1 : i32
      %while3A_52 = scf.for %while3A_68 = %while3A_48 to %while3A_44 step %while3A_51 iter_args(%while3A_69 = %while3A_50) -> (i32)  : i32 {
        %mul3A_70 = arith.constant 4096 : i32
        %mul3A_71 = arith.muli %while3A_68, %mul3A_70 : i32
        %add3A_72 = arith.addi %multiple_of3A, %mul3A_71 : i32
        %multiple_of3A_73 = tpu.assume_multiple %add3A_72, 16 : i32
        "tpu.region"() ({
          %run_scoped3A = tpu.sem_alloc : memref<!tpu.dma_semaphore, #tpu.memory_space<semaphore_mem>>
          %dma_start3A = tpu.memref_slice %arg2[%multiple_of3A_73] : memref<1273888xi32, #tpu.memory_space<hbm>> -> memref<4096xi32, #tpu.memory_space<hbm>>
          %dma_start3A_82 = tpu.memref_slice %arg2[%multiple_of3A_73] : memref<1273888xi32, #tpu.memory_space<hbm>> -> memref<4096xi32, #tpu.memory_space<hbm>>
          tpu.enqueue_dma source(%dma_start3A_82 : memref<4096xi32, #tpu.memory_space<hbm>>) target(%arg9 : memref<4096xi32, #tpu.memory_space<vmem>>) target_semaphore(%run_scoped3A : memref<!tpu.dma_semaphore, #tpu.memory_space<semaphore_mem>>)
          %dma_wait3A = tpu.memref_slice %arg2[%multiple_of3A_73] : memref<1273888xi32, #tpu.memory_space<hbm>> -> memref<4096xi32, #tpu.memory_space<hbm>>
          %dma_wait3A_83 = tpu.memref_slice %arg2[%multiple_of3A_73] : memref<1273888xi32, #tpu.memory_space<hbm>> -> memref<4096xi32, #tpu.memory_space<hbm>>
          tpu.wait_dma2 semaphore(%run_scoped3A : memref<!tpu.dma_semaphore, #tpu.memory_space<semaphore_mem>>) src(%dma_wait3A_83 : memref<4096xi32, #tpu.memory_space<hbm>>) dst(%arg9 : memref<4096xi32, #tpu.memory_space<vmem>>)
          tpu.yield
        }) : () -> ()
        %scan3A_74 = arith.constant 0 : i32
        %scan3A_75 = arith.constant 0 : i32
        %scan3A_76 = arith.constant 256 : i32
        %scan3A_77 = arith.addi %scan3A_75, %scan3A_76 : i32
        %scan3A_78 = arith.constant 1 : i32
        %scan3A_79 = scf.for %scan3A_82 = %scan3A_75 to %scan3A_77 step %scan3A_78 iter_args(%scan3A_83 = %scan3A_74) -> (i32)  : i32 {
          %mul3A_84 = arith.constant 16 : i32
          %mul3A_85 = arith.muli %scan3A_82, %mul3A_84 : i32
          %get3A_86 = arith.index_cast %mul3A_85 : i32 to index
          %get3A_87 = tpu.vector_load %arg9[%get3A_86] {strides = array<i32>} : memref<4096xi32, #tpu.memory_space<vmem>>, vector<16xi32>,
          %mul3A_88 = arith.constant 4096 : i32
          %mul3A_89 = arith.muli %while3A_68, %mul3A_88 : i32
          %mul3A_90 = arith.constant 16 : i32
          %mul3A_91 = arith.muli %scan3A_82, %mul3A_90 : i32
          %add3A_92 = arith.addi %mul3A_89, %mul3A_91 : i32
          %add3A_93 = vector.broadcast %add3A_92 : i32 to vector<16xi32>
          %add3A_94 = arith.addi %add3A_93, %iota3A : vector<16xi32>
          %add3A_95 = vector.broadcast %shift_left3A_31 : i32 to vector<16xi32>
          %add3A_96 = arith.addi %add3A_94, %add3A_95 : vector<16xi32>
          %lt3A = vector.broadcast %get3A_28 : i32 to vector<16xi32>
          %lt3A_97 = arith.cmpi slt, %add3A_94, %lt3A : vector<16xi32>
          %lt3A_98 = arith.constant 32768 : i32
          %lt3A_99 = vector.broadcast %lt3A_98 : i32 to vector<16xi32>
          %lt3A_100 = arith.cmpi slt, %get3A_87, %lt3A_99 : vector<16xi32>
          %and3A = arith.andi %lt3A_97, %lt3A_100 : vector<16xi1>
          %and3A_101 = arith.constant 32767 : i32
          %and3A_102 = vector.broadcast %and3A_101 : i32 to vector<16xi32>
          %and3A_103 = arith.andi %get3A_87, %and3A_102 : vector<16xi32>
          %while3A_104 = arith.constant true
          %while3A_105 = scf.while (%while3A_107 = %while3A_104) : (i1) -> i1 {
            scf.condition(%while3A_107) %while3A_107 : i1
          } do {
          ^bb0(%while3A_107: i1):
            %gather3A = tpu.vector_load_idx %arg7[%and3A_103] : memref<32768xi32, #tpu.memory_space<vmem>>[vector<16xi32>], vector<16xi32>,
            %gt3A = arith.cmpi sgt, %add3A_96, %gather3A : vector<16xi32>
            %and3A_108 = arith.andi %gt3A, %and3A : vector<16xi1>
            tpu.vector_store_idx %arg7[%and3A_103], %add3A_96 masked %and3A_108 : memref<32768xi32, #tpu.memory_space<vmem>>[vector<16xi32>], vector<16xi32>, vector<16xi1>
            %reduce_or3A = arith.constant 1.000000e+00 : f32
            %reduce_or3A_109 = arith.constant 0.000000e+00 : f32
            %reduce_or3A_110 = vector.broadcast %reduce_or3A : f32 to vector<16xf32>
            %reduce_or3A_111 = vector.broadcast %reduce_or3A_109 : f32 to vector<16xf32>
            %reduce_or3A_112 = arith.select %and3A_108, %reduce_or3A_110, %reduce_or3A_111 : vector<16xi1>, vector<16xf32>
            %reduce_or3A_113 = arith.constant true
            %reduce_or3A_114 = vector.broadcast %reduce_or3A_113 : i1 to vector<16xi1>
            %reduce_or3A_115 = tpu.scan <max>, %reduce_or3A_112 masked %reduce_or3A_114 : vector<16xf32>, vector<16xi1> -> vector<16xf32>
            %reduce_or3A_116 = vector.extract %reduce_or3A_115[15] : f32 from vector<16xf32>
            %reduce_or3A_117 = arith.constant 0.000000e+00 : f32
            %reduce_or3A_118 = arith.cmpf ogt, %reduce_or3A_116, %reduce_or3A_117 : f32
            scf.yield %reduce_or3A_118 : i1
          }
          %scan3A_106 = arith.constant 0 : i32
          scf.yield %scan3A_106 : i32
        }
        %scan3A_80 = arith.constant 256 : i32
        %while3A_81 = arith.constant 0 : i32
        scf.yield %while3A_81 : i32
      }
      %while3A_53 = arith.constant 0 : i32
      %while3A_54 = arith.constant 0 : i32
      %while3A_55 = arith.subi %shift_right_logical3A_41, %while3A_53 : i32
      %while3A_56 = arith.addi %while3A_53, %while3A_55 : i32
      %while3A_57 = arith.constant 1 : i32
      %while3A_58 = arith.divsi %while3A_55, %while3A_57 : i32
      %while3A_59 = arith.muli %while3A_58, %while3A_57 : i32
      %while3A_60 = arith.addi %while3A_53, %while3A_59 : i32
      %while3A_61 = arith.constant 1 : i32
      %while3A_62 = scf.for %while3A_68 = %while3A_53 to %while3A_60 step %while3A_61 iter_args(%while3A_69 = %while3A_54) -> (i32)  : i32 {
        %mul3A_70 = arith.constant 4096 : i32
        %mul3A_71 = arith.muli %while3A_68, %mul3A_70 : i32
        %add3A_72 = arith.addi %multiple_of3A, %mul3A_71 : i32
        %multiple_of3A_73 = tpu.assume_multiple %add3A_72, 16 : i32
        "tpu.region"() ({
          %run_scoped3A = tpu.sem_alloc : memref<!tpu.dma_semaphore, #tpu.memory_space<semaphore_mem>>
          %dma_start3A = tpu.memref_slice %arg2[%multiple_of3A_73] : memref<1273888xi32, #tpu.memory_space<hbm>> -> memref<4096xi32, #tpu.memory_space<hbm>>
          %dma_start3A_86 = tpu.memref_slice %arg2[%multiple_of3A_73] : memref<1273888xi32, #tpu.memory_space<hbm>> -> memref<4096xi32, #tpu.memory_space<hbm>>
          tpu.enqueue_dma source(%dma_start3A_86 : memref<4096xi32, #tpu.memory_space<hbm>>) target(%arg9 : memref<4096xi32, #tpu.memory_space<vmem>>) target_semaphore(%run_scoped3A : memref<!tpu.dma_semaphore, #tpu.memory_space<semaphore_mem>>)
          %dma_wait3A = tpu.memref_slice %arg2[%multiple_of3A_73] : memref<1273888xi32, #tpu.memory_space<hbm>> -> memref<4096xi32, #tpu.memory_space<hbm>>
          %dma_wait3A_87 = tpu.memref_slice %arg2[%multiple_of3A_73] : memref<1273888xi32, #tpu.memory_space<hbm>> -> memref<4096xi32, #tpu.memory_space<hbm>>
          tpu.wait_dma2 semaphore(%run_scoped3A : memref<!tpu.dma_semaphore, #tpu.memory_space<semaphore_mem>>) src(%dma_wait3A_87 : memref<4096xi32, #tpu.memory_space<hbm>>) dst(%arg9 : memref<4096xi32, #tpu.memory_space<vmem>>)
          tpu.yield
        }) : () -> ()
        %mul3A_74 = arith.constant 4096 : i32
        %mul3A_75 = arith.muli %while3A_68, %mul3A_74 : i32
        %add3A_76 = arith.addi %multiple_of3A, %mul3A_75 : i32
        %multiple_of3A_77 = tpu.assume_multiple %add3A_76, 16 : i32
        "tpu.region"() ({
          %run_scoped3A = tpu.sem_alloc : memref<!tpu.dma_semaphore, #tpu.memory_space<semaphore_mem>>
          %dma_start3A = tpu.memref_slice %arg3[%multiple_of3A_77] : memref<1273888xf32, #tpu.memory_space<hbm>> -> memref<4096xf32, #tpu.memory_space<hbm>>
          %dma_start3A_86 = tpu.memref_slice %arg3[%multiple_of3A_77] : memref<1273888xf32, #tpu.memory_space<hbm>> -> memref<4096xf32, #tpu.memory_space<hbm>>
          tpu.enqueue_dma source(%dma_start3A_86 : memref<4096xf32, #tpu.memory_space<hbm>>) target(%arg10 : memref<4096xf32, #tpu.memory_space<vmem>>) target_semaphore(%run_scoped3A : memref<!tpu.dma_semaphore, #tpu.memory_space<semaphore_mem>>)
          %dma_wait3A = tpu.memref_slice %arg3[%multiple_of3A_77] : memref<1273888xf32, #tpu.memory_space<hbm>> -> memref<4096xf32, #tpu.memory_space<hbm>>
          %dma_wait3A_87 = tpu.memref_slice %arg3[%multiple_of3A_77] : memref<1273888xf32, #tpu.memory_space<hbm>> -> memref<4096xf32, #tpu.memory_space<hbm>>
          tpu.wait_dma2 semaphore(%run_scoped3A : memref<!tpu.dma_semaphore, #tpu.memory_space<semaphore_mem>>) src(%dma_wait3A_87 : memref<4096xf32, #tpu.memory_space<hbm>>) dst(%arg10 : memref<4096xf32, #tpu.memory_space<vmem>>)
          tpu.yield
        }) : () -> ()
        %scan3A_78 = arith.constant 0 : i32
        %scan3A_79 = arith.constant 0 : i32
        %scan3A_80 = arith.constant 256 : i32
        %scan3A_81 = arith.addi %scan3A_79, %scan3A_80 : i32
        %scan3A_82 = arith.constant 1 : i32
        %scan3A_83 = scf.for %scan3A_86 = %scan3A_79 to %scan3A_81 step %scan3A_82 iter_args(%scan3A_87 = %scan3A_78) -> (i32)  : i32 {
          %mul3A_88 = arith.constant 16 : i32
          %mul3A_89 = arith.muli %scan3A_86, %mul3A_88 : i32
          %get3A_90 = arith.index_cast %mul3A_89 : i32 to index
          %get3A_91 = tpu.vector_load %arg9[%get3A_90] {strides = array<i32>} : memref<4096xi32, #tpu.memory_space<vmem>>, vector<16xi32>,
          %mul3A_92 = arith.constant 4096 : i32
          %mul3A_93 = arith.muli %while3A_68, %mul3A_92 : i32
          %mul3A_94 = arith.constant 16 : i32
          %mul3A_95 = arith.muli %scan3A_86, %mul3A_94 : i32
          %add3A_96 = arith.addi %mul3A_93, %mul3A_95 : i32
          %add3A_97 = vector.broadcast %add3A_96 : i32 to vector<16xi32>
          %add3A_98 = arith.addi %add3A_97, %iota3A : vector<16xi32>
          %add3A_99 = vector.broadcast %shift_left3A_31 : i32 to vector<16xi32>
          %add3A_100 = arith.addi %add3A_98, %add3A_99 : vector<16xi32>
          %lt3A = vector.broadcast %get3A_28 : i32 to vector<16xi32>
          %lt3A_101 = arith.cmpi slt, %add3A_98, %lt3A : vector<16xi32>
          %lt3A_102 = arith.constant 32768 : i32
          %lt3A_103 = vector.broadcast %lt3A_102 : i32 to vector<16xi32>
          %lt3A_104 = arith.cmpi slt, %get3A_91, %lt3A_103 : vector<16xi32>
          %and3A = arith.andi %lt3A_101, %lt3A_104 : vector<16xi1>
          %and3A_105 = arith.constant 32767 : i32
          %and3A_106 = vector.broadcast %and3A_105 : i32 to vector<16xi32>
          %and3A_107 = arith.andi %get3A_91, %and3A_106 : vector<16xi32>
          %gather3A = tpu.vector_load_idx %arg7[%and3A_107] : memref<32768xi32, #tpu.memory_space<vmem>>[vector<16xi32>], vector<16xi32>,
          %eq3A = arith.cmpi eq, %gather3A, %add3A_100 : vector<16xi32>
          %and3A_108 = arith.andi %eq3A, %and3A : vector<16xi1>
          %mul3A_109 = arith.constant 16 : i32
          %mul3A_110 = arith.muli %scan3A_86, %mul3A_109 : i32
          %get3A_111 = arith.index_cast %mul3A_110 : i32 to index
          %get3A_112 = tpu.vector_load %arg10[%get3A_111] {strides = array<i32>} : memref<4096xf32, #tpu.memory_space<vmem>>, vector<16xf32>,
          tpu.vector_store_idx %arg8[%and3A_107], %get3A_112 masked %and3A_108 : memref<32768xf32, #tpu.memory_space<vmem>>[vector<16xi32>], vector<16xf32>, vector<16xi1>
          %scan3A_113 = arith.constant 0 : i32
          scf.yield %scan3A_113 : i32
        }
        %scan3A_84 = arith.constant 256 : i32
        %while3A_85 = arith.constant 0 : i32
        scf.yield %while3A_85 : i32
      }
      %while3A_63 = arith.constant 1 : i32
      %while3A_64 = scf.for %while3A_68 = %while3A_60 to %while3A_56 step %while3A_63 iter_args(%while3A_69 = %while3A_62) -> (i32)  : i32 {
        %mul3A_70 = arith.constant 4096 : i32
        %mul3A_71 = arith.muli %while3A_68, %mul3A_70 : i32
        %add3A_72 = arith.addi %multiple_of3A, %mul3A_71 : i32
        %multiple_of3A_73 = tpu.assume_multiple %add3A_72, 16 : i32
        "tpu.region"() ({
          %run_scoped3A = tpu.sem_alloc : memref<!tpu.dma_semaphore, #tpu.memory_space<semaphore_mem>>
          %dma_start3A = tpu.memref_slice %arg2[%multiple_of3A_73] : memref<1273888xi32, #tpu.memory_space<hbm>> -> memref<4096xi32, #tpu.memory_space<hbm>>
          %dma_start3A_86 = tpu.memref_slice %arg2[%multiple_of3A_73] : memref<1273888xi32, #tpu.memory_space<hbm>> -> memref<4096xi32, #tpu.memory_space<hbm>>
          tpu.enqueue_dma source(%dma_start3A_86 : memref<4096xi32, #tpu.memory_space<hbm>>) target(%arg9 : memref<4096xi32, #tpu.memory_space<vmem>>) target_semaphore(%run_scoped3A : memref<!tpu.dma_semaphore, #tpu.memory_space<semaphore_mem>>)
          %dma_wait3A = tpu.memref_slice %arg2[%multiple_of3A_73] : memref<1273888xi32, #tpu.memory_space<hbm>> -> memref<4096xi32, #tpu.memory_space<hbm>>
          %dma_wait3A_87 = tpu.memref_slice %arg2[%multiple_of3A_73] : memref<1273888xi32, #tpu.memory_space<hbm>> -> memref<4096xi32, #tpu.memory_space<hbm>>
          tpu.wait_dma2 semaphore(%run_scoped3A : memref<!tpu.dma_semaphore, #tpu.memory_space<semaphore_mem>>) src(%dma_wait3A_87 : memref<4096xi32, #tpu.memory_space<hbm>>) dst(%arg9 : memref<4096xi32, #tpu.memory_space<vmem>>)
          tpu.yield
        }) : () -> ()
        %mul3A_74 = arith.constant 4096 : i32
        %mul3A_75 = arith.muli %while3A_68, %mul3A_74 : i32
        %add3A_76 = arith.addi %multiple_of3A, %mul3A_75 : i32
        %multiple_of3A_77 = tpu.assume_multiple %add3A_76, 16 : i32
        "tpu.region"() ({
          %run_scoped3A = tpu.sem_alloc : memref<!tpu.dma_semaphore, #tpu.memory_space<semaphore_mem>>
          %dma_start3A = tpu.memref_slice %arg3[%multiple_of3A_77] : memref<1273888xf32, #tpu.memory_space<hbm>> -> memref<4096xf32, #tpu.memory_space<hbm>>
          %dma_start3A_86 = tpu.memref_slice %arg3[%multiple_of3A_77] : memref<1273888xf32, #tpu.memory_space<hbm>> -> memref<4096xf32, #tpu.memory_space<hbm>>
          tpu.enqueue_dma source(%dma_start3A_86 : memref<4096xf32, #tpu.memory_space<hbm>>) target(%arg10 : memref<4096xf32, #tpu.memory_space<vmem>>) target_semaphore(%run_scoped3A : memref<!tpu.dma_semaphore, #tpu.memory_space<semaphore_mem>>)
          %dma_wait3A = tpu.memref_slice %arg3[%multiple_of3A_77] : memref<1273888xf32, #tpu.memory_space<hbm>> -> memref<4096xf32, #tpu.memory_space<hbm>>
          %dma_wait3A_87 = tpu.memref_slice %arg3[%multiple_of3A_77] : memref<1273888xf32, #tpu.memory_space<hbm>> -> memref<4096xf32, #tpu.memory_space<hbm>>
          tpu.wait_dma2 semaphore(%run_scoped3A : memref<!tpu.dma_semaphore, #tpu.memory_space<semaphore_mem>>) src(%dma_wait3A_87 : memref<4096xf32, #tpu.memory_space<hbm>>) dst(%arg10 : memref<4096xf32, #tpu.memory_space<vmem>>)
          tpu.yield
        }) : () -> ()
        %scan3A_78 = arith.constant 0 : i32
        %scan3A_79 = arith.constant 0 : i32
        %scan3A_80 = arith.constant 256 : i32
        %scan3A_81 = arith.addi %scan3A_79, %scan3A_80 : i32
        %scan3A_82 = arith.constant 1 : i32
        %scan3A_83 = scf.for %scan3A_86 = %scan3A_79 to %scan3A_81 step %scan3A_82 iter_args(%scan3A_87 = %scan3A_78) -> (i32)  : i32 {
          %mul3A_88 = arith.constant 16 : i32
          %mul3A_89 = arith.muli %scan3A_86, %mul3A_88 : i32
          %get3A_90 = arith.index_cast %mul3A_89 : i32 to index
          %get3A_91 = tpu.vector_load %arg9[%get3A_90] {strides = array<i32>} : memref<4096xi32, #tpu.memory_space<vmem>>, vector<16xi32>,
          %mul3A_92 = arith.constant 4096 : i32
          %mul3A_93 = arith.muli %while3A_68, %mul3A_92 : i32
          %mul3A_94 = arith.constant 16 : i32
          %mul3A_95 = arith.muli %scan3A_86, %mul3A_94 : i32
          %add3A_96 = arith.addi %mul3A_93, %mul3A_95 : i32
          %add3A_97 = vector.broadcast %add3A_96 : i32 to vector<16xi32>
          %add3A_98 = arith.addi %add3A_97, %iota3A : vector<16xi32>
          %add3A_99 = vector.broadcast %shift_left3A_31 : i32 to vector<16xi32>
          %add3A_100 = arith.addi %add3A_98, %add3A_99 : vector<16xi32>
          %lt3A = vector.broadcast %get3A_28 : i32 to vector<16xi32>
          %lt3A_101 = arith.cmpi slt, %add3A_98, %lt3A : vector<16xi32>
          %lt3A_102 = arith.constant 32768 : i32
          %lt3A_103 = vector.broadcast %lt3A_102 : i32 to vector<16xi32>
          %lt3A_104 = arith.cmpi slt, %get3A_91, %lt3A_103 : vector<16xi32>
          %and3A = arith.andi %lt3A_101, %lt3A_104 : vector<16xi1>
          %and3A_105 = arith.constant 32767 : i32
          %and3A_106 = vector.broadcast %and3A_105 : i32 to vector<16xi32>
          %and3A_107 = arith.andi %get3A_91, %and3A_106 : vector<16xi32>
          %gather3A = tpu.vector_load_idx %arg7[%and3A_107] : memref<32768xi32, #tpu.memory_space<vmem>>[vector<16xi32>], vector<16xi32>,
          %eq3A = arith.cmpi eq, %gather3A, %add3A_100 : vector<16xi32>
          %and3A_108 = arith.andi %eq3A, %and3A : vector<16xi1>
          %mul3A_109 = arith.constant 16 : i32
          %mul3A_110 = arith.muli %scan3A_86, %mul3A_109 : i32
          %get3A_111 = arith.index_cast %mul3A_110 : i32 to index
          %get3A_112 = tpu.vector_load %arg10[%get3A_111] {strides = array<i32>} : memref<4096xf32, #tpu.memory_space<vmem>>, vector<16xf32>,
          tpu.vector_store_idx %arg8[%and3A_107], %get3A_112 masked %and3A_108 : memref<32768xf32, #tpu.memory_space<vmem>>[vector<16xi32>], vector<16xf32>, vector<16xi1>
          %scan3A_113 = arith.constant 0 : i32
          scf.yield %scan3A_113 : i32
        }
        %scan3A_84 = arith.constant 256 : i32
        %while3A_85 = arith.constant 0 : i32
        scf.yield %while3A_85 : i32
      }
      %mul3A_65 = arith.constant 32768 : i32
      %mul3A_66 = arith.muli %add3A_25, %mul3A_65 : i32
      "tpu.region"() ({
        %run_scoped3A = tpu.sem_alloc : memref<!tpu.dma_semaphore, #tpu.memory_space<semaphore_mem>>
        %dma_start3A = tpu.memref_slice %arg5[%mul3A_66] : memref<16777216xf32, #tpu.memory_space<hbm>> -> memref<32768xf32, #tpu.memory_space<hbm>>
        %dma_start3A_68 = tpu.memref_slice %arg5[%mul3A_66] : memref<16777216xf32, #tpu.memory_space<hbm>> -> memref<32768xf32, #tpu.memory_space<hbm>>
        tpu.enqueue_dma source(%arg8 : memref<32768xf32, #tpu.memory_space<vmem>>) target(%dma_start3A_68 : memref<32768xf32, #tpu.memory_space<hbm>>) target_semaphore(%run_scoped3A : memref<!tpu.dma_semaphore, #tpu.memory_space<semaphore_mem>>)
        %dma_wait3A = tpu.memref_slice %arg5[%mul3A_66] : memref<16777216xf32, #tpu.memory_space<hbm>> -> memref<32768xf32, #tpu.memory_space<hbm>>
        %dma_wait3A_69 = tpu.memref_slice %arg5[%mul3A_66] : memref<16777216xf32, #tpu.memory_space<hbm>> -> memref<32768xf32, #tpu.memory_space<hbm>>
        tpu.wait_dma2 semaphore(%run_scoped3A : memref<!tpu.dma_semaphore, #tpu.memory_space<semaphore_mem>>) src(%arg8 : memref<32768xf32, #tpu.memory_space<vmem>>) dst(%dma_wait3A_69 : memref<32768xf32, #tpu.memory_space<hbm>>)
        tpu.yield
      }) : () -> ()
      %scan3A_67 = arith.constant 0 : i32
      scf.yield %scan3A_67 : i32
    }
    %scan3A_20 = arith.constant 16 : i32
    return
  }
}

module attributes {stable_mosaic.version = 14 : i64} {
  func.func @_transform_body(%arg0: i32, %arg1: memref<20xf32, #tpu.memory_space<smem>>, %arg2: memref<4x8x1024xf32, #tpu.memory_space<vmem>>, %arg3: memref<8x1024xi32, #tpu.memory_space<vmem>>, %arg4: memref<8x1024xf32, #tpu.memory_space<vmem>>) attributes {dimension_semantics = [#tpu.dimension_semantics<arbitrary>], iteration_bounds = array<i64: 123>, scalar_prefetch = 0 : i64, scratch_operands = 0 : i64, tpu.core_type = #tpu.core_type<tc>, window_params = [{transform_indices = @transform_0, window_bounds = array<i64: 20>}, {transform_indices = @transform_1, window_bounds = array<i64: 4, 8, 1024>}, {transform_indices = @transform_2, window_bounds = array<i64: 8, 1024>}, {transform_indices = @transform_3, window_bounds = array<i64: 8, 1024>}]} {
    %get3A = arith.constant 0 : index
    %get3A_0 = arith.constant 0 : index
    %get3A_1 = arith.constant 0 : index
    %get3A_2 = vector.load %arg2[%get3A, %get3A_0, %get3A_1] : memref<4x8x1024xf32, #tpu.memory_space<vmem>>, vector<1x8x1024xf32>
    %get3A_3 = vector.shape_cast %get3A_2 : vector<1x8x1024xf32> to vector<8x1024xf32>
    %get3A_4 = arith.constant 1 : index
    %get3A_5 = arith.constant 0 : index
    %get3A_6 = arith.constant 0 : index
    %get3A_7 = vector.load %arg2[%get3A_4, %get3A_5, %get3A_6] : memref<4x8x1024xf32, #tpu.memory_space<vmem>>, vector<1x8x1024xf32>
    %get3A_8 = vector.shape_cast %get3A_7 : vector<1x8x1024xf32> to vector<8x1024xf32>
    %get3A_9 = arith.constant 2 : index
    %get3A_10 = arith.constant 0 : index
    %get3A_11 = arith.constant 0 : index
    %get3A_12 = vector.load %arg2[%get3A_9, %get3A_10, %get3A_11] : memref<4x8x1024xf32, #tpu.memory_space<vmem>>, vector<1x8x1024xf32>
    %get3A_13 = vector.shape_cast %get3A_12 : vector<1x8x1024xf32> to vector<8x1024xf32>
    %get3A_14 = arith.constant 0 : index
    %get3A_15 = memref.load %arg1[%get3A_14] : memref<20xf32, #tpu.memory_space<smem>>
    %get3A_16 = arith.constant 1 : index
    %get3A_17 = memref.load %arg1[%get3A_16] : memref<20xf32, #tpu.memory_space<smem>>
    %get3A_18 = arith.constant 2 : index
    %get3A_19 = memref.load %arg1[%get3A_18] : memref<20xf32, #tpu.memory_space<smem>>
    %get3A_20 = arith.constant 3 : index
    %get3A_21 = memref.load %arg1[%get3A_20] : memref<20xf32, #tpu.memory_space<smem>>
    %get3A_22 = arith.constant 4 : index
    %get3A_23 = memref.load %arg1[%get3A_22] : memref<20xf32, #tpu.memory_space<smem>>
    %get3A_24 = arith.constant 5 : index
    %get3A_25 = memref.load %arg1[%get3A_24] : memref<20xf32, #tpu.memory_space<smem>>
    %get3A_26 = arith.constant 6 : index
    %get3A_27 = memref.load %arg1[%get3A_26] : memref<20xf32, #tpu.memory_space<smem>>
    %get3A_28 = arith.constant 7 : index
    %get3A_29 = memref.load %arg1[%get3A_28] : memref<20xf32, #tpu.memory_space<smem>>
    %get3A_30 = arith.constant 8 : index
    %get3A_31 = memref.load %arg1[%get3A_30] : memref<20xf32, #tpu.memory_space<smem>>
    %get3A_32 = arith.constant 9 : index
    %get3A_33 = memref.load %arg1[%get3A_32] : memref<20xf32, #tpu.memory_space<smem>>
    %get3A_34 = arith.constant 10 : index
    %get3A_35 = memref.load %arg1[%get3A_34] : memref<20xf32, #tpu.memory_space<smem>>
    %get3A_36 = arith.constant 11 : index
    %get3A_37 = memref.load %arg1[%get3A_36] : memref<20xf32, #tpu.memory_space<smem>>
    %get3A_38 = arith.constant 12 : index
    %get3A_39 = memref.load %arg1[%get3A_38] : memref<20xf32, #tpu.memory_space<smem>>
    %get3A_40 = arith.constant 13 : index
    %get3A_41 = memref.load %arg1[%get3A_40] : memref<20xf32, #tpu.memory_space<smem>>
    %get3A_42 = arith.constant 14 : index
    %get3A_43 = memref.load %arg1[%get3A_42] : memref<20xf32, #tpu.memory_space<smem>>
    %get3A_44 = arith.constant 15 : index
    %get3A_45 = memref.load %arg1[%get3A_44] : memref<20xf32, #tpu.memory_space<smem>>
    %get3A_46 = arith.constant 16 : index
    %get3A_47 = memref.load %arg1[%get3A_46] : memref<20xf32, #tpu.memory_space<smem>>
    %get3A_48 = arith.constant 17 : index
    %get3A_49 = memref.load %arg1[%get3A_48] : memref<20xf32, #tpu.memory_space<smem>>
    %get3A_50 = arith.constant 18 : index
    %get3A_51 = memref.load %arg1[%get3A_50] : memref<20xf32, #tpu.memory_space<smem>>
    %get3A_52 = arith.constant 19 : index
    %get3A_53 = memref.load %arg1[%get3A_52] : memref<20xf32, #tpu.memory_space<smem>>
    %mul3A = arith.constant 0.0174532924 : f32
    %mul3A_54 = vector.broadcast %mul3A : f32 to vector<8x1024xf32>
    %mul3A_55 = arith.mulf %get3A_3, %mul3A_54 : vector<8x1024xf32>
    %mul3A_56 = arith.constant 0.0174532924 : f32
    %mul3A_57 = vector.broadcast %mul3A_56 : f32 to vector<8x1024xf32>
    %mul3A_58 = arith.mulf %get3A_8, %mul3A_57 : vector<8x1024xf32>
    %sin3A = math.sin %mul3A_55 : vector<8x1024xf32>
    %cos3A = math.cos %mul3A_55 : vector<8x1024xf32>
    %mul3A_59 = arith.constant 6.694380e-03 : f32
    %mul3A_60 = vector.broadcast %mul3A_59 : f32 to vector<8x1024xf32>
    %mul3A_61 = arith.mulf %mul3A_60, %sin3A : vector<8x1024xf32>
    %mul3A_62 = arith.mulf %mul3A_61, %sin3A : vector<8x1024xf32>
    %sub3A = arith.constant 1.000000e+00 : f32
    %sub3A_63 = vector.broadcast %sub3A : f32 to vector<8x1024xf32>
    %sub3A_64 = arith.subf %sub3A_63, %mul3A_62 : vector<8x1024xf32>
    %rsqrt3A = math.rsqrt %sub3A_64 : vector<8x1024xf32>
    %mul3A_65 = arith.constant 0x4AC2A532 : f32
    %mul3A_66 = vector.broadcast %mul3A_65 : f32 to vector<8x1024xf32>
    %mul3A_67 = arith.mulf %mul3A_66, %rsqrt3A : vector<8x1024xf32>
    %add3A = arith.addf %mul3A_67, %get3A_13 : vector<8x1024xf32>
    %mul3A_68 = arith.mulf %add3A, %cos3A : vector<8x1024xf32>
    %cos3A_69 = math.cos %mul3A_58 : vector<8x1024xf32>
    %mul3A_70 = arith.mulf %mul3A_68, %cos3A_69 : vector<8x1024xf32>
    %add3A_71 = arith.addf %mul3A_67, %get3A_13 : vector<8x1024xf32>
    %mul3A_72 = arith.mulf %add3A_71, %cos3A : vector<8x1024xf32>
    %sin3A_73 = math.sin %mul3A_58 : vector<8x1024xf32>
    %mul3A_74 = arith.mulf %mul3A_72, %sin3A_73 : vector<8x1024xf32>
    %mul3A_75 = arith.constant 0.993305623 : f32
    %mul3A_76 = vector.broadcast %mul3A_75 : f32 to vector<8x1024xf32>
    %mul3A_77 = arith.mulf %mul3A_67, %mul3A_76 : vector<8x1024xf32>
    %add3A_78 = arith.addf %mul3A_77, %get3A_13 : vector<8x1024xf32>
    %mul3A_79 = arith.mulf %add3A_78, %sin3A : vector<8x1024xf32>
    %sub3A_80 = vector.broadcast %get3A_15 : f32 to vector<8x1024xf32>
    %sub3A_81 = arith.subf %mul3A_70, %sub3A_80 : vector<8x1024xf32>
    %sub3A_82 = vector.broadcast %get3A_17 : f32 to vector<8x1024xf32>
    %sub3A_83 = arith.subf %mul3A_74, %sub3A_82 : vector<8x1024xf32>
    %sub3A_84 = vector.broadcast %get3A_19 : f32 to vector<8x1024xf32>
    %sub3A_85 = arith.subf %mul3A_79, %sub3A_84 : vector<8x1024xf32>
    %mul3A_86 = vector.broadcast %get3A_21 : f32 to vector<8x1024xf32>
    %mul3A_87 = arith.mulf %mul3A_86, %sub3A_81 : vector<8x1024xf32>
    %mul3A_88 = vector.broadcast %get3A_23 : f32 to vector<8x1024xf32>
    %mul3A_89 = arith.mulf %mul3A_88, %sub3A_83 : vector<8x1024xf32>
    %add3A_90 = arith.addf %mul3A_87, %mul3A_89 : vector<8x1024xf32>
    %mul3A_91 = vector.broadcast %get3A_25 : f32 to vector<8x1024xf32>
    %mul3A_92 = arith.mulf %mul3A_91, %sub3A_81 : vector<8x1024xf32>
    %mul3A_93 = vector.broadcast %get3A_27 : f32 to vector<8x1024xf32>
    %mul3A_94 = arith.mulf %mul3A_93, %sub3A_83 : vector<8x1024xf32>
    %sub3A_95 = arith.subf %mul3A_92, %mul3A_94 : vector<8x1024xf32>
    %mul3A_96 = vector.broadcast %get3A_29 : f32 to vector<8x1024xf32>
    %mul3A_97 = arith.mulf %mul3A_96, %sub3A_85 : vector<8x1024xf32>
    %add3A_98 = arith.addf %sub3A_95, %mul3A_97 : vector<8x1024xf32>
    %mul3A_99 = vector.broadcast %get3A_31 : f32 to vector<8x1024xf32>
    %mul3A_100 = arith.mulf %mul3A_99, %sub3A_81 : vector<8x1024xf32>
    %mul3A_101 = vector.broadcast %get3A_33 : f32 to vector<8x1024xf32>
    %mul3A_102 = arith.mulf %mul3A_101, %sub3A_83 : vector<8x1024xf32>
    %add3A_103 = arith.addf %mul3A_100, %mul3A_102 : vector<8x1024xf32>
    %mul3A_104 = vector.broadcast %get3A_35 : f32 to vector<8x1024xf32>
    %mul3A_105 = arith.mulf %mul3A_104, %sub3A_85 : vector<8x1024xf32>
    %add3A_106 = arith.addf %add3A_103, %mul3A_105 : vector<8x1024xf32>
    %mul3A_107 = vector.broadcast %get3A_37 : f32 to vector<8x1024xf32>
    %mul3A_108 = arith.mulf %mul3A_107, %add3A_90 : vector<8x1024xf32>
    %mul3A_109 = vector.broadcast %get3A_39 : f32 to vector<8x1024xf32>
    %mul3A_110 = arith.mulf %mul3A_109, %add3A_98 : vector<8x1024xf32>
    %add3A_111 = arith.addf %mul3A_108, %mul3A_110 : vector<8x1024xf32>
    %mul3A_112 = vector.broadcast %get3A_41 : f32 to vector<8x1024xf32>
    %mul3A_113 = arith.mulf %mul3A_112, %add3A_106 : vector<8x1024xf32>
    %add3A_114 = arith.addf %add3A_111, %mul3A_113 : vector<8x1024xf32>
    %mul3A_115 = vector.broadcast %get3A_43 : f32 to vector<8x1024xf32>
    %mul3A_116 = arith.mulf %mul3A_115, %add3A_90 : vector<8x1024xf32>
    %mul3A_117 = vector.broadcast %get3A_45 : f32 to vector<8x1024xf32>
    %mul3A_118 = arith.mulf %mul3A_117, %add3A_98 : vector<8x1024xf32>
    %add3A_119 = arith.addf %mul3A_116, %mul3A_118 : vector<8x1024xf32>
    %mul3A_120 = vector.broadcast %get3A_47 : f32 to vector<8x1024xf32>
    %mul3A_121 = arith.mulf %mul3A_120, %add3A_106 : vector<8x1024xf32>
    %add3A_122 = arith.addf %add3A_119, %mul3A_121 : vector<8x1024xf32>
    %mul3A_123 = vector.broadcast %get3A_49 : f32 to vector<8x1024xf32>
    %mul3A_124 = arith.mulf %mul3A_123, %add3A_90 : vector<8x1024xf32>
    %mul3A_125 = vector.broadcast %get3A_51 : f32 to vector<8x1024xf32>
    %mul3A_126 = arith.mulf %mul3A_125, %add3A_98 : vector<8x1024xf32>
    %add3A_127 = arith.addf %mul3A_124, %mul3A_126 : vector<8x1024xf32>
    %mul3A_128 = vector.broadcast %get3A_53 : f32 to vector<8x1024xf32>
    %mul3A_129 = arith.mulf %mul3A_128, %add3A_106 : vector<8x1024xf32>
    %add3A_130 = arith.addf %add3A_127, %mul3A_129 : vector<8x1024xf32>
    %abs3A = math.absf %add3A_114 : vector<8x1024xf32>
    %abs3A_131 = math.absf %add3A_122 : vector<8x1024xf32>
    %abs3A_132 = math.absf %add3A_130 : vector<8x1024xf32>
    %gt3A = arith.constant 0.000000e+00 : f32
    %gt3A_133 = vector.broadcast %gt3A : f32 to vector<8x1024xf32>
    %gt3A_134 = arith.cmpf ogt, %add3A_130, %gt3A_133 : vector<8x1024xf32>
    %gt3A_135 = arith.cmpf ogt, %add3A_130, %abs3A : vector<8x1024xf32>
    %and3A = arith.andi %gt3A_134, %gt3A_135 : vector<8x1024xi1>
    %gt3A_136 = arith.cmpf ogt, %add3A_130, %abs3A_131 : vector<8x1024xf32>
    %and3A_137 = arith.andi %and3A, %gt3A_136 : vector<8x1024xi1>
    %lt3A = arith.constant 0.000000e+00 : f32
    %lt3A_138 = vector.broadcast %lt3A : f32 to vector<8x1024xf32>
    %lt3A_139 = arith.cmpf olt, %add3A_130, %lt3A_138 : vector<8x1024xf32>
    %neg3A = arith.constant 0.000000e+00 : f32
    %neg3A_140 = vector.broadcast %neg3A : f32 to vector<8x1024xf32>
    %neg3A_141 = arith.subf %neg3A_140, %add3A_130 : vector<8x1024xf32>
    %gt3A_142 = arith.cmpf ogt, %neg3A_141, %abs3A : vector<8x1024xf32>
    %and3A_143 = arith.andi %lt3A_139, %gt3A_142 : vector<8x1024xi1>
    %neg3A_144 = arith.constant 0.000000e+00 : f32
    %neg3A_145 = vector.broadcast %neg3A_144 : f32 to vector<8x1024xf32>
    %neg3A_146 = arith.subf %neg3A_145, %add3A_130 : vector<8x1024xf32>
    %gt3A_147 = arith.cmpf ogt, %neg3A_146, %abs3A_131 : vector<8x1024xf32>
    %and3A_148 = arith.andi %and3A_143, %gt3A_147 : vector<8x1024xi1>
    %gt3A_149 = arith.constant 0.000000e+00 : f32
    %gt3A_150 = vector.broadcast %gt3A_149 : f32 to vector<8x1024xf32>
    %gt3A_151 = arith.cmpf ogt, %add3A_114, %gt3A_150 : vector<8x1024xf32>
    %gt3A_152 = arith.cmpf ogt, %add3A_114, %abs3A_132 : vector<8x1024xf32>
    %and3A_153 = arith.andi %gt3A_151, %gt3A_152 : vector<8x1024xi1>
    %gt3A_154 = arith.cmpf ogt, %add3A_114, %abs3A_131 : vector<8x1024xf32>
    %and3A_155 = arith.andi %and3A_153, %gt3A_154 : vector<8x1024xi1>
    %lt3A_156 = arith.constant 0.000000e+00 : f32
    %lt3A_157 = vector.broadcast %lt3A_156 : f32 to vector<8x1024xf32>
    %lt3A_158 = arith.cmpf olt, %add3A_114, %lt3A_157 : vector<8x1024xf32>
    %neg3A_159 = arith.constant 0.000000e+00 : f32
    %neg3A_160 = vector.broadcast %neg3A_159 : f32 to vector<8x1024xf32>
    %neg3A_161 = arith.subf %neg3A_160, %add3A_114 : vector<8x1024xf32>
    %gt3A_162 = arith.cmpf ogt, %neg3A_161, %abs3A_132 : vector<8x1024xf32>
    %and3A_163 = arith.andi %lt3A_158, %gt3A_162 : vector<8x1024xi1>
    %neg3A_164 = arith.constant 0.000000e+00 : f32
    %neg3A_165 = vector.broadcast %neg3A_164 : f32 to vector<8x1024xf32>
    %neg3A_166 = arith.subf %neg3A_165, %add3A_114 : vector<8x1024xf32>
    %gt3A_167 = arith.cmpf ogt, %neg3A_166, %abs3A_131 : vector<8x1024xf32>
    %and3A_168 = arith.andi %and3A_163, %gt3A_167 : vector<8x1024xi1>
    %abs3A_169 = math.absf %add3A_130 : vector<8x1024xf32>
    %gt3A_170 = arith.constant 9.99999971E-10 : f32
    %gt3A_171 = vector.broadcast %gt3A_170 : f32 to vector<8x1024xf32>
    %gt3A_172 = arith.cmpf ogt, %abs3A_169, %gt3A_171 : vector<8x1024xf32>
    %jit3A = arith.constant 1.000000e+00 : f32
    %broadcast_in_dim3A = vector.broadcast %jit3A : f32 to vector<8x1024xf32>
    %select_n3A = arith.select %gt3A_172, %add3A_130, %broadcast_in_dim3A : vector<8x1024xi1>, vector<8x1024xf32>
    %mul3A_173 = arith.constant 1.024000e+03 : f32
    %mul3A_174 = vector.broadcast %mul3A_173 : f32 to vector<8x1024xf32>
    %mul3A_175 = arith.mulf %mul3A_174, %add3A_114 : vector<8x1024xf32>
    %div3A = arith.divf %mul3A_175, %select_n3A : vector<8x1024xf32>
    %add3A_176 = arith.constant 1.024000e+03 : f32
    %add3A_177 = vector.broadcast %add3A_176 : f32 to vector<8x1024xf32>
    %add3A_178 = arith.addf %div3A, %add3A_177 : vector<8x1024xf32>
    %mul3A_179 = arith.constant 1.024000e+03 : f32
    %mul3A_180 = vector.broadcast %mul3A_179 : f32 to vector<8x1024xf32>
    %mul3A_181 = arith.mulf %mul3A_180, %add3A_122 : vector<8x1024xf32>
    %div3A_182 = arith.divf %mul3A_181, %select_n3A : vector<8x1024xf32>
    %add3A_183 = arith.constant 1.024000e+03 : f32
    %add3A_184 = vector.broadcast %add3A_183 : f32 to vector<8x1024xf32>
    %add3A_185 = arith.addf %div3A_182, %add3A_184 : vector<8x1024xf32>
    %floor3A = math.floor %add3A_178 : vector<8x1024xf32>
    %jit3A_186 = arith.constant 0 : i32
    %jit3A_187 = arith.constant 2047 : i32
    %convert_element_type3A = arith.sitofp %jit3A_186 : i32 to f32
    %max3A = vector.broadcast %convert_element_type3A : f32 to vector<8x1024xf32>
    %max3A_188 = arith.maximumf %max3A, %floor3A : vector<8x1024xf32>
    %convert_element_type3A_189 = arith.sitofp %jit3A_187 : i32 to f32
    %min3A = vector.broadcast %convert_element_type3A_189 : f32 to vector<8x1024xf32>
    %min3A_190 = arith.minimumf %min3A, %max3A_188 : vector<8x1024xf32>
    %convert_element_type3A_191 = arith.fptosi %min3A_190 : vector<8x1024xf32> to vector<8x1024xi32>
    %floor3A_192 = math.floor %add3A_185 : vector<8x1024xf32>
    %jit3A_193 = arith.constant 0 : i32
    %jit3A_194 = arith.constant 2047 : i32
    %convert_element_type3A_195 = arith.sitofp %jit3A_193 : i32 to f32
    %max3A_196 = vector.broadcast %convert_element_type3A_195 : f32 to vector<8x1024xf32>
    %max3A_197 = arith.maximumf %max3A_196, %floor3A_192 : vector<8x1024xf32>
    %convert_element_type3A_198 = arith.sitofp %jit3A_194 : i32 to f32
    %min3A_199 = vector.broadcast %convert_element_type3A_198 : f32 to vector<8x1024xf32>
    %min3A_200 = arith.minimumf %min3A_199, %max3A_197 : vector<8x1024xf32>
    %convert_element_type3A_201 = arith.fptosi %min3A_200 : vector<8x1024xf32> to vector<8x1024xi32>
    %mul3A_202 = arith.constant 2048 : i32
    %mul3A_203 = vector.broadcast %mul3A_202 : i32 to vector<8x1024xi32>
    %mul3A_204 = arith.muli %convert_element_type3A_191, %mul3A_203 : vector<8x1024xi32>
    %add3A_205 = arith.addi %mul3A_204, %convert_element_type3A_201 : vector<8x1024xi32>
    %neg3A_206 = arith.constant 0.000000e+00 : f32
    %neg3A_207 = vector.broadcast %neg3A_206 : f32 to vector<8x1024xf32>
    %neg3A_208 = arith.subf %neg3A_207, %add3A_122 : vector<8x1024xf32>
    %abs3A_209 = math.absf %add3A_130 : vector<8x1024xf32>
    %gt3A_210 = arith.constant 9.99999971E-10 : f32
    %gt3A_211 = vector.broadcast %gt3A_210 : f32 to vector<8x1024xf32>
    %gt3A_212 = arith.cmpf ogt, %abs3A_209, %gt3A_211 : vector<8x1024xf32>
    %jit3A_213 = arith.constant 1.000000e+00 : f32
    %broadcast_in_dim3A_214 = vector.broadcast %jit3A_213 : f32 to vector<8x1024xf32>
    %select_n3A_215 = arith.select %gt3A_212, %add3A_130, %broadcast_in_dim3A_214 : vector<8x1024xi1>, vector<8x1024xf32>
    %mul3A_216 = arith.constant 1.024000e+03 : f32
    %mul3A_217 = vector.broadcast %mul3A_216 : f32 to vector<8x1024xf32>
    %mul3A_218 = arith.mulf %mul3A_217, %add3A_114 : vector<8x1024xf32>
    %div3A_219 = arith.divf %mul3A_218, %select_n3A_215 : vector<8x1024xf32>
    %add3A_220 = arith.constant 1.024000e+03 : f32
    %add3A_221 = vector.broadcast %add3A_220 : f32 to vector<8x1024xf32>
    %add3A_222 = arith.addf %div3A_219, %add3A_221 : vector<8x1024xf32>
    %mul3A_223 = arith.constant 1.024000e+03 : f32
    %mul3A_224 = vector.broadcast %mul3A_223 : f32 to vector<8x1024xf32>
    %mul3A_225 = arith.mulf %mul3A_224, %neg3A_208 : vector<8x1024xf32>
    %div3A_226 = arith.divf %mul3A_225, %select_n3A_215 : vector<8x1024xf32>
    %add3A_227 = arith.constant 1.024000e+03 : f32
    %add3A_228 = vector.broadcast %add3A_227 : f32 to vector<8x1024xf32>
    %add3A_229 = arith.addf %div3A_226, %add3A_228 : vector<8x1024xf32>
    %floor3A_230 = math.floor %add3A_222 : vector<8x1024xf32>
    %jit3A_231 = arith.constant 0 : i32
    %jit3A_232 = arith.constant 2047 : i32
    %convert_element_type3A_233 = arith.sitofp %jit3A_231 : i32 to f32
    %max3A_234 = vector.broadcast %convert_element_type3A_233 : f32 to vector<8x1024xf32>
    %max3A_235 = arith.maximumf %max3A_234, %floor3A_230 : vector<8x1024xf32>
    %convert_element_type3A_236 = arith.sitofp %jit3A_232 : i32 to f32
    %min3A_237 = vector.broadcast %convert_element_type3A_236 : f32 to vector<8x1024xf32>
    %min3A_238 = arith.minimumf %min3A_237, %max3A_235 : vector<8x1024xf32>
    %convert_element_type3A_239 = arith.fptosi %min3A_238 : vector<8x1024xf32> to vector<8x1024xi32>
    %floor3A_240 = math.floor %add3A_229 : vector<8x1024xf32>
    %jit3A_241 = arith.constant 0 : i32
    %jit3A_242 = arith.constant 2047 : i32
    %convert_element_type3A_243 = arith.sitofp %jit3A_241 : i32 to f32
    %max3A_244 = vector.broadcast %convert_element_type3A_243 : f32 to vector<8x1024xf32>
    %max3A_245 = arith.maximumf %max3A_244, %floor3A_240 : vector<8x1024xf32>
    %convert_element_type3A_246 = arith.sitofp %jit3A_242 : i32 to f32
    %min3A_247 = vector.broadcast %convert_element_type3A_246 : f32 to vector<8x1024xf32>
    %min3A_248 = arith.minimumf %min3A_247, %max3A_245 : vector<8x1024xf32>
    %convert_element_type3A_249 = arith.fptosi %min3A_248 : vector<8x1024xf32> to vector<8x1024xi32>
    %mul3A_250 = arith.constant 2048 : i32
    %mul3A_251 = vector.broadcast %mul3A_250 : i32 to vector<8x1024xi32>
    %mul3A_252 = arith.muli %convert_element_type3A_239, %mul3A_251 : vector<8x1024xi32>
    %add3A_253 = arith.addi %mul3A_252, %convert_element_type3A_249 : vector<8x1024xi32>
    %neg3A_254 = arith.constant 0.000000e+00 : f32
    %neg3A_255 = vector.broadcast %neg3A_254 : f32 to vector<8x1024xf32>
    %neg3A_256 = arith.subf %neg3A_255, %add3A_130 : vector<8x1024xf32>
    %abs3A_257 = math.absf %add3A_114 : vector<8x1024xf32>
    %gt3A_258 = arith.constant 9.99999971E-10 : f32
    %gt3A_259 = vector.broadcast %gt3A_258 : f32 to vector<8x1024xf32>
    %gt3A_260 = arith.cmpf ogt, %abs3A_257, %gt3A_259 : vector<8x1024xf32>
    %jit3A_261 = arith.constant 1.000000e+00 : f32
    %broadcast_in_dim3A_262 = vector.broadcast %jit3A_261 : f32 to vector<8x1024xf32>
    %select_n3A_263 = arith.select %gt3A_260, %add3A_114, %broadcast_in_dim3A_262 : vector<8x1024xi1>, vector<8x1024xf32>
    %mul3A_264 = arith.constant 1.024000e+03 : f32
    %mul3A_265 = vector.broadcast %mul3A_264 : f32 to vector<8x1024xf32>
    %mul3A_266 = arith.mulf %mul3A_265, %neg3A_256 : vector<8x1024xf32>
    %div3A_267 = arith.divf %mul3A_266, %select_n3A_263 : vector<8x1024xf32>
    %add3A_268 = arith.constant 1.024000e+03 : f32
    %add3A_269 = vector.broadcast %add3A_268 : f32 to vector<8x1024xf32>
    %add3A_270 = arith.addf %div3A_267, %add3A_269 : vector<8x1024xf32>
    %mul3A_271 = arith.constant 1.024000e+03 : f32
    %mul3A_272 = vector.broadcast %mul3A_271 : f32 to vector<8x1024xf32>
    %mul3A_273 = arith.mulf %mul3A_272, %add3A_122 : vector<8x1024xf32>
    %div3A_274 = arith.divf %mul3A_273, %select_n3A_263 : vector<8x1024xf32>
    %add3A_275 = arith.constant 1.024000e+03 : f32
    %add3A_276 = vector.broadcast %add3A_275 : f32 to vector<8x1024xf32>
    %add3A_277 = arith.addf %div3A_274, %add3A_276 : vector<8x1024xf32>
    %floor3A_278 = math.floor %add3A_270 : vector<8x1024xf32>
    %jit3A_279 = arith.constant 0 : i32
    %jit3A_280 = arith.constant 2047 : i32
    %convert_element_type3A_281 = arith.sitofp %jit3A_279 : i32 to f32
    %max3A_282 = vector.broadcast %convert_element_type3A_281 : f32 to vector<8x1024xf32>
    %max3A_283 = arith.maximumf %max3A_282, %floor3A_278 : vector<8x1024xf32>
    %convert_element_type3A_284 = arith.sitofp %jit3A_280 : i32 to f32
    %min3A_285 = vector.broadcast %convert_element_type3A_284 : f32 to vector<8x1024xf32>
    %min3A_286 = arith.minimumf %min3A_285, %max3A_283 : vector<8x1024xf32>
    %convert_element_type3A_287 = arith.fptosi %min3A_286 : vector<8x1024xf32> to vector<8x1024xi32>
    %floor3A_288 = math.floor %add3A_277 : vector<8x1024xf32>
    %jit3A_289 = arith.constant 0 : i32
    %jit3A_290 = arith.constant 2047 : i32
    %convert_element_type3A_291 = arith.sitofp %jit3A_289 : i32 to f32
    %max3A_292 = vector.broadcast %convert_element_type3A_291 : f32 to vector<8x1024xf32>
    %max3A_293 = arith.maximumf %max3A_292, %floor3A_288 : vector<8x1024xf32>
    %convert_element_type3A_294 = arith.sitofp %jit3A_290 : i32 to f32
    %min3A_295 = vector.broadcast %convert_element_type3A_294 : f32 to vector<8x1024xf32>
    %min3A_296 = arith.minimumf %min3A_295, %max3A_293 : vector<8x1024xf32>
    %convert_element_type3A_297 = arith.fptosi %min3A_296 : vector<8x1024xf32> to vector<8x1024xi32>
    %mul3A_298 = arith.constant 2048 : i32
    %mul3A_299 = vector.broadcast %mul3A_298 : i32 to vector<8x1024xi32>
    %mul3A_300 = arith.muli %convert_element_type3A_287, %mul3A_299 : vector<8x1024xi32>
    %add3A_301 = arith.addi %mul3A_300, %convert_element_type3A_297 : vector<8x1024xi32>
    %neg3A_302 = arith.constant 0.000000e+00 : f32
    %neg3A_303 = vector.broadcast %neg3A_302 : f32 to vector<8x1024xf32>
    %neg3A_304 = arith.subf %neg3A_303, %add3A_114 : vector<8x1024xf32>
    %abs3A_305 = math.absf %neg3A_304 : vector<8x1024xf32>
    %gt3A_306 = arith.constant 9.99999971E-10 : f32
    %gt3A_307 = vector.broadcast %gt3A_306 : f32 to vector<8x1024xf32>
    %gt3A_308 = arith.cmpf ogt, %abs3A_305, %gt3A_307 : vector<8x1024xf32>
    %jit3A_309 = arith.constant 1.000000e+00 : f32
    %broadcast_in_dim3A_310 = vector.broadcast %jit3A_309 : f32 to vector<8x1024xf32>
    %select_n3A_311 = arith.select %gt3A_308, %neg3A_304, %broadcast_in_dim3A_310 : vector<8x1024xi1>, vector<8x1024xf32>
    %mul3A_312 = arith.constant 1.024000e+03 : f32
    %mul3A_313 = vector.broadcast %mul3A_312 : f32 to vector<8x1024xf32>
    %mul3A_314 = arith.mulf %mul3A_313, %add3A_130 : vector<8x1024xf32>
    %div3A_315 = arith.divf %mul3A_314, %select_n3A_311 : vector<8x1024xf32>
    %add3A_316 = arith.constant 1.024000e+03 : f32
    %add3A_317 = vector.broadcast %add3A_316 : f32 to vector<8x1024xf32>
    %add3A_318 = arith.addf %div3A_315, %add3A_317 : vector<8x1024xf32>
    %mul3A_319 = arith.constant 1.024000e+03 : f32
    %mul3A_320 = vector.broadcast %mul3A_319 : f32 to vector<8x1024xf32>
    %mul3A_321 = arith.mulf %mul3A_320, %add3A_122 : vector<8x1024xf32>
    %div3A_322 = arith.divf %mul3A_321, %select_n3A_311 : vector<8x1024xf32>
    %add3A_323 = arith.constant 1.024000e+03 : f32
    %add3A_324 = vector.broadcast %add3A_323 : f32 to vector<8x1024xf32>
    %add3A_325 = arith.addf %div3A_322, %add3A_324 : vector<8x1024xf32>
    %floor3A_326 = math.floor %add3A_318 : vector<8x1024xf32>
    %jit3A_327 = arith.constant 0 : i32
    %jit3A_328 = arith.constant 2047 : i32
    %convert_element_type3A_329 = arith.sitofp %jit3A_327 : i32 to f32
    %max3A_330 = vector.broadcast %convert_element_type3A_329 : f32 to vector<8x1024xf32>
    %max3A_331 = arith.maximumf %max3A_330, %floor3A_326 : vector<8x1024xf32>
    %convert_element_type3A_332 = arith.sitofp %jit3A_328 : i32 to f32
    %min3A_333 = vector.broadcast %convert_element_type3A_332 : f32 to vector<8x1024xf32>
    %min3A_334 = arith.minimumf %min3A_333, %max3A_331 : vector<8x1024xf32>
    %convert_element_type3A_335 = arith.fptosi %min3A_334 : vector<8x1024xf32> to vector<8x1024xi32>
    %floor3A_336 = math.floor %add3A_325 : vector<8x1024xf32>
    %jit3A_337 = arith.constant 0 : i32
    %jit3A_338 = arith.constant 2047 : i32
    %convert_element_type3A_339 = arith.sitofp %jit3A_337 : i32 to f32
    %max3A_340 = vector.broadcast %convert_element_type3A_339 : f32 to vector<8x1024xf32>
    %max3A_341 = arith.maximumf %max3A_340, %floor3A_336 : vector<8x1024xf32>
    %convert_element_type3A_342 = arith.sitofp %jit3A_338 : i32 to f32
    %min3A_343 = vector.broadcast %convert_element_type3A_342 : f32 to vector<8x1024xf32>
    %min3A_344 = arith.minimumf %min3A_343, %max3A_341 : vector<8x1024xf32>
    %convert_element_type3A_345 = arith.fptosi %min3A_344 : vector<8x1024xf32> to vector<8x1024xi32>
    %mul3A_346 = arith.constant 2048 : i32
    %mul3A_347 = vector.broadcast %mul3A_346 : i32 to vector<8x1024xi32>
    %mul3A_348 = arith.muli %convert_element_type3A_335, %mul3A_347 : vector<8x1024xi32>
    %add3A_349 = arith.addi %mul3A_348, %convert_element_type3A_345 : vector<8x1024xi32>
    %add3A_350 = arith.constant 4194304 : i32
    %add3A_351 = vector.broadcast %add3A_350 : i32 to vector<8x1024xi32>
    %add3A_352 = arith.addi %add3A_351, %add3A_253 : vector<8x1024xi32>
    %add3A_353 = arith.constant 8388608 : i32
    %add3A_354 = vector.broadcast %add3A_353 : i32 to vector<8x1024xi32>
    %add3A_355 = arith.addi %add3A_354, %add3A_349 : vector<8x1024xi32>
    %add3A_356 = arith.constant 12582912 : i32
    %add3A_357 = vector.broadcast %add3A_356 : i32 to vector<8x1024xi32>
    %add3A_358 = arith.addi %add3A_357, %add3A_301 : vector<8x1024xi32>
    %jit3A_359 = arith.constant 16777216 : i32
    %broadcast_in_dim3A_360 = vector.broadcast %jit3A_359 : i32 to vector<8x1024xi32>
    %select_n3A_361 = arith.select %and3A_155, %add3A_358, %broadcast_in_dim3A_360 : vector<8x1024xi1>, vector<8x1024xi32>
    %select_n3A_362 = arith.select %and3A_168, %add3A_355, %select_n3A_361 : vector<8x1024xi1>, vector<8x1024xi32>
    %select_n3A_363 = arith.select %and3A_148, %add3A_352, %select_n3A_362 : vector<8x1024xi1>, vector<8x1024xi32>
    %select_n3A_364 = arith.select %and3A_137, %add3A_205, %select_n3A_363 : vector<8x1024xi1>, vector<8x1024xi32>
    %iota3A = tpu.iota {dimensions = array<i32: 0>} : vector<8x1024xi32>
    %iota3A_365 = tpu.iota {dimensions = array<i32: 1>} : vector<8x1024xi32>
    %mul3A_366 = arith.constant 8 : i32
    %mul3A_367 = arith.muli %arg0, %mul3A_366 : i32
    %add3A_368 = vector.broadcast %mul3A_367 : i32 to vector<8x1024xi32>
    %add3A_369 = arith.addi %add3A_368, %iota3A : vector<8x1024xi32>
    %mul3A_370 = arith.constant 1024 : i32
    %mul3A_371 = vector.broadcast %mul3A_370 : i32 to vector<8x1024xi32>
    %mul3A_372 = arith.muli %add3A_369, %mul3A_371 : vector<8x1024xi32>
    %add3A_373 = arith.addi %mul3A_372, %iota3A_365 : vector<8x1024xi32>
    %lt3A_374 = arith.constant 1000000 : i32
    %lt3A_375 = vector.broadcast %lt3A_374 : i32 to vector<8x1024xi32>
    %lt3A_376 = arith.cmpi slt, %add3A_373, %lt3A_375 : vector<8x1024xi32>
    %jit3A_377 = arith.constant 16777216 : i32
    %broadcast_in_dim3A_378 = vector.broadcast %jit3A_377 : i32 to vector<8x1024xi32>
    %select_n3A_379 = arith.select %lt3A_376, %select_n3A_364, %broadcast_in_dim3A_378 : vector<8x1024xi1>, vector<8x1024xi32>
    %swap3A = arith.constant 0 : index
    %swap3A_380 = arith.constant 0 : index
    %swap3A_381 = vector.load %arg3[%swap3A, %swap3A_380] : memref<8x1024xi32, #tpu.memory_space<vmem>>, vector<8x1024xi32>
    tpu.vector_store %arg3[%swap3A, %swap3A_380], %select_n3A_379 {strides = array<i32>} : memref<8x1024xi32, #tpu.memory_space<vmem>>, vector<8x1024xi32>,
    %get3A_382 = arith.constant 3 : index
    %get3A_383 = arith.constant 0 : index
    %get3A_384 = arith.constant 0 : index
    %get3A_385 = vector.load %arg2[%get3A_382, %get3A_383, %get3A_384] : memref<4x8x1024xf32, #tpu.memory_space<vmem>>, vector<1x8x1024xf32>
    %get3A_386 = vector.shape_cast %get3A_385 : vector<1x8x1024xf32> to vector<8x1024xf32>
    %swap3A_387 = arith.constant 0 : index
    %swap3A_388 = arith.constant 0 : index
    %swap3A_389 = vector.load %arg4[%swap3A_387, %swap3A_388] : memref<8x1024xf32, #tpu.memory_space<vmem>>, vector<8x1024xf32>
    tpu.vector_store %arg4[%swap3A_387, %swap3A_388], %get3A_386 {strides = array<i32>} : memref<8x1024xf32, #tpu.memory_space<vmem>>, vector<8x1024xf32>,
    return
  }
  func.func @transform_0(%arg0: i32) -> i32 {
    %c0_i32 = arith.constant 0 : i32
    %c0_i32_0 = arith.constant 0 : i32
    return %c0_i32 : i32
  }
  func.func @transform_1(%arg0: i32) -> (i32, i32, i32) {
    %c0_i32 = arith.constant 0 : i32
    %c0_i32_0 = arith.constant 0 : i32
    %c0_i32_1 = arith.constant 0 : i32
    return %c0_i32, %arg0, %c0_i32_0 : i32, i32, i32
  }
  func.func @transform_2(%arg0: i32) -> (i32, i32) {
    %c0_i32 = arith.constant 0 : i32
    %c0_i32_0 = arith.constant 0 : i32
    return %arg0, %c0_i32 : i32, i32
  }
  func.func @transform_3(%arg0: i32) -> (i32, i32) {
    %c0_i32 = arith.constant 0 : i32
    %c0_i32_0 = arith.constant 0 : i32
    return %arg0, %c0_i32 : i32, i32
  }
}

</mosaic_0001>

<sc_bundles>
// kernel: kernel.12.cloned.1.call-start
scs
__scs_entry_jumppad:
0x0: {  	(pc) =	sbr.rel $0x88, $3  }
0x1: {  	(tag) =	ssettag $0x0;
	lr =	simm.s32 $0x1  }
0x2: {  	[smem:$0x3F9F] =	sst lr;
	_ =	strace $0xD0000000  }
0x3: {  	_ = 	snop  }
0x4: {  	_ = 	snop  }
0x5: {  	_ = 	snop  }
0x6: {  	_ = 	snop  }
0x7: {  	_ = 	snop  }
__scs_overlays_trampoline_lowered:
0x8: {  	[smem:$0x3FAE] =	sst s0  }
0x9: {  	[smem:$0x3FAF] =	sst s1  }
0xa: {  	[smem:$0x3FB0] =	sst s2  }
0xb: {  	[smem:$0x3FB1] =	sst s3  }
0xc: {  	[smem:$0x3FB2] =	sst s4  }
0xd: {  	[smem:$0x3FB3] =	sst s5  }
0xe: {  	[smem:$0x3FB4] =	sst s6  }
0xf: {  	[smem:$0x3FB5] =	sst s7  }
0x10: {  	[smem:$0x3FB6] =	sst s8  }
0x11: {  	[smem:$0x3FB7] =	sst s9;
	s0 =	simm.s32 @!p0 $0x0  }
0x12: {  	s1 =	sld [smem:$0x3F9D];
	s0 =	simm.s32 @p0 $0x1  }
0x13: {  	[smem:$0x3FB8] =	sst s0;
	s0 =	simm.s32 @!p1 $0x0  }
0x14: {  	s2 =	sld [smem:$0x3F9C];
	s0 =	simm.s32 @p1 $0x1  }
0x15: {  	[smem:$0x3FB9] =	sst s0;
	s0 =	simm.s32 @!p2 $0x0  }
0x16: {  	s3 =	sld [smem:$0x3FDB];
	s0 =	simm.s32 @p2 $0x1  }
0x17: {  	s4 =	simm.s32 $0x1BF5;
	[smem:$0x3FBB] =	sst s0  }
0x18: {  	s0 =	sld [smem:$0x3F9E];
	_ =	swait.ge [sflag:s4], $0x0  }
0x19: {  	s7 =	sld [smem:$0x3F9F]  }
0x1a: {  	s8 =	sadd.s32 $0xFFFFE003, lr  }
0x1b: {  	s9 =	sadd.s32 $0xFFFFFEF7, lr;
	s5 =	simm.s32 $0xFFFFFFFF;
	p2 =	slt.u32 s8, $0xFFFFF086  }
0x1c: {  	p1 =	slt.u32 s9, $0xF7A;
	s5 =	simm.s32 @!p2 $0x0  }
0x1d: {  	s5 =	simm.s32 @p1 $0x1;
	p0 =	seq.s32 s7, s2  }
0x1e: {  	s7 =	smul.u32 @!p0 $0xF7A, s2;
	p2 =	seq.s32 @!p0 s5, $0x0  }
0x1f: {  	s9 =	smul.u32 $0xF7A, s1;
	s8 =	simm.s32 @!p0 $0x1BF5;
	p2 =	por !p2, p0  }
0x20: {  	[sflag:s8] =	ssyncset.s32 @!p0 $0xFFFFF086;
	s6 =	sadd.s32 @!p0 s3, s7;
	s7 =	simm.s32 @!p0 $0x108  }
0x21: {  	s3 =	sadd.s32 s3, s9;
	s6 =	sadd.s32 @!p0 $0x88, s6;
	s7 =	simm.s32 @p2 $0x1082  }
0x22: {  	[simem:s7], [sflag:s8] =	dma.local @!p0 [hbm:s6], $0xF7A  }
0x23: {  	s9 =	sor.u32 $0xD0000000, s2;
	s6 =	simm.s32 $0x108;
	_ =	swait.ge @!p0 [sflag:s8], $0x0  }
0x24: {  	s3 =	sadd.s32 $0x88, s3;
	s6 =	simm.s32 @!p1 $0x1082;
	[sflag:s4] =	ssyncset.s32 $0xFFFFF086  }
0x25: {  	[simem:s6], [sflag:s4] =	dma.local [hbm:s3], $0xF7A  }
0x26: {  	[smem:$0x3F9F] =	sst s1;
	(tag) =	ssettag s2;
	_ =	strace s9  }
0x27: {  	s1 =	sld [smem:$0x3FAF]  }
0x28: {  	s2 =	sld [smem:$0x3FB0]  }
0x29: {  	s4 =	sld [smem:$0x3FB2]  }
0x2a: {  	p0 =	seq.s32 s5, $0x0;
	s5 =	sld [smem:$0x3FB3]  }
0x2b: {  	s6 =	sld [smem:$0x3FB4]  }
0x2c: {  	s7 =	sld [smem:$0x3FB5]  }
0x2d: {  	s3 =	simm.s32 $0x108;
	s8 =	sld [smem:$0x3FB6]  }
0x2e: {  	s3 =	simm.s32 @!p0 $0x1082;
	s9 =	sld [smem:$0x3FB7]  }
0x2f: {  	lr =	sadd.s32 s0, s3;
	s0 =	sld [smem:$0x3FAE]  }
0x30: {  	s3 =	sld [smem:$0x3FB1]  }
0x31: {  	[smem:$0x3FBA] =	sst s10  }
0x32: {  	s10 =	sld [smem:$0x3FB8];
	_ =	sdelay $0x3  }
0x33: {  	p0 =	seq.s32 s10, $0x1;
	s10 =	sld [smem:$0x3FBA];
	_ =	sdelay $0x3  }
0x34: {  	[smem:$0x3FBA] =	sst s10  }
0x35: {  	s10 =	sld [smem:$0x3FB9];
	_ =	sdelay $0x3  }
0x36: {  	p1 =	seq.s32 s10, $0x1;
	s10 =	sld [smem:$0x3FBA];
	_ =	sdelay $0x3  }
0x37: {  	[smem:$0x3FBA] =	sst s10  }
0x38: {  	s10 =	sld [smem:$0x3FBB]  }
0x39: {  	_ = 	snop;
	(pc) =	sbr.ind lr, $3  }
0x3a: {  	_ = 	snop  }
0x3b: {  	_ = 	snop  }
0x3c: {  	p2 =	seq.s32 s10, $0x1;
	s10 =	sld [smem:$0x3FBA]  }
0x3d: {  	_ =	shalt  }
0x3e: {  	_ =	shalt  }
0x3f: {  	_ =	shalt  }
0x40: {  	_ =	shalt  }
0x41: {  	_ =	shalt  }
0x42: {  	_ =	shalt  }
0x43: {  	_ =	shalt  }
0x44: {  	_ =	shalt  }
0x45: {  	_ =	shalt  }
0x46: {  	_ =	shalt  }
0x47: {  	_ =	shalt  }
0x48: {  	_ =	shalt  }
0x49: {  	_ =	shalt  }
0x4a: {  	_ =	shalt  }
0x4b: {  	_ =	shalt  }
0x4c: {  	_ =	shalt  }
0x4d: {  	_ =	shalt  }
0x4e: {  	_ =	shalt  }
0x4f: {  	_ =	shalt  }
0x50: {  	_ =	shalt  }
0x51: {  	_ =	shalt  }
0x52: {  	_ =	shalt  }
0x53: {  	_ =	shalt  }
0x54: {  	_ =	shalt  }
0x55: {  	_ =	shalt  }
0x56: {  	_ =	shalt  }
0x57: {  	_ =	shalt  }
0x58: {  	_ =	shalt  }
0x59: {  	_ =	shalt  }
0x5a: {  	_ =	shalt  }
0x5b: {  	_ =	shalt  }
0x5c: {  	_ =	shalt  }
0x5d: {  	_ =	shalt  }
0x5e: {  	_ =	shalt  }
0x5f: {  	_ =	shalt  }
0x60: {  	_ =	shalt  }
0x61: {  	_ =	shalt  }
0x62: {  	_ =	shalt  }
0x63: {  	_ =	shalt  }
0x64: {  	_ =	shalt  }
0x65: {  	_ =	shalt  }
0x66: {  	_ =	shalt  }
0x67: {  	_ =	shalt  }
0x68: {  	_ =	shalt  }
0x69: {  	_ =	shalt  }
0x6a: {  	_ =	shalt  }
0x6b: {  	_ =	shalt  }
0x6c: {  	_ =	shalt  }
0x6d: {  	_ =	shalt  }
0x6e: {  	_ =	shalt  }
0x6f: {  	_ =	shalt  }
0x70: {  	_ =	shalt  }
0x71: {  	_ =	shalt  }
0x72: {  	_ =	shalt  }
0x73: {  	_ =	shalt  }
0x74: {  	_ =	shalt  }
0x75: {  	_ =	shalt  }
0x76: {  	_ =	shalt  }
0x77: {  	_ =	shalt  }
0x78: {  	_ =	shalt  }
0x79: {  	_ =	shalt  }
0x7a: {  	_ =	shalt  }
0x7b: {  	_ =	shalt  }
0x7c: {  	_ =	shalt  }
0x7d: {  	_ =	shalt  }
0x7e: {  	_ =	shalt  }
0x7f: {  	_ =	shalt  }
0x80: {  	_ =	shalt  }
0x81: {  	_ =	shalt  }
0x82: {  	_ =	shalt  }
0x83: {  	_ =	shalt  }
0x84: {  	_ =	shalt  }
0x85: {  	_ =	shalt  }
0x86: {  	_ =	shalt  }
0x87: {  	_ =	shalt  }
.Lfunc_end0:
.L_simem_size_0:
called_computation.2_lowered:
.L_overlay_start_0:
0x88: {  	s2 =	sld [smem:$0x3FD9]  }
0x89: {  	s3 =	sld [smem:$0x3FFE];
	_ =	sdelay $0x1  }
0x8a: {  	s1 =	srdreg.scid  }
0x8b: {  	s0 =	sand.u32 $0x1, s1  }
0x8c: {  	s14 =	sshll.u32 s0, $0xA;
	s2 =	sadd.s32 s3, s2  }
0x8d: {  	s2 =	sadd.s32 s2, s14  }
0x8e: {  	[smem:$0x3FC6] =	sst s2  }
0x8f: {  	_ = 	snop  }
0x90: {  	s2 =	sld [smem:$0x3FD0];
	_ =	sdelay $0x2  }
0x91: {  	s15 =	simm.s32 $0xA;
	s4 =	simm.s32 $0x10  }
0x92: {  	[smem:s4], [sflag:s15] =	dma.local [hbm:s2], $0x1  }
0x93: {  	_ =	swait.eq [sflag:s15], $0x1  }
0x94: {  	[sflag:s15] =	ssyncset.done $0x0  }
0x95: {  	s16 =	sld [smem:$0x11];
	[sflag:s15] =	ssyncadd.s32 $0xFFFFFFFF  }
0x96: {  	s17 =	sld [smem:$0x12];
	(tm) =	ssettm $0x1  }
0x97: {  	s18 =	sld [smem:$0x3FFB];
	_ =	sdelay $0x3  }
0x98: {  	_ =	strace s18  }
0x99: {  	s4 =	sld [smem:$0x3FFC];
	_ =	sdelay $0x3  }
0x9a: {  	_ =	strace s4  }
0x9b: {  	s4 =	sld [smem:$0x3FFD];
	_ =	sdelay $0x3  }
0x9c: {  	_ =	strace s4  }
0x9d: {  	_ =	strace $0x8FFFFFFF  }
0x9e: {  	s19 =	sld [smem:$0x3FDB];
	_ =	sdelay $0x1  }
0x9f: {  	s5 =	simm.s32 $_scs_section_size  }
0xa0: {  	s6 =	simm.s32 $_size__tile_overlayer_lowered;
	s7 =	simm.s32 $_tile_overlayer_lowered  }
0xa1: {  	s22 =	simm.s32 $0x1BFF;
	s21 =	sshll.u32 s7, $0x1;
	s4 =	sadd.s32 s5, s19  }
0xa2: {  	s8 =	simm.s32 $0x0;
	s20 =	sshll.u32 s6, $0x1;
	s6 =	sadd.s32 s21, s4  }
0xa3: {  	[timem:s8], [sflag:s22] =	dma.local [hbm:s6], s20  }
0xa4: {  	_ =	swait.ge [sflag:s22], s20  }
0xa5: {  	s5 =	ssub.s32 $0x0, s20;
	[sflag:s22] =	ssyncset.done $0x0  }
0xa6: {  	[sflag:s22] =	ssyncadd.s32 s5;
	_ =	sdelay $0x1  }
0xa7: {  	s23 =	simm.s32 $0x1B8B  }
0xa8: {  	_ =	swait.ge [sflag:s23], $0x1  }
0xa9: {  	[sflag:s23] =	ssyncset.done $0x0  }
0xaa: {  	s25 =	simm.s32 $0x1B8E;
	s24 =	sld [smem:$0x3FFE];
	[sflag:s23] =	ssyncadd.s32 $0xFFFFFFFF  }
0xab: {  	s26 =	simm.s32 $execute0_lowered;
	[smem:$0x3FD2] =	sst s25  }
0xac: {  	s6 =	sshll.u32 s26, $0x1;
	_ =	strace $0x8000004C;
	[dreg:$0x1] =	wrdreg $0xFFFFFFFF  }
0xad: {  	s28 =	simm.s32 $_size_execute0_lowered;
	s4 =	sadd.s32 s4, s6;
	[dreg:$0x0] =	wrdreg $0x0  }
0xae: {  	s6 =	sshll.u32 s28, $0x1;
	[dreg:$0x2] =	wrdreg s4  }
0xaf: {  	[dreg:$0x3] =	wrdreg s6  }
0xb0: {  	[dreg:$0x4] =	wrdreg $0xC0  }
0xb1: {  	_ =	task [dreg:s8], $0x5FFFF  }
0xb2: {  	[dreg:$0x1] =	wrdreg $0xFFFFFFFF  }
0xb3: {  	[dreg:$0x0] =	wrdreg $0x60  }
0xb4: {  	[dreg:$0x2] =	wrdreg s16  }
0xb5: {  	[dreg:$0x3] =	wrdreg s17  }
0xb6: {  	[dreg:$0x4] =	wrdreg s24  }
0xb7: {  	[dreg:$0x5] =	wrdreg $0x9  }
0xb8: {  	_ =	task.clear_ibuf [dreg:s8], $0x6FFFF;
	_ =	strace $0x9000004C  }
0xb9: {  	s29 =	simm.s32 $0x9;
	_ =	strace $0x8000004E  }
0xba: {  	_ =	swait.ge [sflag:s29], $0x1  }
0xbb: {  	[sflag:s29] =	ssyncadd.s32 $0xFFFFFFFF  }
0xbc: {  	_ =	strace $0x9000004E  }
0xbd: {  	_ =	sfence  }
0xbe: {  	s30 =	sld [smem:$0x0];
	_ =	sdelay $0x2  }
0xbf: {  	s31 =	sshll.u32 s1, $0xD;
	s1 =	sshrl.u32 s1, $0x2  }
0xc0: {  	s3 =	sand.u32 $0x4000, s31;
	s1 =	sadd.s32 s1, s30  }
0xc1: {  	s0 =	sor.u32 s3, s0;
	s1 =	sshll.u32 s1, $0x11  }
0xc2: {  	s0 =	sor.u32 s1, s0  }
0xc3: {  	s0 =	sadd.s32 $0x8F2B, s0  }
0xc4: {  	[sflag:s0] =	ssyncadd.remote.s32 $0x1  }
0xc5: {  	_ =	sfence.sel $0xFFFF  }
0xc6: {  	[dreg:$0x0] =	wrdreg $0xFFFFFFFF;
	(pc) =	sbr.abs _section_cstart, $3  }
0xc7: {  	[dreg:$0x1] =	wrdreg $0xFFFFFFFF  }
0xc8: {  	_ =	task.clear_ibuf [dreg:s8], $0x2FFFF;
	_ =	strace $0x9FFFFFFF  }
0xc9: {  	(tm) =	ssettm $0x7FFFFFFF  }
tec
execute0_lowered:
.L_overlay_start_1:
0x0: {  	(tag) =	ssettag $0x1  }
0x1: {  	s2 =	rddreg [dreg:$0x0]  }
0x2: {  	s3 =	rddreg [dreg:$0x1]  }
0x3: {  	s6 =	rddreg [dreg:$0x2];
	s4 =	srdreg.scid  }
0x4: {  	s1 =	stileid.u32;
	s0 =	rddreg [dreg:$0x3]  }
0x5: {  	s10 =	simm.s32 $0xC000;
	s11 =	simm.s32 $0x14000;
	s12 =	simm.s32 $0x4000  }
0x6: {  	s13 =	simm.s32 $0x15000;
	s14 =	simm.s32 $0x0;
	s7 =	sand.u32 $0x1, s4  }
.Ltmp0:
0x7: {  	s5 =	sshll.u32 s1, $0x1;
	s4 =	simm.s32 $0x0;
	(pc) =	sbr.rel .LBB2_1-.Ltmp0, $4  }
0x8: {  	v0 =	vlaneseq.u32;
	s5 =	sor.u32 s7, s5;
	s7 =	ssub.s32 $0x2, s7;
	[smem:$0x7FF] =	sst s4  }
0x9: {  	v1 =	vmul.u32 $0x200, v0;
	s8 =	sshll.u32 s5, $0xC;
	s9 =	sshrl.u32 s7, $0x1;
	_ =	strace $0x8000004D  }
0xa: {  	s8 =	sadd.s32 s8, s6;
	s9 =	ssub.s32 s7, s9;
	s6 =	sadd.s32 $0x1A00, s6  }
0xb: {  	v3 =	vimm.s32 $0x0;
	v4 =	vimm.f32 $0.0e+00;
	v2 =	vor.u32 $0x2000, v1;
	s7 =	sadd.s32 $0x2200, s8;
	s8 =	smax.u32 s9, $0x1;
	s9 =	simm.s32 $0x1  }
.LBB2_20:
0xc: {  	s14 =	sadd.s32 $0x1, s14  }
0xd: {  	p0 =	sne.s32 s14, s8  }
.Ltmp1:
0xe: {  	_ = 	snop;
	(pc) =	sbr.rel @!p0 .LBB2_21-.Ltmp1, $1  }
0xf: {  	_ =	sdelay $0x3  }
.LBB2_1:
0x10: {  	v5 =	vor.u32 s4, v1  }
0x11: {  	[tilespmem:s4], [sflag:$0x1] =	stream.linear.gather [hbm4b:s6+s4], $0x4000, $0x38;
	v6 =	vor.u32 s4, v2;
	[tilespmem:$0x16000] =	vst v63  }
0x12: {  	_ =	swait.ge [sflag:s9], $0x4000  }
0x13: {  	[sflag:s9] =	ssyncset.done $0x0  }
0x14: {  	[sflag:s9] =	ssyncadd.s32 $0xFFFFC000  }
0x15: {  	v5 =	vld.idx.msk [tilespmem:v5+s4+$0x0], $0xffff  }
0x16: {  	v6 =	vld.idx.msk [tilespmem:v6+s4+$0x0], $0xffff;
	_ =	sdelay $0x3  }
0x17: {  	v5 =	vadd.s32 $0xF, v5  }
0x18: {  	s18 =	simm.s32 $0x1;
	v6 =	vadd.s32 $0xF, v6;
	v5 =	vand.u32 $0xFFFFFFF0, v5  }
0x19: {  	v6 =	vand.u32 $0xFFFFFFF0, v6;
	(xrf0) =	vadd.scan.msk.s32 $0xffff, v5;
	v5 =	vor.u32 s18, v1  }
0x1a: {  	(xrf0) =	vadd.scan.msk.s32 $0xffff, v6;
	v6 =	vor.u32 s18, v2  }
0x1b: {  	s16 =	simm.s32 $0x2  }
0x1c: {  	v7 =	vor.u32 s16, v1  }
0x1d: {  	v8 =	vor.u32 s16, v2  }
0x1e: {  	v5 =	vld.idx.msk [tilespmem:v5+s4+$0x0], $0xffff  }
0x1f: {  	v9, _, _ =	vpop (xrf0);
	v6 =	vld.idx.msk [tilespmem:v6+s4+$0x0], $0xffff  }
0x20: {  	(v2sf) =	vpush v9, $0xF;
	v57, _, _ =	vpop (xrf0)  }
0x21: {  	v7 =	vld.idx.msk [tilespmem:v7+s4+$0x0], $0xffff;
	(v2sf) =	vpush v57, $0xF  }
0x22: {  	v8 =	vld.idx.msk [tilespmem:v8+s4+$0x0], $0xffff  }
0x23: {  	v5 =	vadd.s32 $0xF, v5  }
0x24: {  	v5 =	vand.u32 $0xFFFFFFF0, v5;
	v6 =	vadd.s32 $0xF, v6  }
0x25: {  	v6 =	vand.u32 $0xFFFFFFF0, v6;
	(xrf0) =	vadd.scan.msk.s32 $0xffff, v5  }
0x26: {  	v5 =	vadd.s32 $0xF, v7;
	(xrf0) =	vadd.scan.msk.s32 $0xffff, v6  }
0x27: {  	v5 =	vand.u32 $0xFFFFFFF0, v5;
	v6 =	vadd.s32 $0xF, v8  }
0x28: {  	s15 =	simm.s32 $0x3;
	v6 =	vand.u32 $0xFFFFFFF0, v6;
	(xrf0) =	vadd.scan.msk.s32 $0xffff, v5  }
0x29: {  	v58 =	vor.u32 s15, v1;
	(xrf0) =	vadd.scan.msk.s32 $0xffff, v6  }
0x2a: {  	v10 =	vor.u32 s15, v2  }
0x2b: {  	v59, _, _ =	vpop (xrf0)  }
0x2c: {  	v60, _, _ =	vpop (xrf0);
	(v2sf) =	vpush v59, $0xF  }
0x2d: {  	(v2sf) =	vpush v60, $0xF  }
0x2e: {  	v7 =	vld.idx.msk [tilespmem:v58+s4+$0x0], $0xffff;
	v61, _, _ =	vpop (xrf0)  }
0x2f: {  	v5 =	vld.idx.msk [tilespmem:v10+s4+$0x0], $0xffff;
	v63, _, _ =	vpop (xrf0);
	s31 =	spop (v2sf);
	(v2sf) =	vpush v61, $0xF  }
0x30: {  	s17 =	simm.s32 $0x4;
	s21 =	spop (v2sf);
	(v2sf) =	vpush v63, $0xF  }
0x31: {  	v6 =	vor.u32 s17, v1  }
0x32: {  	v8 =	vor.u32 s17, v2  }
0x33: {  	s19 =	sand.u32 $0x1F, s4;
	v7 =	vadd.s32 $0xF, v7  }
0x34: {  	p0 =	sne.s32 s19, s5;
	v7 =	vand.u32 $0xFFFFFFF0, v7;
	v62 =	vadd.s32 $0xF, v5  }
0x35: {  	s20 =	simm.s32 @!p0 $0x0;
	(xrf0) =	vadd.scan.msk.s32 $0xffff, v7;
	v10 =	vand.u32 $0xFFFFFFF0, v62  }
0x36: {  	[smem:s20] =	sst @!p0 s4;
	v5 =	vld.idx.msk [tilespmem:v6+s4+$0x0], $0xffff;
	(xrf0) =	vadd.scan.msk.s32 $0xffff, v10;
	s19 =	sadd.s32 s31, s21  }
0x37: {  	s20 =	simm.s32 $0x0;
	v6 =	vld.idx.msk [tilespmem:v8+s4+$0x0], $0xffff;
	s21 =	simm.s32 $0x5;
	[smem:$0x10] =	sst @!p0 s19  }
.LBB2_2:
0x38: {  	v7 =	vor.u32 s21, v1;
	s22 =	smov.u32 s21  }
0x39: {  	s21 =	sadd.s32 $0x1, s21;
	v8 =	vor.u32 s22, v2  }
0x3a: {  	s23 =	sand.u32 $0x1F, s18;
	p0 =	sne.s32 s21, $0x200  }
.Ltmp2:
0x3b: {  	p1 =	sne.s32 s23, s5;
	v5 =	vadd.s32 $0xF, v5;
	v9, _, _ =	vpop (xrf0);
	s23 =	spop (v2sf);
	(pc) =	sbr.rel @p0 .LBB2_2-.Ltmp2, $4  }
0x3c: {  	s20 =	sadd.s32 s20, s19;
	s24 =	sshrl.u32 @!p1 s18, $0x5;
	v10 =	vand.u32 $0xFFFFFFF0, v5;
	v6 =	vadd.s32 $0xF, v6;
	(v2sf) =	vpush v9, $0xF;
	v9, _, _ =	vpop (xrf0);
	s18 =	spop (v2sf)  }
0x3d: {  	v5 =	vld.idx.msk [tilespmem:v7+s4+$0x0], $0xffff;
	v7 =	vand.u32 $0xFFFFFFF0, v6;
	(xrf0) =	vadd.scan.msk.s32 $0xffff, v10;
	(v2sf) =	vpush v9, $0xF;
	s19 =	sadd.s32 s23, s18;
	[smem:s24] =	sst @!p1 s20;
	s18 =	smov.u32 s16  }
0x3e: {  	s16 =	smov.u32 s15;
	v6 =	vld.idx.msk [tilespmem:v8+s4+$0x0], $0xffff;
	(xrf0) =	vadd.scan.msk.s32 $0xffff, v7;
	[smem:s24+$0x10] =	sst @!p1 s19  }
0x3f: {  	s15 =	smov.u32 s17;
	s17 =	smov.u32 s22  }
0x40: {  	_ =	sdelay $0x1  }
0x41: {  	v5 =	vadd.s32 $0xF, v5  }
0x42: {  	v5 =	vand.u32 $0xFFFFFFF0, v5;
	v6 =	vadd.s32 $0xF, v6  }
0x43: {  	v6 =	vand.u32 $0xFFFFFFF0, v6;
	(xrf0) =	vadd.scan.msk.s32 $0xffff, v5  }
0x44: {  	(xrf0) =	vadd.scan.msk.s32 $0xffff, v6;
	_ =	sdelay $0x1  }
0x45: {  	v5, _, _ =	vpop (xrf0)  }
0x46: {  	v6, _, _ =	vpop (xrf0);
	(v2sf) =	vpush v5, $0xF  }
0x47: {  	(v2sf) =	vpush v6, $0xF  }
0x48: {  	v5, _, _ =	vpop (xrf0)  }
0x49: {  	(v2sf) =	vpush v5, $0xF;
	v5, _, _ =	vpop (xrf0)  }
0x4a: {  	(v2sf) =	vpush v5, $0xF;
	_ =	sdelay $0x3  }
0x4b: {  	s21 =	sand.u32 $0x1F, s18  }
0x4c: {  	s22 =	spop (v2sf);
	p0 =	sne.s32 s21, s5  }
0x4d: {  	s19 =	sadd.s32 s20, s19;
	s31 =	spop (v2sf);
	s18 =	sshrl.u32 @!p0 s18, $0x5  }
0x4e: {  	s20 =	sadd.s32 s22, s31;
	s22 =	sand.u32 $0x1F, s16;
	[smem:s18] =	sst @!p0 s19  }
0x4f: {  	[smem:s18+$0x10] =	sst @!p0 s20;
	p0 =	sne.s32 s22, s5;
	s23 =	spop (v2sf)  }
0x50: {  	s19 =	sadd.s32 s19, s20;
	s16 =	sshrl.u32 @!p0 s16, $0x5;
	s24 =	spop (v2sf)  }
0x51: {  	s25 =	sand.u32 $0x1F, s15;
	[smem:s16] =	sst @!p0 s19;
	s18 =	sadd.s32 s23, s24  }
0x52: {  	[smem:s16+$0x10] =	sst @!p0 s18;
	p0 =	sne.s32 s25, s5;
	s26 =	spop (v2sf)  }
0x53: {  	s18 =	sadd.s32 s19, s18;
	s15 =	sshrl.u32 @!p0 s15, $0x5;
	s28 =	spop (v2sf)  }
0x54: {  	s29 =	sand.u32 $0x1F, s17;
	[smem:s15] =	sst @!p0 s18;
	s16 =	sadd.s32 s26, s28  }
0x55: {  	[smem:s15+$0x10] =	sst @!p0 s16;
	p0 =	sne.s32 s29, s5;
	s30 =	spop (v2sf)  }
0x56: {  	s16 =	sadd.s32 s18, s16;
	s17 =	sshrl.u32 @!p0 s17, $0x5;
	s31 =	spop (v2sf)  }
0x57: {  	[smem:s17] =	sst @!p0 s16;
	s15 =	sadd.s32 s30, s31  }
0x58: {  	[smem:s17+$0x10] =	sst @!p0 s15;
	p0 =	por $0x1, $0x1  }
.Ltmp3:
0x59: {  	_ = 	snop;
	(pc) =	sbr.rel @!p0 .LBB2_5-.Ltmp3, $2  }
0x5a: {  	_ =	sdelay $0x2  }
0x5b: {  	s16 =	simm.s32 $0x0;
	s15 =	simm.s32 $0x0;
	s17 =	simm.s32 $0x100  }
.LBB2_4:
0x5c: {  	p0 =	sne.s32 s17, $0x1FF00;
	[tilespmem:s16+$0x4030] =	vst v3;
	s18 =	smov.u32 s17;
	s17 =	sadd.s32 $0x100, s17  }
.Ltmp4:
0x5d: {  	[tilespmem:s16+$0x4020] =	vst v3;
	(pc) =	sbr.rel @p0 .LBB2_4-.Ltmp4, $3  }
0x5e: {  	[tilespmem:s16+$0x4000] =	vst v3  }
0x5f: {  	[tilespmem:s16+$0x4010] =	vst v3;
	_ =	sdelay $0x1  }
0x60: {  	s16 =	sshra.s32 s18, $0x2  }
.LBB2_5:
.Ltmp5:
0x61: {  	(pc) =	sbr.rel .LBB2_6-.Ltmp5, $4  }
0x62: {  	[tilespmem:s16+$0x4030] =	vst v3  }
0x63: {  	[tilespmem:s16+$0x4020] =	vst v3  }
0x64: {  	[tilespmem:s16+$0x4000] =	vst v3  }
0x65: {  	[tilespmem:s16+$0x4010] =	vst v3  }
.LBB2_19:
0x66: {  	s16 =	sshll.u32 s16, $0x11;
	p0 =	sne.s32 s15, $0x10  }
.Ltmp6:
0x67: {  	s16 =	sadd.s32 s16, s7;
	(pc) =	sbr.rel @!p0 .LBB2_20-.Ltmp6, $4  }
0x68: {  	[hbm4b:s16+s4] =	stream.linear.scatter [tilespmem:s10], [sflag:$0x1], $0x8000, $0x38;
	[tilespmem:$0x16000] =	vst v63  }
0x69: {  	_ =	swait.ge [sflag:s9], $0x8000  }
0x6a: {  	[sflag:s9] =	ssyncset.done $0x0  }
0x6b: {  	[sflag:s9] =	ssyncadd.s32 $0xFFFF8000  }
.LBB2_6:
0x6c: {  	s16 =	smov.u32 s15;
	s17 =	sld [smem:s15+$0x0]  }
0x6d: {  	s19 =	sld [smem:s15+$0x10];
	s18 =	simm.s32 $0x100;
	s15 =	simm.s32 $0x0  }
.LBB2_7:
0x6e: {  	p0 =	sne.s32 s18, $0x1FF00;
	[tilespmem:s15+$0xC030] =	vst v4;
	s20 =	smov.u32 s18;
	s18 =	sadd.s32 $0x100, s18  }
.Ltmp7:
0x6f: {  	[tilespmem:s15+$0xC020] =	vst v4;
	(pc) =	sbr.rel @p0 .LBB2_7-.Ltmp7, $3  }
0x70: {  	[tilespmem:s15+$0xC000] =	vst v4  }
0x71: {  	[tilespmem:s15+$0xC010] =	vst v4;
	_ =	sdelay $0x1  }
0x72: {  	s15 =	sshra.s32 s20, $0x2  }
0x73: {  	s18 =	sadd.s32 $0xFFF, s19  }
0x74: {  	s18 =	sshrl.u32 s18, $0xC  }
0x75: {  	p0 =	seq.s32 s18, $0x0  }
.Ltmp8:
0x76: {  	_ = 	snop;
	(pc) =	sbr.rel @p0 .LBB2_19-.Ltmp8, $4  }
0x77: {  	[tilespmem:s15+$0xC030] =	vst v4  }
0x78: {  	[tilespmem:s15+$0xC020] =	vst v4  }
0x79: {  	[tilespmem:s15+$0xC000] =	vst v4  }
0x7a: {  	[tilespmem:s15+$0xC010] =	vst v4;
	s15 =	sadd.s32 $0x1, s16  }
0x7b: {  	s20 =	sshll.u32 s15, $0x15  }
0x7c: {  	v6 =	vmov s19;
	s21 =	simm.s32 $0x0;
	v5 =	vmov s20;
	s20 =	simm.s32 $0x0  }
.LBB2_10:
0x7d: {  	s19 =	sshll.u32 s21, $0xC  }
0x7e: {  	s22 =	sadd.s32 s17, s19  }
0x7f: {  	s22 =	sshrl.u32 s22, $0x3  }
0x80: {  	s22 =	sadd.s32 s2, s22  }
0x81: {  	[tilespmem:s11], [sflag:$0x1] =	stream.linear.gather [hbm4b:s22+s20], $0x1000, $0x38;
	[tilespmem:$0x16000] =	vst v63  }
0x82: {  	_ =	swait.ge [sflag:s9], $0x1000  }
0x83: {  	[sflag:s9] =	ssyncset.done $0x0  }
0x84: {  	s22 =	simm.s32 $0x0;
	[sflag:s9] =	ssyncadd.s32 $0xFFFFF000  }
.LBB2_11:
0x85: {  	s23 =	sshll.u32 s22, $0x4  }
0x86: {  	v8 =	vld [tilespmem:s23+$0x14000];
	_ =	sdelay $0x4  }
0x87: {  	vm1 =	vlt.s32 v8, $0x8000;
	v8 =	vand.u32 $0x7FFF, v8  }
0x88: {  	s23 =	sor.u32 s19, s23  }
0x89: {  	v7 =	vor.u32 s23, v0  }
0x8a: {  	vm0 =	vlt.s32 v7, v6  }
0x8b: {  	v7 =	vadd.s32 v5, v7;
	vm0 =	vmand vm0, vm1  }
.LBB2_12:
0x8c: {  	v9 =	vld.idx.msk [tilespmem:v8+s12+$0x0], $0xffff;
	_ =	sdelay $0x4  }
0x8d: {  	vm1 =	vgt.s32 v7, v9  }
0x8e: {  	vm1 =	vmand vm0, vm1  }
0x8f: {  	v9 =	vsel vm1, $0x3F800000, v4  }
0x90: {  	(xrf0) =	vmax.scan.msk.f32 $0xffff, v9;
	_ =	sdelay $0x5  }
0x91: {  	v9, _, _ =	vpop (xrf0)  }
0x92: {  	(v2sf) =	vpush v9, $0xF;
	_ =	sdelay $0xe  }
0x93: {  	s23 =	spop (v2sf)  }
0x94: {  	p0 =	sgt.f32 s23, $0.0e+00  }
.Ltmp9:
0x95: {  	_ = 	snop;
	(pc) =	sbr.rel @p0 .LBB2_12-.Ltmp9, $2  }
0x96: {  	_ =	sdelay $0x2  }
0x97: {  	[tilespmem:v8+s12+$0x0] =	vst.idx.msk vm1, v7  }
0x98: {  	s22 =	sadd.s32 $0x1, s22  }
0x99: {  	p0 =	sne.s32 s22, $0x100  }
.Ltmp10:
0x9a: {  	_ = 	snop;
	(pc) =	sbr.rel @p0 .LBB2_11-.Ltmp10, $1  }
0x9b: {  	_ =	sdelay $0x3  }
0x9c: {  	s21 =	sadd.s32 $0x1, s21  }
0x9d: {  	p0 =	sne.s32 s21, s18  }
.Ltmp11:
0x9e: {  	_ = 	snop;
	(pc) =	sbr.rel @p0 .LBB2_10-.Ltmp11, $2  }
0x9f: {  	_ =	sdelay $0x2  }
0xa0: {  	s19 =	simm.s32 $0x0  }
0xa1: {  	s20 =	simm.s32 $0x0;
	s21 =	simm.s32 $0x0  }
.LBB2_16:
0xa2: {  	s22 =	sshll.u32 s21, $0xC  }
0xa3: {  	s22 =	sadd.s32 s17, s22  }
0xa4: {  	s22 =	sshrl.u32 s22, $0x3  }
0xa5: {  	s23 =	sadd.s32 s2, s22  }
0xa6: {  	[tilespmem:s11], [sflag:$0x1] =	stream.linear.gather [hbm4b:s23+s19], $0x1000, $0x38;
	[tilespmem:$0x16000] =	vst v63  }
0xa7: {  	_ =	swait.ge [sflag:s9], $0x1000  }
0xa8: {  	[sflag:s9] =	ssyncset.done $0x0  }
0xa9: {  	s22 =	sadd.s32 s3, s22;
	[sflag:s9] =	ssyncadd.s32 $0xFFFFF000  }
0xaa: {  	[tilespmem:s13], [sflag:$0x1] =	stream.linear.gather [hbm4b:s22+s19], $0x1000, $0x38;
	[tilespmem:$0x16000] =	vst v63  }
0xab: {  	_ =	swait.ge [sflag:s9], $0x1000  }
0xac: {  	[sflag:s9] =	ssyncset.done $0x0  }
0xad: {  	s23 =	simm.s32 $0x0;
	s22 =	smov.u32 s20;
	[sflag:s9] =	ssyncadd.s32 $0xFFFFF000  }
.LBB2_17:
0xae: {  	s24 =	sshra.s32 s23, $0x2  }
0xaf: {  	v7 =	vld [tilespmem:s24+$0x14000];
	_ =	sdelay $0x4  }
0xb0: {  	v8 =	vand.u32 $0x7FFF, v7;
	_ =	sdelay $0x4  }
0xb1: {  	v9 =	vld.idx.msk [tilespmem:v8+s12+$0x0], $0xffff;
	_ =	sdelay $0x2  }
0xb2: {  	v10 =	vor.u32 s22, v0  }
0xb3: {  	vm1 =	vlt.s32 v10, v6;
	vm0 =	vlt.s32 v7, $0x8000;
	v7 =	vadd.s32 v5, v10  }
0xb4: {  	vm0 =	vmand vm1, vm0;
	vm15 =	veq.s32 v9, v7  }
0xb5: {  	vm0 =	vmand vm15, vm0  }
0xb6: {  	p0 =	sne.s32 s23, $0x3FC0;
	v7 =	vld [tilespmem:s24+$0x15000]  }
.Ltmp12:
0xb7: {  	_ = 	snop;
	(pc) =	sbr.rel @p0 .LBB2_17-.Ltmp12, $2  }
0xb8: {  	_ =	sdelay $0x2  }
0xb9: {  	s22 =	sadd.s32 $0x10, s22;
	s23 =	sadd.s32 $0x40, s23;
	[tilespmem:v8+s10+$0x0] =	vst.idx.msk vm0, v7  }
0xba: {  	s21 =	sadd.s32 $0x1, s21  }
0xbb: {  	p0 =	sne.s32 s21, s18  }
.Ltmp13:
0xbc: {  	_ = 	snop;
	(pc) =	sbr.rel @p0 .LBB2_16-.Ltmp13, $4  }
.Ltmp14:
0xbd: {  	_ = 	snop;
	(pc) =	sbr.rel @!p0 .LBB2_19-.Ltmp14, $4  }
0xbe: {  	_ = 	snop  }
0xbf: {  	_ = 	snop  }
0xc0: {  	s20 =	sadd.s32 $0x1000, s20  }
0xc1: {  	_ = 	snop  }
.LBB2_21:
0xc2: {  	_ =	sfence.sel $0x180000  }
0xc3: {  	[bflag:$0x0] =	sbarrier.arrive $0xFFFF  }
0xc4: {  	p0 =	sne.s32 s1, $0x0;
	_ =	strace $0x9000004D  }
0xc5: {  	s0 =	sadd.s32 @!p0 $0x100000, s0;
	[bflag:$0x2] =	sbarrier.arrive $0xFFFF  }
0xc6: {  	[sflag:s0] =	ssyncadd.tile.s32 @!p0 $0x1;
	_ =	shalt  }
.Lfunc_end2:
_tile_overlayer_lowered:
.L_overlay_start_2:
0xc7: {  	(tag) =	ssettag $0x2  }
0xc8: {  	s0 =	rddreg [dreg:$0x0];
	s2 =	stileid.u32  }
0xc9: {  	s1 =	rddreg [dreg:$0x1];
	p0 =	sne.s32 s2, $0x0  }
0xca: {  	s3 =	rddreg [dreg:$0x2];
	[bflag:$0x3] =	sbarrier.arrive $0xFFFF;
	s2 =	simm.s32 @!p0 $0x1C01  }
0xcb: {  	[timem:s3], [sflag:s2] =	dma.local @!p0 [hbm:s0], s1  }
0xcc: {  	s0 =	simm.s32 @!p0 $0x1  }
0xcd: {  	_ =	swait.ge @!p0 [sflag:s0], s1  }
0xce: {  	s1 =	ssub.s32 @!p0 $0x0, s1;
	[sflag:s0] =	ssyncset.done @!p0 $0x0  }
0xcf: {  	[sflag:s0] =	ssyncadd.s32 @!p0 s1  }
0xd0: {  	[bflag:$0x3] =	sbarrier.arrive $0xFFFF  }
0xd1: {  	_ =	shalt  }

// kernel: kernel.6.cloned.1.call-start
scs
__scs_entry_jumppad:
0x0: {  	(pc) =	sbr.rel $0x88, $3  }
0x1: {  	(tag) =	ssettag $0x0;
	lr =	simm.s32 $0x1  }
0x2: {  	[smem:$0x3F9F] =	sst lr;
	_ =	strace $0xD0000000  }
0x3: {  	_ = 	snop  }
0x4: {  	_ = 	snop  }
0x5: {  	_ = 	snop  }
0x6: {  	_ = 	snop  }
0x7: {  	_ = 	snop  }
__scs_overlays_trampoline_lowered:
0x8: {  	[smem:$0x3FAE] =	sst s0  }
0x9: {  	[smem:$0x3FAF] =	sst s1  }
0xa: {  	[smem:$0x3FB0] =	sst s2  }
0xb: {  	[smem:$0x3FB1] =	sst s3  }
0xc: {  	[smem:$0x3FB2] =	sst s4  }
0xd: {  	[smem:$0x3FB3] =	sst s5  }
0xe: {  	[smem:$0x3FB4] =	sst s6  }
0xf: {  	[smem:$0x3FB5] =	sst s7  }
0x10: {  	[smem:$0x3FB6] =	sst s8  }
0x11: {  	[smem:$0x3FB7] =	sst s9;
	s0 =	simm.s32 @!p0 $0x0  }
0x12: {  	s1 =	sld [smem:$0x3F9D];
	s0 =	simm.s32 @p0 $0x1  }
0x13: {  	[smem:$0x3FB8] =	sst s0;
	s0 =	simm.s32 @!p1 $0x0  }
0x14: {  	s2 =	sld [smem:$0x3F9C];
	s0 =	simm.s32 @p1 $0x1  }
0x15: {  	[smem:$0x3FB9] =	sst s0;
	s0 =	simm.s32 @!p2 $0x0  }
0x16: {  	s3 =	sld [smem:$0x3FDB];
	s0 =	simm.s32 @p2 $0x1  }
0x17: {  	s4 =	simm.s32 $0x1BF5;
	[smem:$0x3FBB] =	sst s0  }
0x18: {  	s0 =	sld [smem:$0x3F9E];
	_ =	swait.ge [sflag:s4], $0x0  }
0x19: {  	s7 =	sld [smem:$0x3F9F]  }
0x1a: {  	s8 =	sadd.s32 $0xFFFFE003, lr  }
0x1b: {  	s9 =	sadd.s32 $0xFFFFFEF7, lr;
	s5 =	simm.s32 $0xFFFFFFFF;
	p2 =	slt.u32 s8, $0xFFFFF086  }
0x1c: {  	p1 =	slt.u32 s9, $0xF7A;
	s5 =	simm.s32 @!p2 $0x0  }
0x1d: {  	s5 =	simm.s32 @p1 $0x1;
	p0 =	seq.s32 s7, s2  }
0x1e: {  	s7 =	smul.u32 @!p0 $0xF7A, s2;
	p2 =	seq.s32 @!p0 s5, $0x0  }
0x1f: {  	s9 =	smul.u32 $0xF7A, s1;
	s8 =	simm.s32 @!p0 $0x1BF5;
	p2 =	por !p2, p0  }
0x20: {  	[sflag:s8] =	ssyncset.s32 @!p0 $0xFFFFF086;
	s6 =	sadd.s32 @!p0 s3, s7;
	s7 =	simm.s32 @!p0 $0x108  }
0x21: {  	s3 =	sadd.s32 s3, s9;
	s6 =	sadd.s32 @!p0 $0x88, s6;
	s7 =	simm.s32 @p2 $0x1082  }
0x22: {  	[simem:s7], [sflag:s8] =	dma.local @!p0 [hbm:s6], $0xF7A  }
0x23: {  	s9 =	sor.u32 $0xD0000000, s2;
	s6 =	simm.s32 $0x108;
	_ =	swait.ge @!p0 [sflag:s8], $0x0  }
0x24: {  	s3 =	sadd.s32 $0x88, s3;
	s6 =	simm.s32 @!p1 $0x1082;
	[sflag:s4] =	ssyncset.s32 $0xFFFFF086  }
0x25: {  	[simem:s6], [sflag:s4] =	dma.local [hbm:s3], $0xF7A  }
0x26: {  	[smem:$0x3F9F] =	sst s1;
	(tag) =	ssettag s2;
	_ =	strace s9  }
0x27: {  	s1 =	sld [smem:$0x3FAF]  }
0x28: {  	s2 =	sld [smem:$0x3FB0]  }
0x29: {  	s4 =	sld [smem:$0x3FB2]  }
0x2a: {  	p0 =	seq.s32 s5, $0x0;
	s5 =	sld [smem:$0x3FB3]  }
0x2b: {  	s6 =	sld [smem:$0x3FB4]  }
0x2c: {  	s7 =	sld [smem:$0x3FB5]  }
0x2d: {  	s3 =	simm.s32 $0x108;
	s8 =	sld [smem:$0x3FB6]  }
0x2e: {  	s3 =	simm.s32 @!p0 $0x1082;
	s9 =	sld [smem:$0x3FB7]  }
0x2f: {  	lr =	sadd.s32 s0, s3;
	s0 =	sld [smem:$0x3FAE]  }
0x30: {  	s3 =	sld [smem:$0x3FB1]  }
0x31: {  	[smem:$0x3FBA] =	sst s10  }
0x32: {  	s10 =	sld [smem:$0x3FB8];
	_ =	sdelay $0x3  }
0x33: {  	p0 =	seq.s32 s10, $0x1;
	s10 =	sld [smem:$0x3FBA];
	_ =	sdelay $0x3  }
0x34: {  	[smem:$0x3FBA] =	sst s10  }
0x35: {  	s10 =	sld [smem:$0x3FB9];
	_ =	sdelay $0x3  }
0x36: {  	p1 =	seq.s32 s10, $0x1;
	s10 =	sld [smem:$0x3FBA];
	_ =	sdelay $0x3  }
0x37: {  	[smem:$0x3FBA] =	sst s10  }
0x38: {  	s10 =	sld [smem:$0x3FBB]  }
0x39: {  	_ = 	snop;
	(pc) =	sbr.ind lr, $3  }
0x3a: {  	_ = 	snop  }
0x3b: {  	_ = 	snop  }
0x3c: {  	p2 =	seq.s32 s10, $0x1;
	s10 =	sld [smem:$0x3FBA]  }
0x3d: {  	_ =	shalt  }
0x3e: {  	_ =	shalt  }
0x3f: {  	_ =	shalt  }
0x40: {  	_ =	shalt  }
0x41: {  	_ =	shalt  }
0x42: {  	_ =	shalt  }
0x43: {  	_ =	shalt  }
0x44: {  	_ =	shalt  }
0x45: {  	_ =	shalt  }
0x46: {  	_ =	shalt  }
0x47: {  	_ =	shalt  }
0x48: {  	_ =	shalt  }
0x49: {  	_ =	shalt  }
0x4a: {  	_ =	shalt  }
0x4b: {  	_ =	shalt  }
0x4c: {  	_ =	shalt  }
0x4d: {  	_ =	shalt  }
0x4e: {  	_ =	shalt  }
0x4f: {  	_ =	shalt  }
0x50: {  	_ =	shalt  }
0x51: {  	_ =	shalt  }
0x52: {  	_ =	shalt  }
0x53: {  	_ =	shalt  }
0x54: {  	_ =	shalt  }
0x55: {  	_ =	shalt  }
0x56: {  	_ =	shalt  }
0x57: {  	_ =	shalt  }
0x58: {  	_ =	shalt  }
0x59: {  	_ =	shalt  }
0x5a: {  	_ =	shalt  }
0x5b: {  	_ =	shalt  }
0x5c: {  	_ =	shalt  }
0x5d: {  	_ =	shalt  }
0x5e: {  	_ =	shalt  }
0x5f: {  	_ =	shalt  }
0x60: {  	_ =	shalt  }
0x61: {  	_ =	shalt  }
0x62: {  	_ =	shalt  }
0x63: {  	_ =	shalt  }
0x64: {  	_ =	shalt  }
0x65: {  	_ =	shalt  }
0x66: {  	_ =	shalt  }
0x67: {  	_ =	shalt  }
0x68: {  	_ =	shalt  }
0x69: {  	_ =	shalt  }
0x6a: {  	_ =	shalt  }
0x6b: {  	_ =	shalt  }
0x6c: {  	_ =	shalt  }
0x6d: {  	_ =	shalt  }
0x6e: {  	_ =	shalt  }
0x6f: {  	_ =	shalt  }
0x70: {  	_ =	shalt  }
0x71: {  	_ =	shalt  }
0x72: {  	_ =	shalt  }
0x73: {  	_ =	shalt  }
0x74: {  	_ =	shalt  }
0x75: {  	_ =	shalt  }
0x76: {  	_ =	shalt  }
0x77: {  	_ =	shalt  }
0x78: {  	_ =	shalt  }
0x79: {  	_ =	shalt  }
0x7a: {  	_ =	shalt  }
0x7b: {  	_ =	shalt  }
0x7c: {  	_ =	shalt  }
0x7d: {  	_ =	shalt  }
0x7e: {  	_ =	shalt  }
0x7f: {  	_ =	shalt  }
0x80: {  	_ =	shalt  }
0x81: {  	_ =	shalt  }
0x82: {  	_ =	shalt  }
0x83: {  	_ =	shalt  }
0x84: {  	_ =	shalt  }
0x85: {  	_ =	shalt  }
0x86: {  	_ =	shalt  }
0x87: {  	_ =	shalt  }
.Lfunc_end0:
.L_simem_size_0:
called_computation_lowered:
.L_overlay_start_0:
0x88: {  	s2 =	sld [smem:$0x3FD9]  }
0x89: {  	s3 =	sld [smem:$0x3FFE];
	_ =	sdelay $0x1  }
0x8a: {  	s1 =	srdreg.scid  }
0x8b: {  	s0 =	sand.u32 $0x1, s1  }
0x8c: {  	s14 =	sshll.u32 s0, $0xA;
	s2 =	sadd.s32 s3, s2  }
0x8d: {  	s2 =	sadd.s32 s2, s14  }
0x8e: {  	[smem:$0x3FC6] =	sst s2  }
0x8f: {  	_ = 	snop  }
0x90: {  	s2 =	sld [smem:$0x3FD0];
	_ =	sdelay $0x2  }
0x91: {  	s15 =	simm.s32 $0xA;
	s4 =	simm.s32 $0x10  }
0x92: {  	[smem:s4], [sflag:s15] =	dma.local [hbm:s2], $0x1  }
0x93: {  	_ =	swait.eq [sflag:s15], $0x1  }
0x94: {  	[sflag:s15] =	ssyncset.done $0x0  }
0x95: {  	s16 =	sld [smem:$0x11];
	[sflag:s15] =	ssyncadd.s32 $0xFFFFFFFF  }
0x96: {  	s17 =	sld [smem:$0x13];
	(tm) =	ssettm $0x1  }
0x97: {  	s18 =	sld [smem:$0x3FFB];
	_ =	sdelay $0x3  }
0x98: {  	_ =	strace s18  }
0x99: {  	s4 =	sld [smem:$0x3FFC];
	_ =	sdelay $0x3  }
0x9a: {  	_ =	strace s4  }
0x9b: {  	s4 =	sld [smem:$0x3FFD];
	_ =	sdelay $0x3  }
0x9c: {  	_ =	strace s4  }
0x9d: {  	_ =	strace $0x8FFFFFFF  }
0x9e: {  	s19 =	sld [smem:$0x3FDB];
	_ =	sdelay $0x1  }
0x9f: {  	s5 =	simm.s32 $_scs_section_size  }
0xa0: {  	s6 =	simm.s32 $_size__tile_overlayer_lowered;
	s7 =	simm.s32 $_tile_overlayer_lowered  }
0xa1: {  	s22 =	simm.s32 $0x1BFF;
	s21 =	sshll.u32 s7, $0x1;
	s4 =	sadd.s32 s5, s19  }
0xa2: {  	s8 =	simm.s32 $0x0;
	s20 =	sshll.u32 s6, $0x1;
	s6 =	sadd.s32 s21, s4  }
0xa3: {  	[timem:s8], [sflag:s22] =	dma.local [hbm:s6], s20  }
0xa4: {  	_ =	swait.ge [sflag:s22], s20  }
0xa5: {  	s5 =	ssub.s32 $0x0, s20;
	[sflag:s22] =	ssyncset.done $0x0  }
0xa6: {  	[sflag:s22] =	ssyncadd.s32 s5;
	_ =	sdelay $0x1  }
0xa7: {  	s23 =	simm.s32 $0x1B8B  }
0xa8: {  	_ =	swait.ge [sflag:s23], $0x1  }
0xa9: {  	[sflag:s23] =	ssyncset.done $0x0  }
0xaa: {  	s25 =	simm.s32 $0x1B8E;
	s24 =	sld [smem:$0x3FFE];
	[sflag:s23] =	ssyncadd.s32 $0xFFFFFFFF  }
0xab: {  	s26 =	simm.s32 $execute0_lowered;
	[smem:$0x3FD2] =	sst s25  }
0xac: {  	s6 =	sshll.u32 s26, $0x1;
	_ =	strace $0x80000046;
	[dreg:$0x1] =	wrdreg $0xFFFFFFFF  }
0xad: {  	s28 =	simm.s32 $_size_execute0_lowered;
	s4 =	sadd.s32 s4, s6;
	[dreg:$0x0] =	wrdreg $0x0  }
0xae: {  	s6 =	sshll.u32 s28, $0x1;
	[dreg:$0x2] =	wrdreg s4  }
0xaf: {  	[dreg:$0x3] =	wrdreg s6  }
0xb0: {  	[dreg:$0x4] =	wrdreg $0xC0  }
0xb1: {  	_ =	task [dreg:s8], $0x5FFFF  }
0xb2: {  	[dreg:$0x1] =	wrdreg $0xFFFFFFFF  }
0xb3: {  	[dreg:$0x0] =	wrdreg $0x60  }
0xb4: {  	[dreg:$0x2] =	wrdreg s17  }
0xb5: {  	[dreg:$0x3] =	wrdreg s24  }
0xb6: {  	[dreg:$0x4] =	wrdreg s16  }
0xb7: {  	[dreg:$0x5] =	wrdreg $0x9  }
0xb8: {  	_ =	task.clear_ibuf [dreg:s8], $0x6FFFF;
	_ =	strace $0x90000046  }
0xb9: {  	s29 =	simm.s32 $0x9;
	_ =	strace $0x80000048  }
0xba: {  	_ =	swait.ge [sflag:s29], $0x1  }
0xbb: {  	[sflag:s29] =	ssyncadd.s32 $0xFFFFFFFF  }
0xbc: {  	_ =	strace $0x90000048  }
0xbd: {  	_ =	sfence  }
0xbe: {  	s30 =	sld [smem:$0x0];
	_ =	sdelay $0x2  }
0xbf: {  	s31 =	sshll.u32 s1, $0xD;
	s1 =	sshrl.u32 s1, $0x2  }
0xc0: {  	s3 =	sand.u32 $0x4000, s31;
	s1 =	sadd.s32 s1, s30  }
0xc1: {  	s0 =	sor.u32 s3, s0;
	s1 =	sshll.u32 s1, $0x11  }
0xc2: {  	s0 =	sor.u32 s1, s0  }
0xc3: {  	s0 =	sadd.s32 $0x8F2B, s0  }
0xc4: {  	[sflag:s0] =	ssyncadd.remote.s32 $0x1  }
0xc5: {  	_ =	sfence.sel $0xFFFF  }
0xc6: {  	[dreg:$0x0] =	wrdreg $0xFFFFFFFF;
	(pc) =	sbr.abs _section_cstart, $3  }
0xc7: {  	[dreg:$0x1] =	wrdreg $0xFFFFFFFF  }
0xc8: {  	_ =	task.clear_ibuf [dreg:s8], $0x2FFFF;
	_ =	strace $0x9FFFFFFF  }
0xc9: {  	(tm) =	ssettm $0x7FFFFFFF  }
tec
execute0_lowered:
.L_overlay_start_1:
0x0: {  	(tag) =	ssettag $0x1  }
0x1: {  	s1 =	rddreg [dreg:$0x0]  }
0x2: {  	s4 =	rddreg [dreg:$0x1]  }
0x3: {  	s6 =	rddreg [dreg:$0x2]  }
0x4: {  	s0 =	rddreg [dreg:$0x3];
	s5 =	srdreg.scid  }
0x5: {  	s2 =	stileid.u32;
	s3 =	simm.s32 $0x0;
	s11 =	simm.s32 $0x0  }
0x6: {  	s5 =	sand.u32 $0x1, s5;
	s7 =	sshll.u32 s2, $0x1;
	[smem:$0x7FF] =	sst s3  }
0x7: {  	s7 =	sor.u32 s5, s7;
	_ =	strace $0x80000047;
	s5 =	ssub.s32 $0x2, s5  }
0x8: {  	s8 =	sshll.u32 s7, $0x6;
	s31 =	sshrl.u32 s5, $0x1;
	s9 =	smul.u32 $0x410, s7  }
0x9: {  	s8 =	sadd.s32 s8, s4;
	s10 =	ssub.s32 s5, s31;
	s4 =	smul.u32 $0x7B00, s7  }
0xa: {  	v1 =	vlaneseq.u32;
	s5 =	sadd.s32 $0x1A00, s8;
	s6 =	sadd.s32 s6, s9;
	s7 =	smax.u32 s10, $0x1  }
0xb: {  	v0 =	vimm.s32 $0x0;
	v1 =	vmul.u32 $0x201, v1;
	s8 =	simm.s32 $0x2280;
	s9 =	simm.s32 $0x1;
	s10 =	simm.s32 $0x2080  }
.LBB2_1:
0xc: {  	s12 =	simm.s32 $0x40;
	s13 =	simm.s32 $0x0  }
.LBB2_2:
0xd: {  	p0 =	sne.s32 s12, $0x81C0;
	[tilespmem:s13+$0x0] =	vst v0;
	s13 =	smov.u32 s12;
	s12 =	sadd.s32 $0x40, s12  }
.Ltmp0:
0xe: {  	(pc) =	sbr.rel @p0 .LBB2_2-.Ltmp0, $2  }
0xf: {  	_ =	sdelay $0x2  }
0x10: {  	s13 =	sshra.s32 s13, $0x2  }
0x11: {  	[tilespmem:s13+$0x0] =	vst v0;
	s12 =	simm.s32 $0x0;
	s13 =	simm.s32 $0x0  }
.LBB2_4:
0x12: {  	s14 =	smul.u32 $0xF60, s13;
	_ =	sdelay $0x1  }
0x13: {  	s14 =	sadd.s32 s4, s14  }
0x14: {  	s14 =	sshrl.u32 s14, $0x3  }
0x15: {  	s14 =	sadd.s32 s1, s14  }
0x16: {  	[tilespmem:s8], [sflag:$0x1] =	stream.linear.gather [hbm4b:s14+s12], $0xF60, $0x38;
	[tilespmem:$0x31E0] =	vst v63  }
0x17: {  	_ =	swait.ge [sflag:s9], $0xF60  }
0x18: {  	[sflag:s9] =	ssyncset.done $0x0  }
0x19: {  	s15 =	simm.s32 $0x0;
	s14 =	simm.s32 $0x40;
	[sflag:s9] =	ssyncadd.s32 $0xFFFFF0A0  }
.LBB2_5:
0x1a: {  	p0 =	sne.s32 s14, $0x3D40;
	v2 =	vld [tilespmem:s15+$0x2280];
	_ =	sdelay $0x4  }
0x1b: {  	v2 =	vshrl.u32 v2, $0xF  }
0x1c: {  	v2 =	vadd.s32 v1, v2;
	_ =	sdelay $0x4  }
0x1d: {  	v3 =	vld.idx.msk [tilespmem:v2+s3+$0x0], $0xffff;
	_ =	sdelay $0x2  }
.Ltmp1:
0x1e: {  	(pc) =	sbr.rel @p0 .LBB2_5-.Ltmp1, $3  }
0x1f: {  	_ =	sdelay $0x1  }
0x20: {  	v3 =	vadd.s32 $0x1, v3  }
0x21: {  	s15 =	sshra.s32 s14, $0x2;
	s14 =	sadd.s32 $0x40, s14;
	[tilespmem:v2+s3+$0x0] =	vst.idx.msk $0xffff, v3  }
0x22: {  	v2 =	vld [tilespmem:s15+$0x2280];
	_ =	sdelay $0x4  }
0x23: {  	v2 =	vshrl.u32 v2, $0xF  }
0x24: {  	v2 =	vadd.s32 v1, v2;
	_ =	sdelay $0x4  }
0x25: {  	s13 =	sadd.s32 $0x1, s13;
	v3 =	vld.idx.msk [tilespmem:v2+s3+$0x0], $0xffff  }
0x26: {  	p0 =	sne.s32 s13, $0x8  }
.Ltmp2:
0x27: {  	_ = 	snop;
	(pc) =	sbr.rel @p0 .LBB2_4-.Ltmp2, $3  }
0x28: {  	_ =	sdelay $0x1  }
0x29: {  	v3 =	vadd.s32 $0x1, v3  }
0x2a: {  	[tilespmem:v2+s3+$0x0] =	vst.idx.msk $0xffff, v3  }
0x2b: {  	s12 =	simm.s32 $0x0  }
0x2c: {  	v2 =	vld [tilespmem:s12+$0x0]  }
0x2d: {  	v3 =	vld [tilespmem:s12+$0x201]  }
0x2e: {  	v4 =	vld [tilespmem:s12+$0x402]  }
0x2f: {  	v5 =	vld [tilespmem:s12+$0x603]  }
0x30: {  	v6 =	vld [tilespmem:s12+$0x804]  }
0x31: {  	v7 =	vld [tilespmem:s12+$0xA05]  }
0x32: {  	v2 =	vadd.s32 v2, v3;
	v3 =	vld [tilespmem:s12+$0xC06]  }
0x33: {  	v2 =	vadd.s32 v4, v2;
	v4 =	vld [tilespmem:s12+$0xE07]  }
0x34: {  	v2 =	vadd.s32 v5, v2;
	v5 =	vld [tilespmem:s12+$0x1008]  }
0x35: {  	v2 =	vadd.s32 v6, v2;
	v6 =	vld [tilespmem:s12+$0x1209]  }
0x36: {  	v2 =	vadd.s32 v7, v2;
	v7 =	vld [tilespmem:s12+$0x140A]  }
0x37: {  	v8 =	vld [tilespmem:s12+$0x160B];
	v2 =	vadd.s32 v3, v2  }
0x38: {  	v3 =	vld [tilespmem:s12+$0x180C];
	v2 =	vadd.s32 v4, v2  }
0x39: {  	v4 =	vld [tilespmem:s12+$0x1A0D];
	v2 =	vadd.s32 v5, v2  }
0x3a: {  	v5 =	vld [tilespmem:s12+$0x1C0E];
	v2 =	vadd.s32 v6, v2  }
0x3b: {  	s13 =	simm.s32 $0x10;
	v6 =	vld [tilespmem:s12+$0x1E0F];
	v7 =	vadd.s32 v7, v2  }
0x3c: {  	s14 =	simm.s32 $0x80;
	v2 =	vld [tilespmem:s13+$0x0];
	v7 =	vadd.s32 v8, v7  }
.LBB2_8:
0x3d: {  	p0 =	sne.s32 s14, $0x7C0;
	v8 =	vld [tilespmem:s13+$0x201];
	v3 =	vadd.s32 v3, v7  }
0x3e: {  	v7 =	vld [tilespmem:s13+$0x402];
	v3 =	vadd.s32 v4, v3  }
0x3f: {  	v4 =	vld [tilespmem:s13+$0x603];
	v3 =	vadd.s32 v5, v3  }
0x40: {  	v5 =	vld [tilespmem:s13+$0x804];
	v3 =	vadd.s32 v6, v3  }
0x41: {  	v6 =	vld [tilespmem:s13+$0xA05];
	[tilespmem:s12+$0x2080] =	vst v3;
	s12 =	smov.u32 s13  }
0x42: {  	v2 =	vadd.s32 v2, v8;
	v3 =	vld [tilespmem:s12+$0xC06]  }
0x43: {  	v2 =	vadd.s32 v7, v2;
	v7 =	vld [tilespmem:s12+$0xE07]  }
0x44: {  	v2 =	vadd.s32 v4, v2;
	v4 =	vld [tilespmem:s12+$0x1008]  }
0x45: {  	v2 =	vadd.s32 v5, v2;
	v5 =	vld [tilespmem:s12+$0x1209]  }
0x46: {  	v2 =	vadd.s32 v6, v2;
	v6 =	vld [tilespmem:s12+$0x140A]  }
0x47: {  	v2 =	vadd.s32 v3, v2;
	v8 =	vld [tilespmem:s12+$0x160B]  }
.Ltmp3:
0x48: {  	v2 =	vadd.s32 v7, v2;
	v3 =	vld [tilespmem:s12+$0x180C];
	(pc) =	sbr.rel @p0 .LBB2_8-.Ltmp3, $4  }
0x49: {  	v2 =	vadd.s32 v4, v2;
	v4 =	vld [tilespmem:s12+$0x1A0D]  }
0x4a: {  	v2 =	vadd.s32 v5, v2;
	v5 =	vld [tilespmem:s12+$0x1C0E]  }
0x4b: {  	s13 =	sshra.s32 s14, $0x2;
	v7 =	vadd.s32 v6, v2;
	v6 =	vld [tilespmem:s12+$0x1E0F]  }
0x4c: {  	s14 =	sadd.s32 $0x40, s14;
	v2 =	vld [tilespmem:s13+$0x0];
	v7 =	vadd.s32 v8, v7  }
0x4d: {  	v8 =	vld [tilespmem:s13+$0x201];
	v3 =	vadd.s32 v3, v7  }
0x4e: {  	v52 =	vld [tilespmem:s13+$0x402];
	v3 =	vadd.s32 v4, v3  }
0x4f: {  	v53 =	vld [tilespmem:s13+$0x603];
	v3 =	vadd.s32 v5, v3  }
0x50: {  	v54 =	vld [tilespmem:s13+$0x804];
	v3 =	vadd.s32 v6, v3  }
0x51: {  	v55 =	vld [tilespmem:s13+$0xA05];
	[tilespmem:s12+$0x2080] =	vst v3  }
0x52: {  	v2 =	vadd.s32 v2, v8;
	v3 =	vld [tilespmem:s13+$0xC06]  }
0x53: {  	v56 =	vld [tilespmem:s13+$0xE07];
	v2 =	vadd.s32 v52, v2  }
0x54: {  	v57 =	vld [tilespmem:s13+$0x1008];
	v2 =	vadd.s32 v53, v2  }
0x55: {  	v58 =	vld [tilespmem:s13+$0x1209];
	v2 =	vadd.s32 v54, v2  }
0x56: {  	v59 =	vld [tilespmem:s13+$0x140A];
	v2 =	vadd.s32 v55, v2  }
0x57: {  	v2 =	vadd.s32 v3, v2;
	v3 =	vld [tilespmem:s13+$0x160B]  }
0x58: {  	v60 =	vld [tilespmem:s13+$0x180C];
	v2 =	vadd.s32 v56, v2  }
0x59: {  	v61 =	vld [tilespmem:s13+$0x1A0D];
	v2 =	vadd.s32 v57, v2  }
0x5a: {  	v62 =	vld [tilespmem:s13+$0x1C0E];
	v2 =	vadd.s32 v58, v2  }
0x5b: {  	v63 =	vld [tilespmem:s13+$0x1E0F];
	v2 =	vadd.s32 v59, v2  }
0x5c: {  	v2 =	vadd.s32 v3, v2  }
0x5d: {  	v2 =	vadd.s32 v60, v2  }
0x5e: {  	v2 =	vadd.s32 v61, v2  }
0x5f: {  	v2 =	vadd.s32 v62, v2  }
0x60: {  	v2 =	vadd.s32 v63, v2  }
0x61: {  	[tilespmem:s13+$0x2080] =	vst v2  }
0x62: {  	[hbm4b:s5+s3] =	stream.linear.scatter [tilespmem:s10], [sflag:$0x1], $0x200, $0x38;
	[tilespmem:$0x31E0] =	vst v63  }
0x63: {  	s11 =	sadd.s32 $0x1, s11;
	_ =	swait.ge [sflag:s9], $0x200  }
0x64: {  	p0 =	sne.s32 s11, s7;
	[sflag:s9] =	ssyncset.done $0x0  }
.Ltmp4:
0x65: {  	[sflag:s9] =	ssyncadd.s32 $0xFFFFFE00;
	(pc) =	sbr.rel @p0 .LBB2_1-.Ltmp4, $4  }
0x66: {  	[hbm4b:s6+s3] =	stream.linear.scatter [tilespmem:s3], [sflag:$0x1], $0x2080, $0x38;
	[tilespmem:$0x31E0] =	vst v63  }
0x67: {  	_ =	swait.ge [sflag:s9], $0x2080  }
0x68: {  	[sflag:s9] =	ssyncset.done $0x0  }
0x69: {  	[sflag:s9] =	ssyncadd.s32 $0xFFFFDF80  }
0x6a: {  	_ =	sfence.sel $0x180000  }
0x6b: {  	[bflag:$0x0] =	sbarrier.arrive $0xFFFF  }
0x6c: {  	p0 =	sne.s32 s2, $0x0;
	_ =	strace $0x90000047  }
0x6d: {  	s0 =	sadd.s32 @!p0 $0x100000, s0;
	[bflag:$0x2] =	sbarrier.arrive $0xFFFF  }
0x6e: {  	[sflag:s0] =	ssyncadd.tile.s32 @!p0 $0x1;
	_ =	shalt  }
.Lfunc_end2:
_tile_overlayer_lowered:
.L_overlay_start_2:
0x6f: {  	(tag) =	ssettag $0x2  }
0x70: {  	s0 =	rddreg [dreg:$0x0];
	s2 =	stileid.u32  }
0x71: {  	s1 =	rddreg [dreg:$0x1];
	p0 =	sne.s32 s2, $0x0  }
0x72: {  	s3 =	rddreg [dreg:$0x2];
	[bflag:$0x3] =	sbarrier.arrive $0xFFFF;
	s2 =	simm.s32 @!p0 $0x1C01  }
0x73: {  	[timem:s3], [sflag:s2] =	dma.local @!p0 [hbm:s0], s1  }
0x74: {  	s0 =	simm.s32 @!p0 $0x1  }
0x75: {  	_ =	swait.ge @!p0 [sflag:s0], s1  }
0x76: {  	s1 =	ssub.s32 @!p0 $0x0, s1;
	[sflag:s0] =	ssyncset.done @!p0 $0x0  }
0x77: {  	[sflag:s0] =	ssyncadd.s32 @!p0 s1  }
0x78: {  	[bflag:$0x3] =	sbarrier.arrive $0xFFFF  }
0x79: {  	_ =	shalt  }

// kernel: kernel.9.cloned.1.call-start
scs
__scs_entry_jumppad:
0x0: {  	(pc) =	sbr.rel $0x88, $3  }
0x1: {  	(tag) =	ssettag $0x0;
	lr =	simm.s32 $0x1  }
0x2: {  	[smem:$0x3F9F] =	sst lr;
	_ =	strace $0xD0000000  }
0x3: {  	_ = 	snop  }
0x4: {  	_ = 	snop  }
0x5: {  	_ = 	snop  }
0x6: {  	_ = 	snop  }
0x7: {  	_ = 	snop  }
__scs_overlays_trampoline_lowered:
0x8: {  	[smem:$0x3FAE] =	sst s0  }
0x9: {  	[smem:$0x3FAF] =	sst s1  }
0xa: {  	[smem:$0x3FB0] =	sst s2  }
0xb: {  	[smem:$0x3FB1] =	sst s3  }
0xc: {  	[smem:$0x3FB2] =	sst s4  }
0xd: {  	[smem:$0x3FB3] =	sst s5  }
0xe: {  	[smem:$0x3FB4] =	sst s6  }
0xf: {  	[smem:$0x3FB5] =	sst s7  }
0x10: {  	[smem:$0x3FB6] =	sst s8  }
0x11: {  	[smem:$0x3FB7] =	sst s9;
	s0 =	simm.s32 @!p0 $0x0  }
0x12: {  	s1 =	sld [smem:$0x3F9D];
	s0 =	simm.s32 @p0 $0x1  }
0x13: {  	[smem:$0x3FB8] =	sst s0;
	s0 =	simm.s32 @!p1 $0x0  }
0x14: {  	s2 =	sld [smem:$0x3F9C];
	s0 =	simm.s32 @p1 $0x1  }
0x15: {  	[smem:$0x3FB9] =	sst s0;
	s0 =	simm.s32 @!p2 $0x0  }
0x16: {  	s3 =	sld [smem:$0x3FDB];
	s0 =	simm.s32 @p2 $0x1  }
0x17: {  	s4 =	simm.s32 $0x1BF5;
	[smem:$0x3FBB] =	sst s0  }
0x18: {  	s0 =	sld [smem:$0x3F9E];
	_ =	swait.ge [sflag:s4], $0x0  }
0x19: {  	s7 =	sld [smem:$0x3F9F]  }
0x1a: {  	s8 =	sadd.s32 $0xFFFFE003, lr  }
0x1b: {  	s9 =	sadd.s32 $0xFFFFFEF7, lr;
	s5 =	simm.s32 $0xFFFFFFFF;
	p2 =	slt.u32 s8, $0xFFFFF086  }
0x1c: {  	p1 =	slt.u32 s9, $0xF7A;
	s5 =	simm.s32 @!p2 $0x0  }
0x1d: {  	s5 =	simm.s32 @p1 $0x1;
	p0 =	seq.s32 s7, s2  }
0x1e: {  	s7 =	smul.u32 @!p0 $0xF7A, s2;
	p2 =	seq.s32 @!p0 s5, $0x0  }
0x1f: {  	s9 =	smul.u32 $0xF7A, s1;
	s8 =	simm.s32 @!p0 $0x1BF5;
	p2 =	por !p2, p0  }
0x20: {  	[sflag:s8] =	ssyncset.s32 @!p0 $0xFFFFF086;
	s6 =	sadd.s32 @!p0 s3, s7;
	s7 =	simm.s32 @!p0 $0x108  }
0x21: {  	s3 =	sadd.s32 s3, s9;
	s6 =	sadd.s32 @!p0 $0x88, s6;
	s7 =	simm.s32 @p2 $0x1082  }
0x22: {  	[simem:s7], [sflag:s8] =	dma.local @!p0 [hbm:s6], $0xF7A  }
0x23: {  	s9 =	sor.u32 $0xD0000000, s2;
	s6 =	simm.s32 $0x108;
	_ =	swait.ge @!p0 [sflag:s8], $0x0  }
0x24: {  	s3 =	sadd.s32 $0x88, s3;
	s6 =	simm.s32 @!p1 $0x1082;
	[sflag:s4] =	ssyncset.s32 $0xFFFFF086  }
0x25: {  	[simem:s6], [sflag:s4] =	dma.local [hbm:s3], $0xF7A  }
0x26: {  	[smem:$0x3F9F] =	sst s1;
	(tag) =	ssettag s2;
	_ =	strace s9  }
0x27: {  	s1 =	sld [smem:$0x3FAF]  }
0x28: {  	s2 =	sld [smem:$0x3FB0]  }
0x29: {  	s4 =	sld [smem:$0x3FB2]  }
0x2a: {  	p0 =	seq.s32 s5, $0x0;
	s5 =	sld [smem:$0x3FB3]  }
0x2b: {  	s6 =	sld [smem:$0x3FB4]  }
0x2c: {  	s7 =	sld [smem:$0x3FB5]  }
0x2d: {  	s3 =	simm.s32 $0x108;
	s8 =	sld [smem:$0x3FB6]  }
0x2e: {  	s3 =	simm.s32 @!p0 $0x1082;
	s9 =	sld [smem:$0x3FB7]  }
0x2f: {  	lr =	sadd.s32 s0, s3;
	s0 =	sld [smem:$0x3FAE]  }
0x30: {  	s3 =	sld [smem:$0x3FB1]  }
0x31: {  	[smem:$0x3FBA] =	sst s10  }
0x32: {  	s10 =	sld [smem:$0x3FB8];
	_ =	sdelay $0x3  }
0x33: {  	p0 =	seq.s32 s10, $0x1;
	s10 =	sld [smem:$0x3FBA];
	_ =	sdelay $0x3  }
0x34: {  	[smem:$0x3FBA] =	sst s10  }
0x35: {  	s10 =	sld [smem:$0x3FB9];
	_ =	sdelay $0x3  }
0x36: {  	p1 =	seq.s32 s10, $0x1;
	s10 =	sld [smem:$0x3FBA];
	_ =	sdelay $0x3  }
0x37: {  	[smem:$0x3FBA] =	sst s10  }
0x38: {  	s10 =	sld [smem:$0x3FBB]  }
0x39: {  	_ = 	snop;
	(pc) =	sbr.ind lr, $3  }
0x3a: {  	_ = 	snop  }
0x3b: {  	_ = 	snop  }
0x3c: {  	p2 =	seq.s32 s10, $0x1;
	s10 =	sld [smem:$0x3FBA]  }
0x3d: {  	_ =	shalt  }
0x3e: {  	_ =	shalt  }
0x3f: {  	_ =	shalt  }
0x40: {  	_ =	shalt  }
0x41: {  	_ =	shalt  }
0x42: {  	_ =	shalt  }
0x43: {  	_ =	shalt  }
0x44: {  	_ =	shalt  }
0x45: {  	_ =	shalt  }
0x46: {  	_ =	shalt  }
0x47: {  	_ =	shalt  }
0x48: {  	_ =	shalt  }
0x49: {  	_ =	shalt  }
0x4a: {  	_ =	shalt  }
0x4b: {  	_ =	shalt  }
0x4c: {  	_ =	shalt  }
0x4d: {  	_ =	shalt  }
0x4e: {  	_ =	shalt  }
0x4f: {  	_ =	shalt  }
0x50: {  	_ =	shalt  }
0x51: {  	_ =	shalt  }
0x52: {  	_ =	shalt  }
0x53: {  	_ =	shalt  }
0x54: {  	_ =	shalt  }
0x55: {  	_ =	shalt  }
0x56: {  	_ =	shalt  }
0x57: {  	_ =	shalt  }
0x58: {  	_ =	shalt  }
0x59: {  	_ =	shalt  }
0x5a: {  	_ =	shalt  }
0x5b: {  	_ =	shalt  }
0x5c: {  	_ =	shalt  }
0x5d: {  	_ =	shalt  }
0x5e: {  	_ =	shalt  }
0x5f: {  	_ =	shalt  }
0x60: {  	_ =	shalt  }
0x61: {  	_ =	shalt  }
0x62: {  	_ =	shalt  }
0x63: {  	_ =	shalt  }
0x64: {  	_ =	shalt  }
0x65: {  	_ =	shalt  }
0x66: {  	_ =	shalt  }
0x67: {  	_ =	shalt  }
0x68: {  	_ =	shalt  }
0x69: {  	_ =	shalt  }
0x6a: {  	_ =	shalt  }
0x6b: {  	_ =	shalt  }
0x6c: {  	_ =	shalt  }
0x6d: {  	_ =	shalt  }
0x6e: {  	_ =	shalt  }
0x6f: {  	_ =	shalt  }
0x70: {  	_ =	shalt  }
0x71: {  	_ =	shalt  }
0x72: {  	_ =	shalt  }
0x73: {  	_ =	shalt  }
0x74: {  	_ =	shalt  }
0x75: {  	_ =	shalt  }
0x76: {  	_ =	shalt  }
0x77: {  	_ =	shalt  }
0x78: {  	_ =	shalt  }
0x79: {  	_ =	shalt  }
0x7a: {  	_ =	shalt  }
0x7b: {  	_ =	shalt  }
0x7c: {  	_ =	shalt  }
0x7d: {  	_ =	shalt  }
0x7e: {  	_ =	shalt  }
0x7f: {  	_ =	shalt  }
0x80: {  	_ =	shalt  }
0x81: {  	_ =	shalt  }
0x82: {  	_ =	shalt  }
0x83: {  	_ =	shalt  }
0x84: {  	_ =	shalt  }
0x85: {  	_ =	shalt  }
0x86: {  	_ =	shalt  }
0x87: {  	_ =	shalt  }
.Lfunc_end0:
.L_simem_size_0:
called_computation.1_lowered:
.L_overlay_start_0:
0x88: {  	s2 =	sld [smem:$0x3FD9]  }
0x89: {  	s3 =	sld [smem:$0x3FFE];
	_ =	sdelay $0x1  }
0x8a: {  	s1 =	srdreg.scid  }
0x8b: {  	s0 =	sand.u32 $0x1, s1  }
0x8c: {  	s14 =	sshll.u32 s0, $0xA;
	s2 =	sadd.s32 s3, s2  }
0x8d: {  	s2 =	sadd.s32 s2, s14  }
0x8e: {  	[smem:$0x3FC6] =	sst s2  }
0x8f: {  	_ = 	snop  }
0x90: {  	s2 =	sld [smem:$0x3FD0];
	_ =	sdelay $0x2  }
0x91: {  	s15 =	simm.s32 $0xA;
	s4 =	simm.s32 $0x10  }
0x92: {  	[smem:s4], [sflag:s15] =	dma.local [hbm:s2], $0x1  }
0x93: {  	_ =	swait.eq [sflag:s15], $0x1  }
0x94: {  	s16 =	sld [smem:$0x10]  }
0x95: {  	s17 =	sld [smem:$0x11];
	[sflag:s15] =	ssyncset.done $0x0  }
0x96: {  	s5 =	sld [smem:$0x12];
	[sflag:s15] =	ssyncadd.s32 $0xFFFFFFFF  }
0x97: {  	s18 =	sld [smem:$0x13];
	(tm) =	ssettm $0x1  }
0x98: {  	s6 =	sld [smem:$0x3FFB];
	_ =	sdelay $0x3  }
0x99: {  	_ =	strace s6  }
0x9a: {  	s6 =	sld [smem:$0x3FFC];
	_ =	sdelay $0x3  }
0x9b: {  	_ =	strace s6  }
0x9c: {  	s6 =	sld [smem:$0x3FFD];
	_ =	sdelay $0x3  }
0x9d: {  	_ =	strace s6  }
0x9e: {  	_ =	strace $0x8FFFFFFF  }
0x9f: {  	s19 =	sld [smem:$0x3FDB];
	_ =	sdelay $0x1  }
0xa0: {  	s7 =	simm.s32 $_scs_section_size  }
0xa1: {  	s8 =	simm.s32 $_size__tile_overlayer_lowered;
	s9 =	simm.s32 $_tile_overlayer_lowered  }
0xa2: {  	s22 =	simm.s32 $0x1BFF;
	s21 =	sshll.u32 s9, $0x1;
	s6 =	sadd.s32 s7, s19  }
0xa3: {  	s10 =	simm.s32 $0x0;
	s20 =	sshll.u32 s8, $0x1;
	s8 =	sadd.s32 s21, s6  }
0xa4: {  	[timem:s10], [sflag:s22] =	dma.local [hbm:s8], s20  }
0xa5: {  	_ =	swait.ge [sflag:s22], s20  }
0xa6: {  	s7 =	ssub.s32 $0x0, s20;
	[sflag:s22] =	ssyncset.done $0x0  }
0xa7: {  	[sflag:s22] =	ssyncadd.s32 s7;
	_ =	sdelay $0x1  }
0xa8: {  	s23 =	simm.s32 $0x1B8B  }
0xa9: {  	_ =	swait.ge [sflag:s23], $0x1  }
0xaa: {  	[sflag:s23] =	ssyncset.done $0x0  }
0xab: {  	s25 =	simm.s32 $0x1B8E;
	s24 =	sld [smem:$0x3FFE];
	[sflag:s23] =	ssyncadd.s32 $0xFFFFFFFF  }
0xac: {  	s26 =	simm.s32 $execute0_lowered;
	[smem:$0x3FD2] =	sst s25  }
0xad: {  	s8 =	sshll.u32 s26, $0x1;
	_ =	strace $0x80000049;
	[dreg:$0x1] =	wrdreg $0xFFFFFFFF  }
0xae: {  	s28 =	simm.s32 $_size_execute0_lowered;
	s6 =	sadd.s32 s6, s8;
	[dreg:$0x0] =	wrdreg $0x0  }
0xaf: {  	s8 =	sshll.u32 s28, $0x1;
	[dreg:$0x2] =	wrdreg s6  }
0xb0: {  	[dreg:$0x3] =	wrdreg s8  }
0xb1: {  	[dreg:$0x4] =	wrdreg $0xC0  }
0xb2: {  	_ =	task [dreg:s10], $0x5FFFF  }
0xb3: {  	[dreg:$0x1] =	wrdreg $0xFFFFFFFF  }
0xb4: {  	[dreg:$0x0] =	wrdreg $0x60  }
0xb5: {  	[dreg:$0x2] =	wrdreg s18  }
0xb6: {  	[dreg:$0x3] =	wrdreg s16  }
0xb7: {  	[dreg:$0x4] =	wrdreg s24  }
0xb8: {  	[dreg:$0x5] =	wrdreg s17  }
0xb9: {  	[dreg:$0x6] =	wrdreg s5  }
0xba: {  	[dreg:$0x7] =	wrdreg $0x9  }
0xbb: {  	_ =	task.clear_ibuf [dreg:s10], $0x8FFFF;
	_ =	strace $0x90000049  }
0xbc: {  	s29 =	simm.s32 $0x9;
	_ =	strace $0x8000004B  }
0xbd: {  	_ =	swait.ge [sflag:s29], $0x1  }
0xbe: {  	[sflag:s29] =	ssyncadd.s32 $0xFFFFFFFF  }
0xbf: {  	_ =	strace $0x9000004B  }
0xc0: {  	_ =	sfence  }
0xc1: {  	s30 =	sld [smem:$0x0];
	_ =	sdelay $0x2  }
0xc2: {  	s31 =	sshll.u32 s1, $0xD;
	s1 =	sshrl.u32 s1, $0x2  }
0xc3: {  	s3 =	sand.u32 $0x4000, s31;
	s1 =	sadd.s32 s1, s30  }
0xc4: {  	s0 =	sor.u32 s3, s0;
	s1 =	sshll.u32 s1, $0x11  }
0xc5: {  	s0 =	sor.u32 s1, s0  }
0xc6: {  	s0 =	sadd.s32 $0x8F2B, s0  }
0xc7: {  	[sflag:s0] =	ssyncadd.remote.s32 $0x1  }
0xc8: {  	_ =	sfence.sel $0xFFFF  }
0xc9: {  	[dreg:$0x0] =	wrdreg $0xFFFFFFFF;
	(pc) =	sbr.abs _section_cstart, $3  }
0xca: {  	[dreg:$0x1] =	wrdreg $0xFFFFFFFF  }
0xcb: {  	_ =	task.clear_ibuf [dreg:s10], $0x2FFFF;
	_ =	strace $0x9FFFFFFF  }
0xcc: {  	(tm) =	ssettm $0x7FFFFFFF  }
0xcd: {  	_ =	shalt  }
tec
execute0_lowered:
.L_overlay_start_1:
0x0: {  	(tag) =	ssettag $0x1  }
0x1: {  	s1 =	rddreg [dreg:$0x0]  }
0x2: {  	s2 =	rddreg [dreg:$0x1]  }
0x3: {  	s7 =	rddreg [dreg:$0x2]  }
0x4: {  	s3 =	srdreg.scid;
	s4 =	rddreg [dreg:$0x3]  }
0x5: {  	s0 =	stileid.u32;
	s5 =	rddreg [dreg:$0x4];
	s6 =	simm.s32 $0x0;
	v4 =	vimm.s32 $0xEDCBA987  }
0x6: {  	v0 =	vlaneseq.u32;
	v5 =	vimm.s32 $0x65432100;
	s13 =	simm.s32 $0x178C0;
	s14 =	simm.s32 $0x18C78;
	s15 =	simm.s32 $0x4280  }
0x7: {  	v1 =	vimm.s32 $0x0;
	v6 =	vimm.s32 $0xFFEDCBA9;
	v7 =	vimm.s32 $0x87654321;
	s16 =	simm.s32 $0x18E78;
	s8 =	sand.u32 $0x1, s3;
	s29 =	sshll.u32 s0, $0x1  }
0x8: {  	s17 =	simm.s32 $0x19DD8;
	s18 =	simm.s32 $0xDDA0;
	v4 =	vunpack.c.l.s4.s8 v4;
	v5 =	vunpack.c.l.s4.s8 v5;
	v6 =	vunpack.c.l.s4.s8 v6;
	s9 =	sor.u32 s8, s29  }
0x9: {  	s19 =	simm.s32 $0x9B2;
	vm2 =	vcmask $0x3F3C;
	s20 =	simm.s32 $0x182C0;
	s21 =	simm.s32 $0x1;
	v7 =	vunpack.c.l.s4.s8 v7;
	v3 =	vmov s9  }
0xa: {  	s22 =	simm.s32 $0x0;
	[smem:$0x7FF] =	sst s6;
	s10 =	sadd.s32 $0xFFFFFFF0, s9;
	v4 =	vunpack.c.0.s8.s32 v4;
	v5 =	vunpack.c.0.s8.s32 v5;
	v9 =	vunpack.c.0.s8.s32 v6  }
0xb: {  	s7 =	sadd.s32 $0x1A00, s7;
	s31 =	sshll.u32 s0, $0xA;
	s30 =	ssub.s32 $0x2, s8;
	v7 =	vunpack.c.0.s8.s32 v7;
	v6 =	vor.u32 $0x80000000, v0;
	v2 =	vmov s10  }
0xc: {  	_ =	strace $0x8000004A;
	s12 =	sshll.u32 s8, $0x9;
	s11 =	sshrl.u32 s30, $0x1;
	vm1 =	vgt.u32 v3, v0;
	vm0 =	vgt.s32 v2, v0;
	v2 =	vmul.u32 $0x200, v0  }
0xd: {  	s8 =	smul.u32 $0x7B00, s9;
	s10 =	ssub.s32 s30, s11;
	s11 =	simm.s32 $0x2;
	v8 =	vand.u32 $0xF, v4;
	v4 =	vimm.s32 $0x8000;
	v7 =	vcombine.low v7, v9  }
0xe: {  	s9 =	smax.u32 s10, $0x1;
	s10 =	sor.u32 s12, s31;
	s12 =	simm.s32 $0x4000;
	v5 =	vcombine.low v5, v8;
	v8 =	vadd.s32 $0x1, v0;
	v3 =	vor.u32 $0x2000, v2  }
.LBB2_1:
0xf: {  	[tilespmem:s6], [sflag:$0x2] =	stream.linear.gather [hbm4b:s7+s6], $0x4000, $0x38;
	[tilespmem:$0x1AD38] =	vst v63  }
0x10: {  	_ =	swait.ge [sflag:s11], $0x4000  }
0x11: {  	[sflag:s11] =	ssyncset.done $0x0  }
0x12: {  	s23 =	simm.s32 $0x40;
	s24 =	simm.s32 $0x0;
	[sflag:s11] =	ssyncadd.s32 $0xFFFFC000  }
.LBB2_2:
0x13: {  	p0 =	sne.s32 s23, $0x27C0;
	[tilespmem:s24+$0x178C0] =	vst v1;
	s24 =	smov.u32 s23;
	s23 =	sadd.s32 $0x40, s23  }
.Ltmp0:
0x14: {  	(pc) =	sbr.rel @p0 .LBB2_2-.Ltmp0, $2  }
0x15: {  	_ =	sdelay $0x2  }
0x16: {  	s24 =	sshra.s32 s24, $0x2  }
0x17: {  	s25 =	sadd.s32 $0x0, s10;
	s23 =	simm.s32 $0x0  }
0x18: {  	v10 =	vmov s25;
	v9 =	vmov s23  }
0x19: {  	v11 =	vor.u32 s23, v2  }
0x1a: {  	v12 =	vor.u32 s23, v3;
	_ =	sdelay $0x1  }
0x1b: {  	[tilespmem:s24+$0x178C0] =	vst v1;
	v13 =	vmov s23  }
0x1c: {  	v10 =	vld.idx.msk [tilespmem:v10+s23+$0x0], $0xffff;
	[tilespmem:v9+s12+$0x0] =	vst.idx.msk $0x1, v13  }
0x1d: {  	v11 =	vld.idx.msk [tilespmem:v11+s23+$0x0], $0xffff  }
0x1e: {  	v12 =	vld.idx.msk [tilespmem:v12+s23+$0x0], $0xffff;
	_ =	sdelay $0x2  }
0x1f: {  	v10 =	vxor.u32 $0x80000000, v10  }
0x20: {  	(xrf0) =	vmax.scan.msk.u32 $0xffff, v10;
	v10 =	vadd.s32 $0xF, v11  }
0x21: {  	v11 =	vadd.s32 $0xF, v12;
	v10 =	vand.u32 $0xFFFFFFF0, v10  }
0x22: {  	v11 =	vand.u32 $0xFFFFFFF0, v11;
	v12 =	vnsel vm1, $0x0, v10;
	(xrf0) =	vadd.scan.msk.s32 $0xffff, v10  }
0x23: {  	v10 =	vnsel vm0, $0x0, v11;
	(xrf0) =	vadd.scan.msk.s32 $0xffff, v12  }
0x24: {  	(xrf0) =	vadd.scan.msk.s32 $0xffff, v10;
	_ =	sdelay $0x1  }
0x25: {  	v10, _, _ =	vpop (xrf0);
	(xrf0) =	vadd.scan.msk.s32 $0xffff, v11;
	_ =	sdelay $0x1  }
0x26: {  	(v2sf) =	vpush v10, $0xF;
	v10, _, _ =	vpop (xrf0)  }
0x27: {  	v11, _, _ =	vpop (xrf0);
	(v2sf) =	vpush v10, $0xF  }
0x28: {  	(v2sf) =	vpush v11, $0xF;
	v10, _, _ =	vpop (xrf0)  }
0x29: {  	(v2sf) =	vpush v10, $0xF  }
0x2a: {  	v10, _, _ =	vpop (xrf0)  }
0x2b: {  	(v2sf) =	vpush v10, $0xF;
	_ =	sdelay $0x7  }
0x2c: {  	s26 =	simm.s32 $0x0  }
0x2d: {  	v10 =	vmov s26  }
0x2e: {  	v11 =	vbroadcast v10, $0x0;
	s29 =	spop (v2sf)  }
0x2f: {  	s24 =	sadd.s32 $0x8000000F, s29;
	s26 =	spop (v2sf)  }
0x30: {  	s28 =	sadd.s32 $0x1, s10;
	s24 =	sand.u32 $0xFFFFFFF0, s24;
	s30 =	spop (v2sf)  }
0x31: {  	v12 =	vmov s28;
	s24 =	sadd.s32 $0x0, s24;
	s29 =	sadd.s32 $0x0, s30;
	s30 =	spop (v2sf)  }
0x32: {  	s25 =	simm.s32 $0x1;
	s28 =	sshrl.u32 s24, $0x4;
	s29 =	sadd.s32 s30, s29  }
0x33: {  	v14 =	vor.u32 s25, v3;
	v13 =	vor.u32 s25, v2;
	s26 =	sadd.s32 $0x0, s26;
	v15 =	vmov s28;
	s31 =	spop (v2sf);
	s29 =	sshrl.u32 s29, $0x4  }
0x34: {  	v10 =	vmov s25;
	[tilespmem:v11+s13+$0x0] =	vst.idx.msk $0x1, v9;
	s28 =	simm.s32 $0x2;
	v11 =	vbroadcast v15, $0x0;
	s26 =	sadd.s32 s31, s26;
	v15 =	vmov s29  }
.LBB2_4:
0x35: {  	p0 =	sne.s32 s28, $0x1FF;
	[tilespmem:v9+s14+$0x0] =	vst.idx.msk $0x1, v15;
	v9 =	vmov v10;
	s29 =	smov.u32 s28;
	s28 =	sadd.s32 $0x1, s28  }
0x36: {  	v15 =	vmov s24;
	v12 =	vld.idx.msk [tilespmem:v12+s23+$0x0], $0xffff  }
0x37: {  	[tilespmem:v10+s12+$0x0] =	vst.idx.msk $0x1, v15  }
0x38: {  	v10 =	vld.idx.msk [tilespmem:v13+s23+$0x0], $0xffff  }
0x39: {  	v13 =	vld.idx.msk [tilespmem:v14+s23+$0x0], $0xffff  }
0x3a: {  	[tilespmem:v11+s13+$0x0] =	vst.idx.msk $0x1, v9;
	_ =	sdelay $0x1  }
0x3b: {  	v11 =	vxor.u32 $0x80000000, v12  }
0x3c: {  	(xrf0) =	vmax.scan.msk.u32 $0xffff, v11  }
0x3d: {  	v10 =	vadd.s32 $0xF, v10  }
0x3e: {  	v10 =	vand.u32 $0xFFFFFFF0, v10;
	v11 =	vadd.s32 $0xF, v13  }
0x3f: {  	v11 =	vand.u32 $0xFFFFFFF0, v11;
	v12 =	vnsel vm1, $0x0, v10;
	(xrf0) =	vadd.scan.msk.s32 $0xffff, v10  }
0x40: {  	v13 =	vnsel vm0, $0x0, v11;
	(xrf0) =	vadd.scan.msk.s32 $0xffff, v12  }
0x41: {  	(xrf0) =	vadd.scan.msk.s32 $0xffff, v13  }
0x42: {  	v10, _, _ =	vpop (xrf0);
	(xrf0) =	vadd.scan.msk.s32 $0xffff, v11  }
0x43: {  	(v2sf) =	vpush v10, $0xF;
	_ =	sdelay $0x1  }
0x44: {  	v10, _, _ =	vpop (xrf0)  }
0x45: {  	v11, _, _ =	vpop (xrf0);
	(v2sf) =	vpush v10, $0xF  }
0x46: {  	(v2sf) =	vpush v11, $0xF;
	v10, _, _ =	vpop (xrf0)  }
0x47: {  	(v2sf) =	vpush v10, $0xF;
	v10, _, _ =	vpop (xrf0)  }
0x48: {  	(v2sf) =	vpush v10, $0xF;
	_ =	sdelay $0x8  }
0x49: {  	s30 =	spop (v2sf)  }
0x4a: {  	s30 =	sadd.s32 $0x8000000F, s30  }
0x4b: {  	s30 =	sand.u32 $0xFFFFFFF0, s30  }
0x4c: {  	s31 =	ssub.s32 s26, s24;
	s24 =	sadd.s32 s24, s30;
	s30 =	spop (v2sf)  }
.Ltmp1:
0x4d: {  	s3 =	sadd.s32 s29, s10;
	s0 =	spop (v2sf);
	(pc) =	sbr.rel @p0 .LBB2_4-.Ltmp1, $4  }
0x4e: {  	v12 =	vmov s3;
	s3 =	sadd.s32 s26, s30;
	s0 =	sadd.s32 s0, s31;
	s26 =	spop (v2sf)  }
0x4f: {  	v10 =	vmov s29;
	s30 =	sshrl.u32 s24, $0x4;
	s0 =	sadd.s32 s26, s0;
	s26 =	spop (v2sf)  }
0x50: {  	v13 =	vor.u32 s29, v2;
	v11 =	vmov s30;
	s0 =	sshrl.u32 s0, $0x4;
	s26 =	sadd.s32 s26, s3  }
0x51: {  	v14 =	vor.u32 s29, v3;
	v11 =	vbroadcast v11, $0x0;
	v15 =	vmov s0  }
0x52: {  	_ =	sdelay $0x3  }
0x53: {  	[tilespmem:v9+s14+$0x0] =	vst.idx.msk $0x1, v15;
	v59 =	vmov s24  }
0x54: {  	v9 =	vld.idx.msk [tilespmem:v12+s23+$0x0], $0xffff;
	[tilespmem:v10+s12+$0x0] =	vst.idx.msk $0x1, v59  }
0x55: {  	v12 =	vld.idx.msk [tilespmem:v13+s23+$0x0], $0xffff  }
0x56: {  	v60 =	vld.idx.msk [tilespmem:v14+s23+$0x0], $0xffff;
	_ =	sdelay $0x3  }
0x57: {  	v9 =	vxor.u32 $0x80000000, v9;
	v12 =	vadd.s32 $0xF, v12  }
0x58: {  	(xrf0) =	vmax.scan.msk.u32 $0xffff, v9;
	v61 =	vadd.s32 $0xF, v60;
	v9 =	vand.u32 $0xFFFFFFF0, v12  }
0x59: {  	v12 =	vand.u32 $0xFFFFFFF0, v61;
	v62 =	vnsel vm1, $0x0, v9;
	(xrf0) =	vadd.scan.msk.s32 $0xffff, v9  }
0x5a: {  	v9 =	vnsel vm0, $0x0, v12;
	(xrf0) =	vadd.scan.msk.s32 $0xffff, v62  }
0x5b: {  	(xrf0) =	vadd.scan.msk.s32 $0xffff, v9;
	_ =	sdelay $0x2  }
0x5c: {  	v9, _, _ =	vpop (xrf0)  }
0x5d: {  	(v2sf) =	vpush v9, $0xF;
	v9, _, _ =	vpop (xrf0)  }
0x5e: {  	v63, _, _ =	vpop (xrf0);
	(v2sf) =	vpush v9, $0xF  }
0x5f: {  	(v2sf) =	vpush v63, $0xF;
	v9, _, _ =	vpop (xrf0)  }
0x60: {  	(v2sf) =	vpush v9, $0xF  }
0x61: {  	(xrf0) =	vadd.scan.msk.s32 $0xffff, v12;
	_ =	sdelay $0x5  }
0x62: {  	v9, _, _ =	vpop (xrf0)  }
0x63: {  	(v2sf) =	vpush v9, $0xF;
	_ =	sdelay $0x3  }
0x64: {  	s0 =	spop (v2sf)  }
0x65: {  	s3 =	spop (v2sf)  }
0x66: {  	s3 =	ssub.s32 s26, s24;
	s28 =	spop (v2sf)  }
0x67: {  	s3 =	sadd.s32 s28, s3;
	s29 =	spop (v2sf)  }
0x68: {  	s3 =	sadd.s32 s29, s3  }
0x69: {  	s3 =	sshrl.u32 s3, $0x4  }
0x6a: {  	s30 =	simm.s32 $0x0;
	[tilespmem:v11+s13+$0x0] =	vst.idx.msk $0x1, v10;
	v9 =	vmov s3  }
0x6b: {  	[tilespmem:v10+s14+$0x0] =	vst.idx.msk $0x1, v9;
	v9 =	vor.u32 s30, v0;
	_ =	sdelay $0x1  }
0x6c: {  	s0 =	sadd.s32 $0x8000000F, s0  }
0x6d: {  	s0 =	sand.u32 $0xFFFFFFF0, s0  }
0x6e: {  	s23 =	sadd.s32 s24, s0;
	s31 =	spop (v2sf)  }
.LBB2_6:
0x6f: {  	s0 =	sshll.u32 s25, $0x4;
	p0 =	sne.s32 s25, $0x9B1;
	s25 =	sadd.s32 $0x1, s25;
	[tilespmem:v9+s15+$0x0] =	vst.idx.msk $0xffff, v4  }
.Ltmp2:
0x70: {  	v9 =	vor.u32 s0, v0;
	(pc) =	sbr.rel @p0 .LBB2_6-.Ltmp2, $2  }
0x71: {  	_ =	sdelay $0x2  }
0x72: {  	s24 =	simm.s32 $0x0  }
0x73: {  	_ =	sdelay $0x3  }
0x74: {  	[tilespmem:v9+s15+$0x0] =	vst.idx.msk $0xffff, v4;
	s25 =	simm.s32 $0x0  }
.LBB2_8:
0x75: {  	s0 =	smul.u32 $0xF60, s25;
	_ =	sdelay $0x1  }
0x76: {  	s0 =	sadd.s32 s8, s0  }
0x77: {  	s0 =	sshrl.u32 s0, $0x3  }
0x78: {  	s3 =	sadd.s32 s1, s0  }
0x79: {  	[tilespmem:s16], [sflag:$0x2] =	stream.linear.gather [hbm4b:s3+s24], $0xF60, $0x38;
	[tilespmem:$0x1AD38] =	vst v63  }
0x7a: {  	_ =	swait.ge [sflag:s11], $0xF60  }
0x7b: {  	[sflag:s11] =	ssyncset.done $0x0  }
0x7c: {  	s0 =	sadd.s32 s2, s0;
	[sflag:s11] =	ssyncadd.s32 $0xFFFFF0A0  }
0x7d: {  	[tilespmem:s17], [sflag:$0x2] =	stream.linear.gather [hbm4b:s0+s24], $0xF60, $0x38;
	[tilespmem:$0x1AD38] =	vst v63  }
0x7e: {  	_ =	swait.ge [sflag:s11], $0xF60  }
0x7f: {  	[sflag:s11] =	ssyncset.done $0x0  }
0x80: {  	s31 =	simm.s32 $0x0;
	[sflag:s11] =	ssyncadd.s32 $0xFFFFF0A0  }
0x81: {  	v10 =	vld [tilespmem:s31+$0x18E78];
	_ =	sdelay $0x4  }
0x82: {  	v9 =	vshrl.u32 v10, $0xB  }
0x83: {  	v9 =	vand.u32 $0x1FFFF0, v9  }
0x84: {  	v9 =	vor.u32 v6, v9  }
0x85: {  	(xrf1) =	vsort.ascd.msk.u32 $0xffff, v9, v0;
	_ =	sdelay $0xd  }
0x86: {  	v9, v11, _ =	vpop (xrf1)  }
0x87: {  	v9 =	vxor.u32 $0x80000000, v9  }
0x88: {  	v12 =	vshrl.u32 v9, $0x4  }
0x89: {  	v13 =	vperm.xlane v12, v5;
	_ =	sdelay $0x1  }
0x8a: {  	vm3 =	veq.s32 v12, v13  }
0x8b: {  	v13 =	vsel vm3, $0x80000000, v6  }
0x8c: {  	(xrf0) =	vmax.scan.msk.u32 $0xffff, v13  }
0x8d: {  	v61 =	vperm.xlane v12, v7;
	_ =	sdelay $0x1  }
0x8e: {  	vm3 =	vne.s32 v12, v61;
	v62 =	vld.idx.msk [tilespmem:v12+s12+$0x0], $0xffff  }
0x8f: {  	vm3 =	vmor vm3, vm2;
	_ =	sdelay $0x1  }
0x90: {  	v14, _, _ =	vpop (xrf0)  }
0x91: {  	v14 =	vxor.u32 $0x80000000, v14  }
0x92: {  	v13 =	vsub.s32 v62, v14  }
0x93: {  	v14 =	vadd.s32 v8, v13  }
0x94: {  	v13 =	vadd.s32 v0, v13;
	[tilespmem:v12+s12+$0x0] =	vst.idx.msk vm3, v14;
	vm3 =	vlt.s32 v9, $0x2000  }
0x95: {  	v63 =	vshrl.u32 v11, $0x1B;
	v14 =	vld [tilespmem:s31+$0x19DD8];
	v9 =	vnsel vm3, $0x0, v13  }
0x96: {  	v12 =	vand.u32 $0x10, v63  }
0x97: {  	v10 =	vand.u32 $0x7FFF, v10;
	v11 =	vadd.s32 v11, v12  }
0x98: {  	v12 =	vperm.xlane v10, v11;
	_ =	sdelay $0x1  }
0x99: {  	s26 =	simm.s32 $0x40;
	s28 =	simm.s32 $0x80;
	v10 =	vperm.xlane v14, v11;
	[tilespmem:v9+s15+$0x0] =	vst.idx.msk vm3, v12  }
.LBB2_9:
0x9a: {  	p0 =	sne.s32 s28, $0x3D40  }
0x9b: {  	s29 =	sshra.s32 s26, $0x2;
	[tilespmem:v9+s18+$0x0] =	vst.idx.msk vm3, v10;
	s26 =	smov.u32 s28;
	s28 =	sadd.s32 $0x40, s28  }
0x9c: {  	v10 =	vld [tilespmem:s29+$0x18E78];
	_ =	sdelay $0x4  }
0x9d: {  	v9 =	vshrl.u32 v10, $0xB  }
0x9e: {  	v9 =	vand.u32 $0x1FFFF0, v9  }
0x9f: {  	v9 =	vor.u32 v6, v9  }
0xa0: {  	(xrf1) =	vsort.ascd.msk.u32 $0xffff, v9, v0;
	_ =	sdelay $0xd  }
0xa1: {  	v9, v11, _ =	vpop (xrf1)  }
0xa2: {  	v9 =	vxor.u32 $0x80000000, v9;
	v12 =	vshrl.u32 v11, $0x1B  }
0xa3: {  	v13 =	vshrl.u32 v9, $0x4;
	v12 =	vand.u32 $0x10, v12  }
0xa4: {  	v14 =	vperm.xlane v13, v5;
	v15 =	vperm.xlane v13, v7;
	v11 =	vadd.s32 v11, v12;
	_ =	sdelay $0x1  }
0xa5: {  	vm3 =	veq.s32 v13, v14;
	vm4 =	vne.s32 v13, v15  }
0xa6: {  	v12 =	vsel vm3, $0x80000000, v6  }
0xa7: {  	(xrf0) =	vmax.scan.msk.u32 $0xffff, v12;
	_ =	sdelay $0x1  }
0xa8: {  	v12 =	vld.idx.msk [tilespmem:v13+s12+$0x0], $0xffff;
	_ =	sdelay $0x1  }
0xa9: {  	vm3 =	vmor vm4, vm2;
	_ =	sdelay $0x1  }
0xaa: {  	v14, _, _ =	vpop (xrf0)  }
0xab: {  	v14 =	vxor.u32 $0x80000000, v14  }
0xac: {  	v12 =	vsub.s32 v12, v14  }
0xad: {  	v14 =	vadd.s32 v0, v12;
	v12 =	vadd.s32 v8, v12  }
0xae: {  	[tilespmem:v13+s12+$0x0] =	vst.idx.msk vm3, v12  }
0xaf: {  	vm3 =	vlt.s32 v9, $0x2000;
	v12 =	vld [tilespmem:s29+$0x19DD8]  }
0xb0: {  	v9 =	vnsel vm3, $0x0, v14  }
.Ltmp3:
0xb1: {  	(pc) =	sbr.rel @p0 .LBB2_9-.Ltmp3, $4  }
0xb2: {  	v10 =	vand.u32 $0x7FFF, v10  }
0xb3: {  	v13 =	vperm.xlane v10, v11  }
0xb4: {  	v10 =	vperm.xlane v12, v11  }
0xb5: {  	[tilespmem:v9+s15+$0x0] =	vst.idx.msk vm3, v13  }
0xb6: {  	_ =	sdelay $0x4  }
0xb7: {  	s0 =	sshra.s32 s26, $0x2;
	[tilespmem:v9+s18+$0x0] =	vst.idx.msk vm3, v10  }
0xb8: {  	v9 =	vld [tilespmem:s0+$0x18E78];
	_ =	sdelay $0x4  }
0xb9: {  	v10 =	vshrl.u32 v9, $0xB  }
0xba: {  	v10 =	vand.u32 $0x1FFFF0, v10  }
0xbb: {  	v10 =	vor.u32 v6, v10  }
0xbc: {  	(xrf1) =	vsort.ascd.msk.u32 $0xffff, v10, v0;
	_ =	sdelay $0xd  }
0xbd: {  	v10, v11, _ =	vpop (xrf1)  }
0xbe: {  	v10 =	vxor.u32 $0x80000000, v10  }
0xbf: {  	v12 =	vshrl.u32 v10, $0x4  }
0xc0: {  	v13 =	vperm.xlane v12, v5;
	_ =	sdelay $0x1  }
0xc1: {  	vm3 =	veq.s32 v12, v13  }
0xc2: {  	v13 =	vsel vm3, $0x80000000, v6  }
0xc3: {  	(xrf0) =	vmax.scan.msk.u32 $0xffff, v13  }
0xc4: {  	v60 =	vperm.xlane v12, v7;
	_ =	sdelay $0x1  }
0xc5: {  	vm3 =	vne.s32 v12, v60;
	v61 =	vld.idx.msk [tilespmem:v12+s12+$0x0], $0xffff  }
0xc6: {  	vm3 =	vmor vm3, vm2;
	_ =	sdelay $0x1  }
0xc7: {  	v14, _, _ =	vpop (xrf0)  }
0xc8: {  	v14 =	vxor.u32 $0x80000000, v14  }
0xc9: {  	v13 =	vsub.s32 v61, v14  }
0xca: {  	v14 =	vadd.s32 v8, v13  }
0xcb: {  	[tilespmem:v12+s12+$0x0] =	vst.idx.msk vm3, v14  }
0xcc: {  	v62 =	vadd.s32 v0, v13;
	vm3 =	vlt.s32 v10, $0x2000;
	v63 =	vld [tilespmem:s0+$0x19DD8]  }
0xcd: {  	s25 =	sadd.s32 $0x1, s25;
	v10 =	vshrl.u32 v11, $0x1B;
	v12 =	vnsel vm3, $0x0, v62  }
0xce: {  	p0 =	sne.s32 s25, $0x8;
	v10 =	vand.u32 $0x10, v10  }
.Ltmp4:
0xcf: {  	v9 =	vand.u32 $0x7FFF, v9;
	v10 =	vadd.s32 v11, v10;
	(pc) =	sbr.rel @p0 .LBB2_8-.Ltmp4, $4  }
0xd0: {  	v9 =	vperm.xlane v9, v10  }
0xd1: {  	v10 =	vperm.xlane v63, v10  }
0xd2: {  	[tilespmem:v12+s15+$0x0] =	vst.idx.msk vm3, v9  }
0xd3: {  	[tilespmem:v12+s18+$0x0] =	vst.idx.msk vm3, v10  }
0xd4: {  	s0 =	simm.s32 $0x178C0  }
0xd5: {  	v9 =	vld [tilespmem:s0+$0x0];
	_ =	sdelay $0x4  }
0xd6: {  	v9 =	vxor.u32 $0x80000000, v9  }
0xd7: {  	(xrf0) =	vmax.scan.msk.u32 $0xffff, v9;
	_ =	sdelay $0x5  }
0xd8: {  	v9, _, _ =	vpop (xrf0)  }
0xd9: {  	s30 =	simm.s32 $0x0;
	v9 =	vxor.u32 $0x80000000, v9  }
0xda: {  	vm3 =	vgt.s32 v9, s30  }
0xdb: {  	v9 =	vnsel vm3, s30, v9;
	_ =	sdelay $0x1  }
0xdc: {  	v10 =	vxor.u32 $0x80000000, v9  }
0xdd: {  	(xrf0) =	vmax.scan.msk.u32 $0xffff, v10;
	_ =	sdelay $0x1  }
0xde: {  	v10 =	vld.idx.msk [tilespmem:v9+s14+$0x0], $0xffff;
	_ =	sdelay $0x2  }
0xdf: {  	s3 =	sshrl.u32 s23, $0x4  }
0xe0: {  	v12 =	vor.u32 s30, v0;
	v9 =	vmov s3;
	v11, _, _ =	vpop (xrf0)  }
0xe1: {  	vm3 =	vlt.u32 v12, v9;
	(v2sf) =	vpush v11, $0xF;
	v10 =	vadd.s32 v12, v10  }
0xe2: {  	s24 =	simm.s32 $0x182C0;
	v10 =	vnsel vm3, $0x13701, v10  }
0xe3: {  	s25 =	simm.s32 $0x178D0;
	[tilespmem:s24+$0x0] =	vst v10  }
0xe4: {  	v10 =	vld [tilespmem:s25+$0x0];
	_ =	sdelay $0x4  }
0xe5: {  	v10 =	vxor.u32 $0x80000000, v10  }
0xe6: {  	(xrf0) =	vmax.scan.msk.u32 $0xffff, v10;
	_ =	sdelay $0x5  }
0xe7: {  	s31 =	spop (v2sf);
	v10, _, _ =	vpop (xrf0)  }
0xe8: {  	s0 =	sxor.u32 $0x80000000, s31;
	v10 =	vxor.u32 $0x80000000, v10  }
0xe9: {  	vm3 =	vgt.s32 v10, s0  }
0xea: {  	v10 =	vnsel vm3, s0, v10  }
0xeb: {  	v11 =	vxor.u32 $0x80000000, v10  }
0xec: {  	s26 =	simm.s32 $0x10;
	s23 =	simm.s32 $0x20;
	s28 =	simm.s32 $0x30;
	(xrf0) =	vmax.scan.msk.u32 $0xffff, v11  }
.LBB2_12:
0xed: {  	p0 =	sne.s32 s28, $0x9B0;
	_ =	sdelay $0x1  }
0xee: {  	v10 =	vld.idx.msk [tilespmem:v10+s14+$0x0], $0xffff;
	_ =	sdelay $0x2  }
0xef: {  	v11, _, _ =	vpop (xrf0)  }
0xf0: {  	(v2sf) =	vpush v11, $0xF  }
0xf1: {  	v11 =	vor.u32 s26, v0;
	s26 =	smov.u32 s23;
	s23 =	smov.u32 s28  }
0xf2: {  	vm3 =	vlt.u32 v11, v9;
	v10 =	vadd.s32 v11, v10  }
0xf3: {  	s24 =	sadd.s32 $0x10, s24;
	v10 =	vnsel vm3, $0x13701, v10  }
0xf4: {  	s25 =	sadd.s32 $0x10, s25;
	[tilespmem:s24+$0x0] =	vst v10  }
0xf5: {  	v10 =	vld [tilespmem:s25+$0x0];
	_ =	sdelay $0x4  }
0xf6: {  	v10 =	vxor.u32 $0x80000000, v10  }
0xf7: {  	(xrf0) =	vmax.scan.msk.u32 $0xffff, v10;
	_ =	sdelay $0x3  }
0xf8: {  	s0 =	spop (v2sf)  }
0xf9: {  	s0 =	sxor.u32 $0x80000000, s0  }
0xfa: {  	v10, _, _ =	vpop (xrf0)  }
.Ltmp5:
0xfb: {  	v10 =	vxor.u32 $0x80000000, v10;
	(pc) =	sbr.rel @p0 .LBB2_12-.Ltmp5, $4  }
0xfc: {  	vm3 =	vgt.s32 v10, s0  }
0xfd: {  	v10 =	vnsel vm3, s0, v10  }
0xfe: {  	v11 =	vxor.u32 $0x80000000, v10  }
0xff: {  	s28 =	sadd.s32 $0x10, s28;
	(xrf0) =	vmax.scan.msk.u32 $0xffff, v11  }
0x100: {  	_ =	sdelay $0x3  }
0x101: {  	v10 =	vld.idx.msk [tilespmem:v10+s14+$0x0], $0xffff;
	_ =	sdelay $0x3  }
0x102: {  	v12 =	vor.u32 s26, v0;
	v11, _, _ =	vpop (xrf0)  }
0x103: {  	vm3 =	vlt.u32 v12, v9;
	v10 =	vadd.s32 v12, v10;
	(v2sf) =	vpush v11, $0xF  }
0x104: {  	s0 =	sadd.s32 $0x10, s24;
	v10 =	vnsel vm3, $0x13701, v10  }
0x105: {  	s3 =	sadd.s32 $0x10, s25;
	[tilespmem:s0+$0x0] =	vst v10  }
0x106: {  	v10 =	vld [tilespmem:s3+$0x0];
	_ =	sdelay $0x4  }
0x107: {  	v10 =	vxor.u32 $0x80000000, v10  }
0x108: {  	(xrf0) =	vmax.scan.msk.u32 $0xffff, v10;
	_ =	sdelay $0x5  }
0x109: {  	v10, _, _ =	vpop (xrf0);
	s30 =	spop (v2sf)  }
0x10a: {  	v10 =	vxor.u32 $0x80000000, v10;
	s3 =	sxor.u32 $0x80000000, s30  }
0x10b: {  	vm3 =	vgt.s32 v10, s3  }
0x10c: {  	v10 =	vnsel vm3, s3, v10  }
0x10d: {  	v11 =	vxor.u32 $0x80000000, v10  }
0x10e: {  	(xrf0) =	vmax.scan.msk.u32 $0xffff, v11;
	_ =	sdelay $0x5  }
0x10f: {  	v11, _, _ =	vpop (xrf0)  }
0x110: {  	(v2sf) =	vpush v11, $0xF;
	_ =	sdelay $0x3  }
0x111: {  	v10 =	vld.idx.msk [tilespmem:v10+s14+$0x0], $0xffff;
	_ =	sdelay $0x3  }
0x112: {  	v11 =	vor.u32 s23, v0  }
0x113: {  	vm3 =	vlt.u32 v11, v9;
	v9 =	vadd.s32 v11, v10  }
0x114: {  	s0 =	sadd.s32 $0x10, s0;
	v9 =	vnsel vm3, $0x13701, v9  }
0x115: {  	[tilespmem:s0+$0x0] =	vst v9  }
0x116: {  	[hbm4b:s4+s19] =	stream.indirect.scatter [tilespmem:s15], [sflag:$0x1], $0x10, s20, s19, $0xb8;
	[tilespmem:$0x1AD38] =	vst v63  }
0x117: {  	_ = 	snop  }
0x118: {  	[hbm4b:s5+s19] =	stream.indirect.scatter [tilespmem:s18], [sflag:$0x1], $0x10, s20, s19, $0xb8;
	[tilespmem:$0x1AD38] =	vst v63  }
0x119: {  	s22 =	sadd.s32 $0x1, s22;
	s31 =	spop (v2sf)  }
0x11a: {  	p0 =	sne.s32 s22, s9;
	_ =	swait.ge [sflag:s21], $0x9B20  }
.Ltmp6:
0x11b: {  	[sflag:s21] =	ssyncset.done $0x0;
	(pc) =	sbr.rel @p0 .LBB2_1-.Ltmp6, $4  }
0x11c: {  	[sflag:s21] =	ssyncadd.s32 $0xFFFF64E0  }
0x11d: {  	_ =	swait.ge [sflag:s21], $0x9B20  }
0x11e: {  	[sflag:s21] =	ssyncset.done $0x0  }
0x11f: {  	[sflag:s21] =	ssyncadd.s32 $0xFFFF64E0  }
0x120: {  	_ =	sfence.sel $0x180000  }
0x121: {  	[bflag:$0x0] =	sbarrier.arrive $0xFFFF  }
0x122: {  	_ =	strace $0x9000004A  }
0x123: {  	s0 =	stileid.u32;
	[bflag:$0x2] =	sbarrier.arrive $0xFFFF  }
0x124: {  	p0 =	sne.s32 s0, $0x0;
	s0 =	rddreg [dreg:$0x5]  }
0x125: {  	s0 =	sadd.s32 @!p0 $0x100000, s0  }
0x126: {  	[sflag:s0] =	ssyncadd.tile.s32 @!p0 $0x1;
	_ =	shalt  }
.Lfunc_end2:
_tile_overlayer_lowered:
.L_overlay_start_2:
0x127: {  	(tag) =	ssettag $0x2  }
0x128: {  	s0 =	rddreg [dreg:$0x0];
	s2 =	stileid.u32  }
0x129: {  	s1 =	rddreg [dreg:$0x1];
	p0 =	sne.s32 s2, $0x0  }
0x12a: {  	s3 =	rddreg [dreg:$0x2];
	[bflag:$0x3] =	sbarrier.arrive $0xFFFF;
	s2 =	simm.s32 @!p0 $0x1C02  }
0x12b: {  	[timem:s3], [sflag:s2] =	dma.local @!p0 [hbm:s0], s1  }
0x12c: {  	s0 =	simm.s32 @!p0 $0x2  }
0x12d: {  	_ =	swait.ge @!p0 [sflag:s0], s1  }
0x12e: {  	s1 =	ssub.s32 @!p0 $0x0, s1;
	[sflag:s0] =	ssyncset.done @!p0 $0x0  }
0x12f: {  	[sflag:s0] =	ssyncadd.s32 @!p0 s1  }
0x130: {  	[bflag:$0x3] =	sbarrier.arrive $0xFFFF  }
0x131: {  	_ =	shalt  }

</sc_bundles>
